<compile_context>
chip_gen: v7x
topology: tpu7x:2x2x1
jax: 0.10.2.dev20260603
libtpu: 0.0.44.dev20260713+nightly
codegen_flags: <defaults>
</compile_context>

<pallas_src>
import jax
import jax.numpy as jnp
from jax import lax
from jax.experimental import pallas as pl
from jax.experimental.pallas import tpu as pltpu
from jax.experimental.pallas import tpu_sc as plsc

MAX_DEGREE = 256
NODE_DIM = 128
CPE_DIM = 64
N_NODES = 10000
N_EDGES = 320000

NC = 2
NS = 16
L = 16

EDGES_PER_TILE = N_EDGES // NS
NODES_PER_SC = N_NODES // NC
CHUNK = 320
BSTEP = 312
GCH = 80
SB = 25


def _body(edge_hbm, z_hbm, cpe_hbm,
          edge_v, hist_v, shared_hist, red_v, deg_v, cpe_v, sem_r, sem_g):
  c = lax.axis_index("c")
  s = lax.axis_index("s")
  gbase = c * NODES_PER_SC + s * BSTEP

  edge_load = pltpu.async_copy(
      edge_hbm.at[pl.ds(s * EDGES_PER_TILE, EDGES_PER_TILE)], edge_v, sem_g)

  zeros16 = jnp.zeros((L,), jnp.int32)

  def zero_body(i, _):
    hist_v[pl.ds(i * L, L)] = zeros16
    return 0
  lax.fori_loop(0, N_NODES // L, zero_body, 0, unroll=8)

  edge_load.wait()
  ones16 = jnp.ones((L,), jnp.int32)

  def scat_body(i, _):
    evs = [edge_v[pl.ds((i * SB + b) * L, L)] for b in range(SB)]
    for ev in evs:
      plsc.addupdate_scatter(hist_v, [ev], ones16)
    return 0
  lax.fori_loop(0, EDGES_PER_TILE // (L * SB), scat_body, 0)

  pltpu.sync_copy(hist_v, shared_hist.at[pl.ds(s * N_NODES, N_NODES)])
  plsc.subcore_barrier()

  red_reads = []
  for r in range(NS):
    red_reads.append(pltpu.async_copy(
        shared_hist.at[pl.ds(r * N_NODES + gbase, CHUNK)],
        red_v.at[pl.ds(r * CHUNK, CHUNK)], sem_r))
  for cp in red_reads:
    cp.wait()

  maxd = jnp.full((L,), MAX_DEGREE, jnp.int32)
  for k in range(CHUNK // GCH):
    for m in range(GCH // L):
      off = k * GCH + m * L
      acc = red_v[pl.ds(off, L)]
      for r in range(1, NS):
        acc = acc + red_v[pl.ds(r * CHUNK + off, L)]
      deg_v[k, pl.ds(m * L, L)] = jnp.minimum(acc, maxd)

  gathers = []
  for k in range(CHUNK // GCH):
    gathers.append(pltpu.async_copy(
        z_hbm.at[deg_v.at[k]], cpe_v.at[pl.ds(k * GCH, GCH)], sem_g))
  for cp in gathers:
    cp.wait()

  pltpu.sync_copy(cpe_v, cpe_hbm.at[pl.ds(gbase, CHUNK), :])


@jax.jit
def kernel(x, edge_index, z):
  edge_flat = edge_index.astype(jnp.int32).reshape(-1)
  mesh = plsc.VectorSubcoreMesh(core_axis_name="c", subcore_axis_name="s",
                                num_cores=NC, num_subcores=NS)
  f = pl.kernel(
      _body,
      out_type=jax.ShapeDtypeStruct((N_NODES, CPE_DIM), jnp.float32),
      mesh=mesh,
      compiler_params=pltpu.CompilerParams(needs_layout_passes=False,
                                           use_tc_tiling_on_sc=False),
      scratch_types=[
          pltpu.VMEM((EDGES_PER_TILE,), jnp.int32),
          pltpu.VMEM((N_NODES,), jnp.int32),
          pltpu.VMEM_SHARED((NS * N_NODES,), jnp.int32),
          pltpu.VMEM((NS * CHUNK,), jnp.int32),
          pltpu.VMEM((CHUNK // GCH, GCH), jnp.int32),
          pltpu.VMEM((CHUNK, CPE_DIM), jnp.float32),
          pltpu.SemaphoreType.DMA,
          pltpu.SemaphoreType.DMA,
      ],
  )
  cpe = f(edge_flat, z)
  return jnp.concatenate((x, cpe), axis=1)

# --- scband reference (transcript-rebuilt; emitter-appended) ---
"""Pipeline reference for scband-centrality-encoding-concat-9861244912168 (READ-ONLY COPY).

The authoritative reference and input builder live on the scoring server;
editing this copy changes nothing except your own understanding.
"""

import jax, jax.numpy as jnp
import numpy as np

MAX_DEGREE = 256
NODE_DIM = 128
CPE_DIM = 64
N_NODES = 10000
N_EDGES = 320000


def setup_inputs(seed: int = 0) -> dict:
    key = jax.random.key(seed)
    k1, k2, k3 = jax.random.split(key, 3)
    x = jax.random.normal(k1, (N_NODES, NODE_DIM), dtype=jnp.float32)
    edge_index = jax.random.randint(k2, (2, N_EDGES), 0, N_NODES)
    z = jax.random.normal(k3, (MAX_DEGREE + 1, CPE_DIM), dtype=jnp.float32)
    return {"x": x, "edge_index": edge_index, "z": z}


def reference(x, edge_index, z):
    num_nodes = x.shape[0]
    # degree(index=edge_index[0], num_nodes) -> scatter-add of ones
    deg = jnp.zeros((num_nodes,), dtype=jnp.int32).at[edge_index[0]].add(1)
    # decrease_to_max_value: clamp degrees above max_degree
    deg = jnp.minimum(deg, MAX_DEGREE)
    # embedding lookup into centrality table z, then concat to node features
    cpe = jnp.take(z, deg, axis=0)
    return jnp.concatenate((x, cpe), axis=1)

if __name__ == "__main__":
    import jax
    _d = setup_inputs()
    print(jax.jit(kernel)(*tuple(_d.values())))

</pallas_src>

<mosaic_0001>
#map = affine_map<(d0, d1) -> (0)>
#map1 = affine_map<(d0, d1) -> (0, 0)>
module attributes {stable_mosaic.version = 14 : i64} {
  func.func @_body(%arg0: i32, %arg1: i32, %arg2: memref<640000xi32, #tpu.memory_space<hbm>>, %arg3: memref<257x64xf32, #tpu.memory_space<hbm>>, %arg4: memref<10000x64xf32, #tpu.memory_space<hbm>>, %arg5: memref<20000xi32, #tpu.memory_space<vmem>>, %arg6: memref<10000xi32, #tpu.memory_space<vmem>>, %arg7: memref<160000xi32, #tpu.memory_space<vmem_shared>>, %arg8: memref<5120xi32, #tpu.memory_space<vmem>>, %arg9: memref<4x80xi32, #tpu.memory_space<vmem>>, %arg10: memref<320x64xf32, #tpu.memory_space<vmem>>, %arg11: memref<!tpu.dma_semaphore, #tpu.memory_space<semaphore_mem>>, %arg12: memref<!tpu.dma_semaphore, #tpu.memory_space<semaphore_mem>>) attributes {dimension_semantics = [#tpu.dimension_semantics<core_parallel>, #tpu.dimension_semantics<subcore_parallel>], iteration_bounds = array<i64: 2, 16>, scalar_prefetch = 0 : i64, scratch_operands = 8 : i64, tpu.core_type = #tpu.core_type<sc_vector_subcore>, window_params = [{transform_indices = #map}, {transform_indices = #map1}, {transform_indices = #map1}]} {
    %mul3A = arith.constant 5000 : i32
    %mul3A_0 = arith.muli %arg0, %mul3A : i32
    %mul3A_1 = arith.constant 312 : i32
    %mul3A_2 = arith.muli %arg1, %mul3A_1 : i32
    %add3A = arith.addi %mul3A_0, %mul3A_2 : i32
    %mul3A_3 = arith.constant 20000 : i32
    %mul3A_4 = arith.muli %arg1, %mul3A_3 : i32
    %dma_start3A = tpu.memref_slice %arg2[%mul3A_4] : memref<640000xi32, #tpu.memory_space<hbm>> -> memref<20000xi32, #tpu.memory_space<hbm>>
    %dma_start3A_5 = tpu.memref_slice %arg2[%mul3A_4] : memref<640000xi32, #tpu.memory_space<hbm>> -> memref<20000xi32, #tpu.memory_space<hbm>>
    tpu.enqueue_dma source(%dma_start3A_5 : memref<20000xi32, #tpu.memory_space<hbm>>) target(%arg5 : memref<20000xi32, #tpu.memory_space<vmem>>) target_semaphore(%arg12 : memref<!tpu.dma_semaphore, #tpu.memory_space<semaphore_mem>>)
    %broadcast_in_dim3A = arith.constant 0 : i32
    %broadcast_in_dim3A_6 = vector.broadcast %broadcast_in_dim3A : i32 to vector<16xi32>
    %scan3A = arith.constant 0 : i32
    %scan3A_7 = arith.constant 0 : i32
    %scan3A_8 = arith.constant 624 : i32
    %scan3A_9 = arith.addi %scan3A_7, %scan3A_8 : i32
    %scan3A_10 = arith.constant 8 : i32
    %scan3A_11 = scf.for %scan3A_1375 = %scan3A_7 to %scan3A_9 step %scan3A_10 iter_args(%scan3A_1376 = %scan3A) -> (i32)  : i32 {
      %mul3A_1377 = arith.constant 16 : i32
      %mul3A_1378 = arith.muli %scan3A_1375, %mul3A_1377 : i32
      %swap3A_1379 = arith.index_cast %mul3A_1378 : i32 to index
      %swap3A_1380 = tpu.vector_load %arg6[%swap3A_1379] {strides = array<i32>} : memref<10000xi32, #tpu.memory_space<vmem>>, vector<16xi32>,
      tpu.vector_store %arg6[%swap3A_1379], %broadcast_in_dim3A_6 {strides = array<i32>} : memref<10000xi32, #tpu.memory_space<vmem>>, vector<16xi32>,
      %scan3A_1381 = arith.constant 0 : i32
      %scan3A_1382 = arith.constant 1 : i32
      %scan3A_1383 = arith.addi %scan3A_1375, %scan3A_1382 : i32
      %mul3A_1384 = arith.constant 16 : i32
      %mul3A_1385 = arith.muli %scan3A_1383, %mul3A_1384 : i32
      %swap3A_1386 = arith.index_cast %mul3A_1385 : i32 to index
      %swap3A_1387 = tpu.vector_load %arg6[%swap3A_1386] {strides = array<i32>} : memref<10000xi32, #tpu.memory_space<vmem>>, vector<16xi32>,
      tpu.vector_store %arg6[%swap3A_1386], %broadcast_in_dim3A_6 {strides = array<i32>} : memref<10000xi32, #tpu.memory_space<vmem>>, vector<16xi32>,
      %scan3A_1388 = arith.constant 0 : i32
      %scan3A_1389 = arith.constant 2 : i32
      %scan3A_1390 = arith.addi %scan3A_1375, %scan3A_1389 : i32
      %mul3A_1391 = arith.constant 16 : i32
      %mul3A_1392 = arith.muli %scan3A_1390, %mul3A_1391 : i32
      %swap3A_1393 = arith.index_cast %mul3A_1392 : i32 to index
      %swap3A_1394 = tpu.vector_load %arg6[%swap3A_1393] {strides = array<i32>} : memref<10000xi32, #tpu.memory_space<vmem>>, vector<16xi32>,
      tpu.vector_store %arg6[%swap3A_1393], %broadcast_in_dim3A_6 {strides = array<i32>} : memref<10000xi32, #tpu.memory_space<vmem>>, vector<16xi32>,
      %scan3A_1395 = arith.constant 0 : i32
      %scan3A_1396 = arith.constant 3 : i32
      %scan3A_1397 = arith.addi %scan3A_1375, %scan3A_1396 : i32
      %mul3A_1398 = arith.constant 16 : i32
      %mul3A_1399 = arith.muli %scan3A_1397, %mul3A_1398 : i32
      %swap3A_1400 = arith.index_cast %mul3A_1399 : i32 to index
      %swap3A_1401 = tpu.vector_load %arg6[%swap3A_1400] {strides = array<i32>} : memref<10000xi32, #tpu.memory_space<vmem>>, vector<16xi32>,
      tpu.vector_store %arg6[%swap3A_1400], %broadcast_in_dim3A_6 {strides = array<i32>} : memref<10000xi32, #tpu.memory_space<vmem>>, vector<16xi32>,
      %scan3A_1402 = arith.constant 0 : i32
      %scan3A_1403 = arith.constant 4 : i32
      %scan3A_1404 = arith.addi %scan3A_1375, %scan3A_1403 : i32
      %mul3A_1405 = arith.constant 16 : i32
      %mul3A_1406 = arith.muli %scan3A_1404, %mul3A_1405 : i32
      %swap3A_1407 = arith.index_cast %mul3A_1406 : i32 to index
      %swap3A_1408 = tpu.vector_load %arg6[%swap3A_1407] {strides = array<i32>} : memref<10000xi32, #tpu.memory_space<vmem>>, vector<16xi32>,
      tpu.vector_store %arg6[%swap3A_1407], %broadcast_in_dim3A_6 {strides = array<i32>} : memref<10000xi32, #tpu.memory_space<vmem>>, vector<16xi32>,
      %scan3A_1409 = arith.constant 0 : i32
      %scan3A_1410 = arith.constant 5 : i32
      %scan3A_1411 = arith.addi %scan3A_1375, %scan3A_1410 : i32
      %mul3A_1412 = arith.constant 16 : i32
      %mul3A_1413 = arith.muli %scan3A_1411, %mul3A_1412 : i32
      %swap3A_1414 = arith.index_cast %mul3A_1413 : i32 to index
      %swap3A_1415 = tpu.vector_load %arg6[%swap3A_1414] {strides = array<i32>} : memref<10000xi32, #tpu.memory_space<vmem>>, vector<16xi32>,
      tpu.vector_store %arg6[%swap3A_1414], %broadcast_in_dim3A_6 {strides = array<i32>} : memref<10000xi32, #tpu.memory_space<vmem>>, vector<16xi32>,
      %scan3A_1416 = arith.constant 0 : i32
      %scan3A_1417 = arith.constant 6 : i32
      %scan3A_1418 = arith.addi %scan3A_1375, %scan3A_1417 : i32
      %mul3A_1419 = arith.constant 16 : i32
      %mul3A_1420 = arith.muli %scan3A_1418, %mul3A_1419 : i32
      %swap3A_1421 = arith.index_cast %mul3A_1420 : i32 to index
      %swap3A_1422 = tpu.vector_load %arg6[%swap3A_1421] {strides = array<i32>} : memref<10000xi32, #tpu.memory_space<vmem>>, vector<16xi32>,
      tpu.vector_store %arg6[%swap3A_1421], %broadcast_in_dim3A_6 {strides = array<i32>} : memref<10000xi32, #tpu.memory_space<vmem>>, vector<16xi32>,
      %scan3A_1423 = arith.constant 0 : i32
      %scan3A_1424 = arith.constant 7 : i32
      %scan3A_1425 = arith.addi %scan3A_1375, %scan3A_1424 : i32
      %mul3A_1426 = arith.constant 16 : i32
      %mul3A_1427 = arith.muli %scan3A_1425, %mul3A_1426 : i32
      %swap3A_1428 = arith.index_cast %mul3A_1427 : i32 to index
      %swap3A_1429 = tpu.vector_load %arg6[%swap3A_1428] {strides = array<i32>} : memref<10000xi32, #tpu.memory_space<vmem>>, vector<16xi32>,
      tpu.vector_store %arg6[%swap3A_1428], %broadcast_in_dim3A_6 {strides = array<i32>} : memref<10000xi32, #tpu.memory_space<vmem>>, vector<16xi32>,
      %scan3A_1430 = arith.constant 0 : i32
      scf.yield %scan3A_1430 : i32
    }
    %scan3A_12 = arith.constant 624 : i32
    %scan3A_13 = arith.addi %scan3A_7, %scan3A_12 : i32
    %mul3A_14 = arith.constant 16 : i32
    %mul3A_15 = arith.muli %scan3A_13, %mul3A_14 : i32
    %swap3A = arith.index_cast %mul3A_15 : i32 to index
    %swap3A_16 = tpu.vector_load %arg6[%swap3A] {strides = array<i32>} : memref<10000xi32, #tpu.memory_space<vmem>>, vector<16xi32>,
    tpu.vector_store %arg6[%swap3A], %broadcast_in_dim3A_6 {strides = array<i32>} : memref<10000xi32, #tpu.memory_space<vmem>>, vector<16xi32>,
    %scan3A_17 = arith.constant 0 : i32
    %scan3A_18 = arith.constant 625 : i32
    %dma_wait3A = tpu.memref_slice %arg2[%mul3A_4] : memref<640000xi32, #tpu.memory_space<hbm>> -> memref<20000xi32, #tpu.memory_space<hbm>>
    %dma_wait3A_19 = tpu.memref_slice %arg2[%mul3A_4] : memref<640000xi32, #tpu.memory_space<hbm>> -> memref<20000xi32, #tpu.memory_space<hbm>>
    tpu.wait_dma2 semaphore(%arg12 : memref<!tpu.dma_semaphore, #tpu.memory_space<semaphore_mem>>) src(%dma_wait3A_19 : memref<20000xi32, #tpu.memory_space<hbm>>) dst(%arg5 : memref<20000xi32, #tpu.memory_space<vmem>>)
    %broadcast_in_dim3A_20 = arith.constant 1 : i32
    %broadcast_in_dim3A_21 = vector.broadcast %broadcast_in_dim3A_20 : i32 to vector<16xi32>
    %scan3A_22 = arith.constant 0 : i32
    %scan3A_23 = arith.constant 0 : i32
    %scan3A_24 = arith.constant 50 : i32
    %scan3A_25 = arith.addi %scan3A_23, %scan3A_24 : i32
    %scan3A_26 = arith.constant 1 : i32
    %scan3A_27 = scf.for %scan3A_1375 = %scan3A_23 to %scan3A_25 step %scan3A_26 iter_args(%scan3A_1376 = %scan3A_22) -> (i32)  : i32 {
      %mul3A_1377 = arith.constant 25 : i32
      %mul3A_1378 = arith.muli %scan3A_1375, %mul3A_1377 : i32
      %add3A_1379 = arith.constant 0 : i32
      %add3A_1380 = arith.addi %mul3A_1378, %add3A_1379 : i32
      %mul3A_1381 = arith.constant 16 : i32
      %mul3A_1382 = arith.muli %add3A_1380, %mul3A_1381 : i32
      %get3A_1383 = arith.index_cast %mul3A_1382 : i32 to index
      %get3A_1384 = tpu.vector_load %arg5[%get3A_1383] {strides = array<i32>} : memref<20000xi32, #tpu.memory_space<vmem>>, vector<16xi32>,
      %mul3A_1385 = arith.constant 25 : i32
      %mul3A_1386 = arith.muli %scan3A_1375, %mul3A_1385 : i32
      %add3A_1387 = arith.constant 1 : i32
      %add3A_1388 = arith.addi %mul3A_1386, %add3A_1387 : i32
      %mul3A_1389 = arith.constant 16 : i32
      %mul3A_1390 = arith.muli %add3A_1388, %mul3A_1389 : i32
      %get3A_1391 = arith.index_cast %mul3A_1390 : i32 to index
      %get3A_1392 = tpu.vector_load %arg5[%get3A_1391] {strides = array<i32>} : memref<20000xi32, #tpu.memory_space<vmem>>, vector<16xi32>,
      %mul3A_1393 = arith.constant 25 : i32
      %mul3A_1394 = arith.muli %scan3A_1375, %mul3A_1393 : i32
      %add3A_1395 = arith.constant 2 : i32
      %add3A_1396 = arith.addi %mul3A_1394, %add3A_1395 : i32
      %mul3A_1397 = arith.constant 16 : i32
      %mul3A_1398 = arith.muli %add3A_1396, %mul3A_1397 : i32
      %get3A_1399 = arith.index_cast %mul3A_1398 : i32 to index
      %get3A_1400 = tpu.vector_load %arg5[%get3A_1399] {strides = array<i32>} : memref<20000xi32, #tpu.memory_space<vmem>>, vector<16xi32>,
      %mul3A_1401 = arith.constant 25 : i32
      %mul3A_1402 = arith.muli %scan3A_1375, %mul3A_1401 : i32
      %add3A_1403 = arith.constant 3 : i32
      %add3A_1404 = arith.addi %mul3A_1402, %add3A_1403 : i32
      %mul3A_1405 = arith.constant 16 : i32
      %mul3A_1406 = arith.muli %add3A_1404, %mul3A_1405 : i32
      %get3A_1407 = arith.index_cast %mul3A_1406 : i32 to index
      %get3A_1408 = tpu.vector_load %arg5[%get3A_1407] {strides = array<i32>} : memref<20000xi32, #tpu.memory_space<vmem>>, vector<16xi32>,
      %mul3A_1409 = arith.constant 25 : i32
      %mul3A_1410 = arith.muli %scan3A_1375, %mul3A_1409 : i32
      %add3A_1411 = arith.constant 4 : i32
      %add3A_1412 = arith.addi %mul3A_1410, %add3A_1411 : i32
      %mul3A_1413 = arith.constant 16 : i32
      %mul3A_1414 = arith.muli %add3A_1412, %mul3A_1413 : i32
      %get3A_1415 = arith.index_cast %mul3A_1414 : i32 to index
      %get3A_1416 = tpu.vector_load %arg5[%get3A_1415] {strides = array<i32>} : memref<20000xi32, #tpu.memory_space<vmem>>, vector<16xi32>,
      %mul3A_1417 = arith.constant 25 : i32
      %mul3A_1418 = arith.muli %scan3A_1375, %mul3A_1417 : i32
      %add3A_1419 = arith.constant 5 : i32
      %add3A_1420 = arith.addi %mul3A_1418, %add3A_1419 : i32
      %mul3A_1421 = arith.constant 16 : i32
      %mul3A_1422 = arith.muli %add3A_1420, %mul3A_1421 : i32
      %get3A_1423 = arith.index_cast %mul3A_1422 : i32 to index
      %get3A_1424 = tpu.vector_load %arg5[%get3A_1423] {strides = array<i32>} : memref<20000xi32, #tpu.memory_space<vmem>>, vector<16xi32>,
      %mul3A_1425 = arith.constant 25 : i32
      %mul3A_1426 = arith.muli %scan3A_1375, %mul3A_1425 : i32
      %add3A_1427 = arith.constant 6 : i32
      %add3A_1428 = arith.addi %mul3A_1426, %add3A_1427 : i32
      %mul3A_1429 = arith.constant 16 : i32
      %mul3A_1430 = arith.muli %add3A_1428, %mul3A_1429 : i32
      %get3A_1431 = arith.index_cast %mul3A_1430 : i32 to index
      %get3A_1432 = tpu.vector_load %arg5[%get3A_1431] {strides = array<i32>} : memref<20000xi32, #tpu.memory_space<vmem>>, vector<16xi32>,
      %mul3A_1433 = arith.constant 25 : i32
      %mul3A_1434 = arith.muli %scan3A_1375, %mul3A_1433 : i32
      %add3A_1435 = arith.constant 7 : i32
      %add3A_1436 = arith.addi %mul3A_1434, %add3A_1435 : i32
      %mul3A_1437 = arith.constant 16 : i32
      %mul3A_1438 = arith.muli %add3A_1436, %mul3A_1437 : i32
      %get3A_1439 = arith.index_cast %mul3A_1438 : i32 to index
      %get3A_1440 = tpu.vector_load %arg5[%get3A_1439] {strides = array<i32>} : memref<20000xi32, #tpu.memory_space<vmem>>, vector<16xi32>,
      %mul3A_1441 = arith.constant 25 : i32
      %mul3A_1442 = arith.muli %scan3A_1375, %mul3A_1441 : i32
      %add3A_1443 = arith.constant 8 : i32
      %add3A_1444 = arith.addi %mul3A_1442, %add3A_1443 : i32
      %mul3A_1445 = arith.constant 16 : i32
      %mul3A_1446 = arith.muli %add3A_1444, %mul3A_1445 : i32
      %get3A_1447 = arith.index_cast %mul3A_1446 : i32 to index
      %get3A_1448 = tpu.vector_load %arg5[%get3A_1447] {strides = array<i32>} : memref<20000xi32, #tpu.memory_space<vmem>>, vector<16xi32>,
      %mul3A_1449 = arith.constant 25 : i32
      %mul3A_1450 = arith.muli %scan3A_1375, %mul3A_1449 : i32
      %add3A_1451 = arith.constant 9 : i32
      %add3A_1452 = arith.addi %mul3A_1450, %add3A_1451 : i32
      %mul3A_1453 = arith.constant 16 : i32
      %mul3A_1454 = arith.muli %add3A_1452, %mul3A_1453 : i32
      %get3A_1455 = arith.index_cast %mul3A_1454 : i32 to index
      %get3A_1456 = tpu.vector_load %arg5[%get3A_1455] {strides = array<i32>} : memref<20000xi32, #tpu.memory_space<vmem>>, vector<16xi32>,
      %mul3A_1457 = arith.constant 25 : i32
      %mul3A_1458 = arith.muli %scan3A_1375, %mul3A_1457 : i32
      %add3A_1459 = arith.constant 10 : i32
      %add3A_1460 = arith.addi %mul3A_1458, %add3A_1459 : i32
      %mul3A_1461 = arith.constant 16 : i32
      %mul3A_1462 = arith.muli %add3A_1460, %mul3A_1461 : i32
      %get3A_1463 = arith.index_cast %mul3A_1462 : i32 to index
      %get3A_1464 = tpu.vector_load %arg5[%get3A_1463] {strides = array<i32>} : memref<20000xi32, #tpu.memory_space<vmem>>, vector<16xi32>,
      %mul3A_1465 = arith.constant 25 : i32
      %mul3A_1466 = arith.muli %scan3A_1375, %mul3A_1465 : i32
      %add3A_1467 = arith.constant 11 : i32
      %add3A_1468 = arith.addi %mul3A_1466, %add3A_1467 : i32
      %mul3A_1469 = arith.constant 16 : i32
      %mul3A_1470 = arith.muli %add3A_1468, %mul3A_1469 : i32
      %get3A_1471 = arith.index_cast %mul3A_1470 : i32 to index
      %get3A_1472 = tpu.vector_load %arg5[%get3A_1471] {strides = array<i32>} : memref<20000xi32, #tpu.memory_space<vmem>>, vector<16xi32>,
      %mul3A_1473 = arith.constant 25 : i32
      %mul3A_1474 = arith.muli %scan3A_1375, %mul3A_1473 : i32
      %add3A_1475 = arith.constant 12 : i32
      %add3A_1476 = arith.addi %mul3A_1474, %add3A_1475 : i32
      %mul3A_1477 = arith.constant 16 : i32
      %mul3A_1478 = arith.muli %add3A_1476, %mul3A_1477 : i32
      %get3A_1479 = arith.index_cast %mul3A_1478 : i32 to index
      %get3A_1480 = tpu.vector_load %arg5[%get3A_1479] {strides = array<i32>} : memref<20000xi32, #tpu.memory_space<vmem>>, vector<16xi32>,
      %mul3A_1481 = arith.constant 25 : i32
      %mul3A_1482 = arith.muli %scan3A_1375, %mul3A_1481 : i32
      %add3A_1483 = arith.constant 13 : i32
      %add3A_1484 = arith.addi %mul3A_1482, %add3A_1483 : i32
      %mul3A_1485 = arith.constant 16 : i32
      %mul3A_1486 = arith.muli %add3A_1484, %mul3A_1485 : i32
      %get3A_1487 = arith.index_cast %mul3A_1486 : i32 to index
      %get3A_1488 = tpu.vector_load %arg5[%get3A_1487] {strides = array<i32>} : memref<20000xi32, #tpu.memory_space<vmem>>, vector<16xi32>,
      %mul3A_1489 = arith.constant 25 : i32
      %mul3A_1490 = arith.muli %scan3A_1375, %mul3A_1489 : i32
      %add3A_1491 = arith.constant 14 : i32
      %add3A_1492 = arith.addi %mul3A_1490, %add3A_1491 : i32
      %mul3A_1493 = arith.constant 16 : i32
      %mul3A_1494 = arith.muli %add3A_1492, %mul3A_1493 : i32
      %get3A_1495 = arith.index_cast %mul3A_1494 : i32 to index
      %get3A_1496 = tpu.vector_load %arg5[%get3A_1495] {strides = array<i32>} : memref<20000xi32, #tpu.memory_space<vmem>>, vector<16xi32>,
      %mul3A_1497 = arith.constant 25 : i32
      %mul3A_1498 = arith.muli %scan3A_1375, %mul3A_1497 : i32
      %add3A_1499 = arith.constant 15 : i32
      %add3A_1500 = arith.addi %mul3A_1498, %add3A_1499 : i32
      %mul3A_1501 = arith.constant 16 : i32
      %mul3A_1502 = arith.muli %add3A_1500, %mul3A_1501 : i32
      %get3A_1503 = arith.index_cast %mul3A_1502 : i32 to index
      %get3A_1504 = tpu.vector_load %arg5[%get3A_1503] {strides = array<i32>} : memref<20000xi32, #tpu.memory_space<vmem>>, vector<16xi32>,
      %mul3A_1505 = arith.constant 25 : i32
      %mul3A_1506 = arith.muli %scan3A_1375, %mul3A_1505 : i32
      %add3A_1507 = arith.constant 16 : i32
      %add3A_1508 = arith.addi %mul3A_1506, %add3A_1507 : i32
      %mul3A_1509 = arith.constant 16 : i32
      %mul3A_1510 = arith.muli %add3A_1508, %mul3A_1509 : i32
      %get3A_1511 = arith.index_cast %mul3A_1510 : i32 to index
      %get3A_1512 = tpu.vector_load %arg5[%get3A_1511] {strides = array<i32>} : memref<20000xi32, #tpu.memory_space<vmem>>, vector<16xi32>,
      %mul3A_1513 = arith.constant 25 : i32
      %mul3A_1514 = arith.muli %scan3A_1375, %mul3A_1513 : i32
      %add3A_1515 = arith.constant 17 : i32
      %add3A_1516 = arith.addi %mul3A_1514, %add3A_1515 : i32
      %mul3A_1517 = arith.constant 16 : i32
      %mul3A_1518 = arith.muli %add3A_1516, %mul3A_1517 : i32
      %get3A_1519 = arith.index_cast %mul3A_1518 : i32 to index
      %get3A_1520 = tpu.vector_load %arg5[%get3A_1519] {strides = array<i32>} : memref<20000xi32, #tpu.memory_space<vmem>>, vector<16xi32>,
      %mul3A_1521 = arith.constant 25 : i32
      %mul3A_1522 = arith.muli %scan3A_1375, %mul3A_1521 : i32
      %add3A_1523 = arith.constant 18 : i32
      %add3A_1524 = arith.addi %mul3A_1522, %add3A_1523 : i32
      %mul3A_1525 = arith.constant 16 : i32
      %mul3A_1526 = arith.muli %add3A_1524, %mul3A_1525 : i32
      %get3A_1527 = arith.index_cast %mul3A_1526 : i32 to index
      %get3A_1528 = tpu.vector_load %arg5[%get3A_1527] {strides = array<i32>} : memref<20000xi32, #tpu.memory_space<vmem>>, vector<16xi32>,
      %mul3A_1529 = arith.constant 25 : i32
      %mul3A_1530 = arith.muli %scan3A_1375, %mul3A_1529 : i32
      %add3A_1531 = arith.constant 19 : i32
      %add3A_1532 = arith.addi %mul3A_1530, %add3A_1531 : i32
      %mul3A_1533 = arith.constant 16 : i32
      %mul3A_1534 = arith.muli %add3A_1532, %mul3A_1533 : i32
      %get3A_1535 = arith.index_cast %mul3A_1534 : i32 to index
      %get3A_1536 = tpu.vector_load %arg5[%get3A_1535] {strides = array<i32>} : memref<20000xi32, #tpu.memory_space<vmem>>, vector<16xi32>,
      %mul3A_1537 = arith.constant 25 : i32
      %mul3A_1538 = arith.muli %scan3A_1375, %mul3A_1537 : i32
      %add3A_1539 = arith.constant 20 : i32
      %add3A_1540 = arith.addi %mul3A_1538, %add3A_1539 : i32
      %mul3A_1541 = arith.constant 16 : i32
      %mul3A_1542 = arith.muli %add3A_1540, %mul3A_1541 : i32
      %get3A_1543 = arith.index_cast %mul3A_1542 : i32 to index
      %get3A_1544 = tpu.vector_load %arg5[%get3A_1543] {strides = array<i32>} : memref<20000xi32, #tpu.memory_space<vmem>>, vector<16xi32>,
      %mul3A_1545 = arith.constant 25 : i32
      %mul3A_1546 = arith.muli %scan3A_1375, %mul3A_1545 : i32
      %add3A_1547 = arith.constant 21 : i32
      %add3A_1548 = arith.addi %mul3A_1546, %add3A_1547 : i32
      %mul3A_1549 = arith.constant 16 : i32
      %mul3A_1550 = arith.muli %add3A_1548, %mul3A_1549 : i32
      %get3A_1551 = arith.index_cast %mul3A_1550 : i32 to index
      %get3A_1552 = tpu.vector_load %arg5[%get3A_1551] {strides = array<i32>} : memref<20000xi32, #tpu.memory_space<vmem>>, vector<16xi32>,
      %mul3A_1553 = arith.constant 25 : i32
      %mul3A_1554 = arith.muli %scan3A_1375, %mul3A_1553 : i32
      %add3A_1555 = arith.constant 22 : i32
      %add3A_1556 = arith.addi %mul3A_1554, %add3A_1555 : i32
      %mul3A_1557 = arith.constant 16 : i32
      %mul3A_1558 = arith.muli %add3A_1556, %mul3A_1557 : i32
      %get3A_1559 = arith.index_cast %mul3A_1558 : i32 to index
      %get3A_1560 = tpu.vector_load %arg5[%get3A_1559] {strides = array<i32>} : memref<20000xi32, #tpu.memory_space<vmem>>, vector<16xi32>,
      %mul3A_1561 = arith.constant 25 : i32
      %mul3A_1562 = arith.muli %scan3A_1375, %mul3A_1561 : i32
      %add3A_1563 = arith.constant 23 : i32
      %add3A_1564 = arith.addi %mul3A_1562, %add3A_1563 : i32
      %mul3A_1565 = arith.constant 16 : i32
      %mul3A_1566 = arith.muli %add3A_1564, %mul3A_1565 : i32
      %get3A_1567 = arith.index_cast %mul3A_1566 : i32 to index
      %get3A_1568 = tpu.vector_load %arg5[%get3A_1567] {strides = array<i32>} : memref<20000xi32, #tpu.memory_space<vmem>>, vector<16xi32>,
      %mul3A_1569 = arith.constant 25 : i32
      %mul3A_1570 = arith.muli %scan3A_1375, %mul3A_1569 : i32
      %add3A_1571 = arith.constant 24 : i32
      %add3A_1572 = arith.addi %mul3A_1570, %add3A_1571 : i32
      %mul3A_1573 = arith.constant 16 : i32
      %mul3A_1574 = arith.muli %add3A_1572, %mul3A_1573 : i32
      %get3A_1575 = arith.index_cast %mul3A_1574 : i32 to index
      %get3A_1576 = tpu.vector_load %arg5[%get3A_1575] {strides = array<i32>} : memref<20000xi32, #tpu.memory_space<vmem>>, vector<16xi32>,
      tpu.vector_store_idx %arg6[%get3A_1384], %broadcast_in_dim3A_21 {add = true} : memref<10000xi32, #tpu.memory_space<vmem>>[vector<16xi32>], vector<16xi32>,
      tpu.vector_store_idx %arg6[%get3A_1392], %broadcast_in_dim3A_21 {add = true} : memref<10000xi32, #tpu.memory_space<vmem>>[vector<16xi32>], vector<16xi32>,
      tpu.vector_store_idx %arg6[%get3A_1400], %broadcast_in_dim3A_21 {add = true} : memref<10000xi32, #tpu.memory_space<vmem>>[vector<16xi32>], vector<16xi32>,
      tpu.vector_store_idx %arg6[%get3A_1408], %broadcast_in_dim3A_21 {add = true} : memref<10000xi32, #tpu.memory_space<vmem>>[vector<16xi32>], vector<16xi32>,
      tpu.vector_store_idx %arg6[%get3A_1416], %broadcast_in_dim3A_21 {add = true} : memref<10000xi32, #tpu.memory_space<vmem>>[vector<16xi32>], vector<16xi32>,
      tpu.vector_store_idx %arg6[%get3A_1424], %broadcast_in_dim3A_21 {add = true} : memref<10000xi32, #tpu.memory_space<vmem>>[vector<16xi32>], vector<16xi32>,
      tpu.vector_store_idx %arg6[%get3A_1432], %broadcast_in_dim3A_21 {add = true} : memref<10000xi32, #tpu.memory_space<vmem>>[vector<16xi32>], vector<16xi32>,
      tpu.vector_store_idx %arg6[%get3A_1440], %broadcast_in_dim3A_21 {add = true} : memref<10000xi32, #tpu.memory_space<vmem>>[vector<16xi32>], vector<16xi32>,
      tpu.vector_store_idx %arg6[%get3A_1448], %broadcast_in_dim3A_21 {add = true} : memref<10000xi32, #tpu.memory_space<vmem>>[vector<16xi32>], vector<16xi32>,
      tpu.vector_store_idx %arg6[%get3A_1456], %broadcast_in_dim3A_21 {add = true} : memref<10000xi32, #tpu.memory_space<vmem>>[vector<16xi32>], vector<16xi32>,
      tpu.vector_store_idx %arg6[%get3A_1464], %broadcast_in_dim3A_21 {add = true} : memref<10000xi32, #tpu.memory_space<vmem>>[vector<16xi32>], vector<16xi32>,
      tpu.vector_store_idx %arg6[%get3A_1472], %broadcast_in_dim3A_21 {add = true} : memref<10000xi32, #tpu.memory_space<vmem>>[vector<16xi32>], vector<16xi32>,
      tpu.vector_store_idx %arg6[%get3A_1480], %broadcast_in_dim3A_21 {add = true} : memref<10000xi32, #tpu.memory_space<vmem>>[vector<16xi32>], vector<16xi32>,
      tpu.vector_store_idx %arg6[%get3A_1488], %broadcast_in_dim3A_21 {add = true} : memref<10000xi32, #tpu.memory_space<vmem>>[vector<16xi32>], vector<16xi32>,
      tpu.vector_store_idx %arg6[%get3A_1496], %broadcast_in_dim3A_21 {add = true} : memref<10000xi32, #tpu.memory_space<vmem>>[vector<16xi32>], vector<16xi32>,
      tpu.vector_store_idx %arg6[%get3A_1504], %broadcast_in_dim3A_21 {add = true} : memref<10000xi32, #tpu.memory_space<vmem>>[vector<16xi32>], vector<16xi32>,
      tpu.vector_store_idx %arg6[%get3A_1512], %broadcast_in_dim3A_21 {add = true} : memref<10000xi32, #tpu.memory_space<vmem>>[vector<16xi32>], vector<16xi32>,
      tpu.vector_store_idx %arg6[%get3A_1520], %broadcast_in_dim3A_21 {add = true} : memref<10000xi32, #tpu.memory_space<vmem>>[vector<16xi32>], vector<16xi32>,
      tpu.vector_store_idx %arg6[%get3A_1528], %broadcast_in_dim3A_21 {add = true} : memref<10000xi32, #tpu.memory_space<vmem>>[vector<16xi32>], vector<16xi32>,
      tpu.vector_store_idx %arg6[%get3A_1536], %broadcast_in_dim3A_21 {add = true} : memref<10000xi32, #tpu.memory_space<vmem>>[vector<16xi32>], vector<16xi32>,
      tpu.vector_store_idx %arg6[%get3A_1544], %broadcast_in_dim3A_21 {add = true} : memref<10000xi32, #tpu.memory_space<vmem>>[vector<16xi32>], vector<16xi32>,
      tpu.vector_store_idx %arg6[%get3A_1552], %broadcast_in_dim3A_21 {add = true} : memref<10000xi32, #tpu.memory_space<vmem>>[vector<16xi32>], vector<16xi32>,
      tpu.vector_store_idx %arg6[%get3A_1560], %broadcast_in_dim3A_21 {add = true} : memref<10000xi32, #tpu.memory_space<vmem>>[vector<16xi32>], vector<16xi32>,
      tpu.vector_store_idx %arg6[%get3A_1568], %broadcast_in_dim3A_21 {add = true} : memref<10000xi32, #tpu.memory_space<vmem>>[vector<16xi32>], vector<16xi32>,
      tpu.vector_store_idx %arg6[%get3A_1576], %broadcast_in_dim3A_21 {add = true} : memref<10000xi32, #tpu.memory_space<vmem>>[vector<16xi32>], vector<16xi32>,
      %scan3A_1577 = arith.constant 0 : i32
      scf.yield %scan3A_1577 : i32
    }
    %scan3A_28 = arith.constant 50 : i32
    %mul3A_29 = arith.constant 10000 : i32
    %mul3A_30 = arith.muli %arg1, %mul3A_29 : i32
    "tpu.region"() ({
      %run_scoped3A = tpu.sem_alloc : memref<!tpu.dma_semaphore, #tpu.memory_space<semaphore_mem>>
      %dma_start3A_1375 = tpu.memref_slice %arg7[%mul3A_30] : memref<160000xi32, #tpu.memory_space<vmem_shared>> -> memref<10000xi32, #tpu.memory_space<vmem_shared>>
      %dma_start3A_1376 = tpu.memref_slice %arg7[%mul3A_30] : memref<160000xi32, #tpu.memory_space<vmem_shared>> -> memref<10000xi32, #tpu.memory_space<vmem_shared>>
      tpu.enqueue_dma source(%arg6 : memref<10000xi32, #tpu.memory_space<vmem>>) target(%dma_start3A_1376 : memref<10000xi32, #tpu.memory_space<vmem_shared>>) target_semaphore(%run_scoped3A : memref<!tpu.dma_semaphore, #tpu.memory_space<semaphore_mem>>)
      %dma_wait3A_1377 = tpu.memref_slice %arg7[%mul3A_30] : memref<160000xi32, #tpu.memory_space<vmem_shared>> -> memref<10000xi32, #tpu.memory_space<vmem_shared>>
      %dma_wait3A_1378 = tpu.memref_slice %arg7[%mul3A_30] : memref<160000xi32, #tpu.memory_space<vmem_shared>> -> memref<10000xi32, #tpu.memory_space<vmem_shared>>
      tpu.wait_dma2 semaphore(%run_scoped3A : memref<!tpu.dma_semaphore, #tpu.memory_space<semaphore_mem>>) src(%arg6 : memref<10000xi32, #tpu.memory_space<vmem>>) dst(%dma_wait3A_1378 : memref<10000xi32, #tpu.memory_space<vmem_shared>>)
      tpu.yield
    }) : () -> ()
    %barrier3A = arith.constant 0 : index
    tpu.barrier barrier_id(%barrier3A)
    %add3A_31 = arith.constant 0 : i32
    %add3A_32 = arith.addi %add3A_31, %add3A : i32
    %dma_start3A_33 = arith.constant 0 : i32
    %dma_start3A_34 = tpu.memref_slice %arg8[%dma_start3A_33] : memref<5120xi32, #tpu.memory_space<vmem>> -> memref<320xi32, #tpu.memory_space<vmem>>
    %dma_start3A_35 = tpu.memref_slice %arg7[%add3A_32] : memref<160000xi32, #tpu.memory_space<vmem_shared>> -> memref<320xi32, #tpu.memory_space<vmem_shared>>
    %dma_start3A_36 = arith.constant 0 : i32
    %dma_start3A_37 = tpu.memref_slice %arg8[%dma_start3A_36] : memref<5120xi32, #tpu.memory_space<vmem>> -> memref<320xi32, #tpu.memory_space<vmem>>
    %dma_start3A_38 = tpu.memref_slice %arg7[%add3A_32] : memref<160000xi32, #tpu.memory_space<vmem_shared>> -> memref<320xi32, #tpu.memory_space<vmem_shared>>
    tpu.enqueue_dma source(%dma_start3A_38 : memref<320xi32, #tpu.memory_space<vmem_shared>>) target(%dma_start3A_37 : memref<320xi32, #tpu.memory_space<vmem>>) target_semaphore(%arg11 : memref<!tpu.dma_semaphore, #tpu.memory_space<semaphore_mem>>)
    %add3A_39 = arith.constant 10000 : i32
    %add3A_40 = arith.addi %add3A_39, %add3A : i32
    %dma_start3A_41 = arith.constant 320 : i32
    %dma_start3A_42 = tpu.memref_slice %arg8[%dma_start3A_41] : memref<5120xi32, #tpu.memory_space<vmem>> -> memref<320xi32, #tpu.memory_space<vmem>>
    %dma_start3A_43 = tpu.memref_slice %arg7[%add3A_40] : memref<160000xi32, #tpu.memory_space<vmem_shared>> -> memref<320xi32, #tpu.memory_space<vmem_shared>>
    %dma_start3A_44 = arith.constant 320 : i32
    %dma_start3A_45 = tpu.memref_slice %arg8[%dma_start3A_44] : memref<5120xi32, #tpu.memory_space<vmem>> -> memref<320xi32, #tpu.memory_space<vmem>>
    %dma_start3A_46 = tpu.memref_slice %arg7[%add3A_40] : memref<160000xi32, #tpu.memory_space<vmem_shared>> -> memref<320xi32, #tpu.memory_space<vmem_shared>>
    tpu.enqueue_dma source(%dma_start3A_46 : memref<320xi32, #tpu.memory_space<vmem_shared>>) target(%dma_start3A_45 : memref<320xi32, #tpu.memory_space<vmem>>) target_semaphore(%arg11 : memref<!tpu.dma_semaphore, #tpu.memory_space<semaphore_mem>>)
    %add3A_47 = arith.constant 20000 : i32
    %add3A_48 = arith.addi %add3A_47, %add3A : i32
    %dma_start3A_49 = arith.constant 640 : i32
    %dma_start3A_50 = tpu.memref_slice %arg8[%dma_start3A_49] : memref<5120xi32, #tpu.memory_space<vmem>> -> memref<320xi32, #tpu.memory_space<vmem>>
    %dma_start3A_51 = tpu.memref_slice %arg7[%add3A_48] : memref<160000xi32, #tpu.memory_space<vmem_shared>> -> memref<320xi32, #tpu.memory_space<vmem_shared>>
    %dma_start3A_52 = arith.constant 640 : i32
    %dma_start3A_53 = tpu.memref_slice %arg8[%dma_start3A_52] : memref<5120xi32, #tpu.memory_space<vmem>> -> memref<320xi32, #tpu.memory_space<vmem>>
    %dma_start3A_54 = tpu.memref_slice %arg7[%add3A_48] : memref<160000xi32, #tpu.memory_space<vmem_shared>> -> memref<320xi32, #tpu.memory_space<vmem_shared>>
    tpu.enqueue_dma source(%dma_start3A_54 : memref<320xi32, #tpu.memory_space<vmem_shared>>) target(%dma_start3A_53 : memref<320xi32, #tpu.memory_space<vmem>>) target_semaphore(%arg11 : memref<!tpu.dma_semaphore, #tpu.memory_space<semaphore_mem>>)
    %add3A_55 = arith.constant 30000 : i32
    %add3A_56 = arith.addi %add3A_55, %add3A : i32
    %dma_start3A_57 = arith.constant 960 : i32
    %dma_start3A_58 = tpu.memref_slice %arg8[%dma_start3A_57] : memref<5120xi32, #tpu.memory_space<vmem>> -> memref<320xi32, #tpu.memory_space<vmem>>
    %dma_start3A_59 = tpu.memref_slice %arg7[%add3A_56] : memref<160000xi32, #tpu.memory_space<vmem_shared>> -> memref<320xi32, #tpu.memory_space<vmem_shared>>
    %dma_start3A_60 = arith.constant 960 : i32
    %dma_start3A_61 = tpu.memref_slice %arg8[%dma_start3A_60] : memref<5120xi32, #tpu.memory_space<vmem>> -> memref<320xi32, #tpu.memory_space<vmem>>
    %dma_start3A_62 = tpu.memref_slice %arg7[%add3A_56] : memref<160000xi32, #tpu.memory_space<vmem_shared>> -> memref<320xi32, #tpu.memory_space<vmem_shared>>
    tpu.enqueue_dma source(%dma_start3A_62 : memref<320xi32, #tpu.memory_space<vmem_shared>>) target(%dma_start3A_61 : memref<320xi32, #tpu.memory_space<vmem>>) target_semaphore(%arg11 : memref<!tpu.dma_semaphore, #tpu.memory_space<semaphore_mem>>)
    %add3A_63 = arith.constant 40000 : i32
    %add3A_64 = arith.addi %add3A_63, %add3A : i32
    %dma_start3A_65 = arith.constant 1280 : i32
    %dma_start3A_66 = tpu.memref_slice %arg8[%dma_start3A_65] : memref<5120xi32, #tpu.memory_space<vmem>> -> memref<320xi32, #tpu.memory_space<vmem>>
    %dma_start3A_67 = tpu.memref_slice %arg7[%add3A_64] : memref<160000xi32, #tpu.memory_space<vmem_shared>> -> memref<320xi32, #tpu.memory_space<vmem_shared>>
    %dma_start3A_68 = arith.constant 1280 : i32
    %dma_start3A_69 = tpu.memref_slice %arg8[%dma_start3A_68] : memref<5120xi32, #tpu.memory_space<vmem>> -> memref<320xi32, #tpu.memory_space<vmem>>
    %dma_start3A_70 = tpu.memref_slice %arg7[%add3A_64] : memref<160000xi32, #tpu.memory_space<vmem_shared>> -> memref<320xi32, #tpu.memory_space<vmem_shared>>
    tpu.enqueue_dma source(%dma_start3A_70 : memref<320xi32, #tpu.memory_space<vmem_shared>>) target(%dma_start3A_69 : memref<320xi32, #tpu.memory_space<vmem>>) target_semaphore(%arg11 : memref<!tpu.dma_semaphore, #tpu.memory_space<semaphore_mem>>)
    %add3A_71 = arith.constant 50000 : i32
    %add3A_72 = arith.addi %add3A_71, %add3A : i32
    %dma_start3A_73 = arith.constant 1600 : i32
    %dma_start3A_74 = tpu.memref_slice %arg8[%dma_start3A_73] : memref<5120xi32, #tpu.memory_space<vmem>> -> memref<320xi32, #tpu.memory_space<vmem>>
    %dma_start3A_75 = tpu.memref_slice %arg7[%add3A_72] : memref<160000xi32, #tpu.memory_space<vmem_shared>> -> memref<320xi32, #tpu.memory_space<vmem_shared>>
    %dma_start3A_76 = arith.constant 1600 : i32
    %dma_start3A_77 = tpu.memref_slice %arg8[%dma_start3A_76] : memref<5120xi32, #tpu.memory_space<vmem>> -> memref<320xi32, #tpu.memory_space<vmem>>
    %dma_start3A_78 = tpu.memref_slice %arg7[%add3A_72] : memref<160000xi32, #tpu.memory_space<vmem_shared>> -> memref<320xi32, #tpu.memory_space<vmem_shared>>
    tpu.enqueue_dma source(%dma_start3A_78 : memref<320xi32, #tpu.memory_space<vmem_shared>>) target(%dma_start3A_77 : memref<320xi32, #tpu.memory_space<vmem>>) target_semaphore(%arg11 : memref<!tpu.dma_semaphore, #tpu.memory_space<semaphore_mem>>)
    %add3A_79 = arith.constant 60000 : i32
    %add3A_80 = arith.addi %add3A_79, %add3A : i32
    %dma_start3A_81 = arith.constant 1920 : i32
    %dma_start3A_82 = tpu.memref_slice %arg8[%dma_start3A_81] : memref<5120xi32, #tpu.memory_space<vmem>> -> memref<320xi32, #tpu.memory_space<vmem>>
    %dma_start3A_83 = tpu.memref_slice %arg7[%add3A_80] : memref<160000xi32, #tpu.memory_space<vmem_shared>> -> memref<320xi32, #tpu.memory_space<vmem_shared>>
    %dma_start3A_84 = arith.constant 1920 : i32
    %dma_start3A_85 = tpu.memref_slice %arg8[%dma_start3A_84] : memref<5120xi32, #tpu.memory_space<vmem>> -> memref<320xi32, #tpu.memory_space<vmem>>
    %dma_start3A_86 = tpu.memref_slice %arg7[%add3A_80] : memref<160000xi32, #tpu.memory_space<vmem_shared>> -> memref<320xi32, #tpu.memory_space<vmem_shared>>
    tpu.enqueue_dma source(%dma_start3A_86 : memref<320xi32, #tpu.memory_space<vmem_shared>>) target(%dma_start3A_85 : memref<320xi32, #tpu.memory_space<vmem>>) target_semaphore(%arg11 : memref<!tpu.dma_semaphore, #tpu.memory_space<semaphore_mem>>)
    %add3A_87 = arith.constant 70000 : i32
    %add3A_88 = arith.addi %add3A_87, %add3A : i32
    %dma_start3A_89 = arith.constant 2240 : i32
    %dma_start3A_90 = tpu.memref_slice %arg8[%dma_start3A_89] : memref<5120xi32, #tpu.memory_space<vmem>> -> memref<320xi32, #tpu.memory_space<vmem>>
    %dma_start3A_91 = tpu.memref_slice %arg7[%add3A_88] : memref<160000xi32, #tpu.memory_space<vmem_shared>> -> memref<320xi32, #tpu.memory_space<vmem_shared>>
    %dma_start3A_92 = arith.constant 2240 : i32
    %dma_start3A_93 = tpu.memref_slice %arg8[%dma_start3A_92] : memref<5120xi32, #tpu.memory_space<vmem>> -> memref<320xi32, #tpu.memory_space<vmem>>
    %dma_start3A_94 = tpu.memref_slice %arg7[%add3A_88] : memref<160000xi32, #tpu.memory_space<vmem_shared>> -> memref<320xi32, #tpu.memory_space<vmem_shared>>
    tpu.enqueue_dma source(%dma_start3A_94 : memref<320xi32, #tpu.memory_space<vmem_shared>>) target(%dma_start3A_93 : memref<320xi32, #tpu.memory_space<vmem>>) target_semaphore(%arg11 : memref<!tpu.dma_semaphore, #tpu.memory_space<semaphore_mem>>)
    %add3A_95 = arith.constant 80000 : i32
    %add3A_96 = arith.addi %add3A_95, %add3A : i32
    %dma_start3A_97 = arith.constant 2560 : i32
    %dma_start3A_98 = tpu.memref_slice %arg8[%dma_start3A_97] : memref<5120xi32, #tpu.memory_space<vmem>> -> memref<320xi32, #tpu.memory_space<vmem>>
    %dma_start3A_99 = tpu.memref_slice %arg7[%add3A_96] : memref<160000xi32, #tpu.memory_space<vmem_shared>> -> memref<320xi32, #tpu.memory_space<vmem_shared>>
    %dma_start3A_100 = arith.constant 2560 : i32
    %dma_start3A_101 = tpu.memref_slice %arg8[%dma_start3A_100] : memref<5120xi32, #tpu.memory_space<vmem>> -> memref<320xi32, #tpu.memory_space<vmem>>
    %dma_start3A_102 = tpu.memref_slice %arg7[%add3A_96] : memref<160000xi32, #tpu.memory_space<vmem_shared>> -> memref<320xi32, #tpu.memory_space<vmem_shared>>
    tpu.enqueue_dma source(%dma_start3A_102 : memref<320xi32, #tpu.memory_space<vmem_shared>>) target(%dma_start3A_101 : memref<320xi32, #tpu.memory_space<vmem>>) target_semaphore(%arg11 : memref<!tpu.dma_semaphore, #tpu.memory_space<semaphore_mem>>)
    %add3A_103 = arith.constant 90000 : i32
    %add3A_104 = arith.addi %add3A_103, %add3A : i32
    %dma_start3A_105 = arith.constant 2880 : i32
    %dma_start3A_106 = tpu.memref_slice %arg8[%dma_start3A_105] : memref<5120xi32, #tpu.memory_space<vmem>> -> memref<320xi32, #tpu.memory_space<vmem>>
    %dma_start3A_107 = tpu.memref_slice %arg7[%add3A_104] : memref<160000xi32, #tpu.memory_space<vmem_shared>> -> memref<320xi32, #tpu.memory_space<vmem_shared>>
    %dma_start3A_108 = arith.constant 2880 : i32
    %dma_start3A_109 = tpu.memref_slice %arg8[%dma_start3A_108] : memref<5120xi32, #tpu.memory_space<vmem>> -> memref<320xi32, #tpu.memory_space<vmem>>
    %dma_start3A_110 = tpu.memref_slice %arg7[%add3A_104] : memref<160000xi32, #tpu.memory_space<vmem_shared>> -> memref<320xi32, #tpu.memory_space<vmem_shared>>
    tpu.enqueue_dma source(%dma_start3A_110 : memref<320xi32, #tpu.memory_space<vmem_shared>>) target(%dma_start3A_109 : memref<320xi32, #tpu.memory_space<vmem>>) target_semaphore(%arg11 : memref<!tpu.dma_semaphore, #tpu.memory_space<semaphore_mem>>)
    %add3A_111 = arith.constant 100000 : i32
    %add3A_112 = arith.addi %add3A_111, %add3A : i32
    %dma_start3A_113 = arith.constant 3200 : i32
    %dma_start3A_114 = tpu.memref_slice %arg8[%dma_start3A_113] : memref<5120xi32, #tpu.memory_space<vmem>> -> memref<320xi32, #tpu.memory_space<vmem>>
    %dma_start3A_115 = tpu.memref_slice %arg7[%add3A_112] : memref<160000xi32, #tpu.memory_space<vmem_shared>> -> memref<320xi32, #tpu.memory_space<vmem_shared>>
    %dma_start3A_116 = arith.constant 3200 : i32
    %dma_start3A_117 = tpu.memref_slice %arg8[%dma_start3A_116] : memref<5120xi32, #tpu.memory_space<vmem>> -> memref<320xi32, #tpu.memory_space<vmem>>
    %dma_start3A_118 = tpu.memref_slice %arg7[%add3A_112] : memref<160000xi32, #tpu.memory_space<vmem_shared>> -> memref<320xi32, #tpu.memory_space<vmem_shared>>
    tpu.enqueue_dma source(%dma_start3A_118 : memref<320xi32, #tpu.memory_space<vmem_shared>>) target(%dma_start3A_117 : memref<320xi32, #tpu.memory_space<vmem>>) target_semaphore(%arg11 : memref<!tpu.dma_semaphore, #tpu.memory_space<semaphore_mem>>)
    %add3A_119 = arith.constant 110000 : i32
    %add3A_120 = arith.addi %add3A_119, %add3A : i32
    %dma_start3A_121 = arith.constant 3520 : i32
    %dma_start3A_122 = tpu.memref_slice %arg8[%dma_start3A_121] : memref<5120xi32, #tpu.memory_space<vmem>> -> memref<320xi32, #tpu.memory_space<vmem>>
    %dma_start3A_123 = tpu.memref_slice %arg7[%add3A_120] : memref<160000xi32, #tpu.memory_space<vmem_shared>> -> memref<320xi32, #tpu.memory_space<vmem_shared>>
    %dma_start3A_124 = arith.constant 3520 : i32
    %dma_start3A_125 = tpu.memref_slice %arg8[%dma_start3A_124] : memref<5120xi32, #tpu.memory_space<vmem>> -> memref<320xi32, #tpu.memory_space<vmem>>
    %dma_start3A_126 = tpu.memref_slice %arg7[%add3A_120] : memref<160000xi32, #tpu.memory_space<vmem_shared>> -> memref<320xi32, #tpu.memory_space<vmem_shared>>
    tpu.enqueue_dma source(%dma_start3A_126 : memref<320xi32, #tpu.memory_space<vmem_shared>>) target(%dma_start3A_125 : memref<320xi32, #tpu.memory_space<vmem>>) target_semaphore(%arg11 : memref<!tpu.dma_semaphore, #tpu.memory_space<semaphore_mem>>)
    %add3A_127 = arith.constant 120000 : i32
    %add3A_128 = arith.addi %add3A_127, %add3A : i32
    %dma_start3A_129 = arith.constant 3840 : i32
    %dma_start3A_130 = tpu.memref_slice %arg8[%dma_start3A_129] : memref<5120xi32, #tpu.memory_space<vmem>> -> memref<320xi32, #tpu.memory_space<vmem>>
    %dma_start3A_131 = tpu.memref_slice %arg7[%add3A_128] : memref<160000xi32, #tpu.memory_space<vmem_shared>> -> memref<320xi32, #tpu.memory_space<vmem_shared>>
    %dma_start3A_132 = arith.constant 3840 : i32
    %dma_start3A_133 = tpu.memref_slice %arg8[%dma_start3A_132] : memref<5120xi32, #tpu.memory_space<vmem>> -> memref<320xi32, #tpu.memory_space<vmem>>
    %dma_start3A_134 = tpu.memref_slice %arg7[%add3A_128] : memref<160000xi32, #tpu.memory_space<vmem_shared>> -> memref<320xi32, #tpu.memory_space<vmem_shared>>
    tpu.enqueue_dma source(%dma_start3A_134 : memref<320xi32, #tpu.memory_space<vmem_shared>>) target(%dma_start3A_133 : memref<320xi32, #tpu.memory_space<vmem>>) target_semaphore(%arg11 : memref<!tpu.dma_semaphore, #tpu.memory_space<semaphore_mem>>)
    %add3A_135 = arith.constant 130000 : i32
    %add3A_136 = arith.addi %add3A_135, %add3A : i32
    %dma_start3A_137 = arith.constant 4160 : i32
    %dma_start3A_138 = tpu.memref_slice %arg8[%dma_start3A_137] : memref<5120xi32, #tpu.memory_space<vmem>> -> memref<320xi32, #tpu.memory_space<vmem>>
    %dma_start3A_139 = tpu.memref_slice %arg7[%add3A_136] : memref<160000xi32, #tpu.memory_space<vmem_shared>> -> memref<320xi32, #tpu.memory_space<vmem_shared>>
    %dma_start3A_140 = arith.constant 4160 : i32
    %dma_start3A_141 = tpu.memref_slice %arg8[%dma_start3A_140] : memref<5120xi32, #tpu.memory_space<vmem>> -> memref<320xi32, #tpu.memory_space<vmem>>
    %dma_start3A_142 = tpu.memref_slice %arg7[%add3A_136] : memref<160000xi32, #tpu.memory_space<vmem_shared>> -> memref<320xi32, #tpu.memory_space<vmem_shared>>
    tpu.enqueue_dma source(%dma_start3A_142 : memref<320xi32, #tpu.memory_space<vmem_shared>>) target(%dma_start3A_141 : memref<320xi32, #tpu.memory_space<vmem>>) target_semaphore(%arg11 : memref<!tpu.dma_semaphore, #tpu.memory_space<semaphore_mem>>)
    %add3A_143 = arith.constant 140000 : i32
    %add3A_144 = arith.addi %add3A_143, %add3A : i32
    %dma_start3A_145 = arith.constant 4480 : i32
    %dma_start3A_146 = tpu.memref_slice %arg8[%dma_start3A_145] : memref<5120xi32, #tpu.memory_space<vmem>> -> memref<320xi32, #tpu.memory_space<vmem>>
    %dma_start3A_147 = tpu.memref_slice %arg7[%add3A_144] : memref<160000xi32, #tpu.memory_space<vmem_shared>> -> memref<320xi32, #tpu.memory_space<vmem_shared>>
    %dma_start3A_148 = arith.constant 4480 : i32
    %dma_start3A_149 = tpu.memref_slice %arg8[%dma_start3A_148] : memref<5120xi32, #tpu.memory_space<vmem>> -> memref<320xi32, #tpu.memory_space<vmem>>
    %dma_start3A_150 = tpu.memref_slice %arg7[%add3A_144] : memref<160000xi32, #tpu.memory_space<vmem_shared>> -> memref<320xi32, #tpu.memory_space<vmem_shared>>
    tpu.enqueue_dma source(%dma_start3A_150 : memref<320xi32, #tpu.memory_space<vmem_shared>>) target(%dma_start3A_149 : memref<320xi32, #tpu.memory_space<vmem>>) target_semaphore(%arg11 : memref<!tpu.dma_semaphore, #tpu.memory_space<semaphore_mem>>)
    %add3A_151 = arith.constant 150000 : i32
    %add3A_152 = arith.addi %add3A_151, %add3A : i32
    %dma_start3A_153 = arith.constant 4800 : i32
    %dma_start3A_154 = tpu.memref_slice %arg8[%dma_start3A_153] : memref<5120xi32, #tpu.memory_space<vmem>> -> memref<320xi32, #tpu.memory_space<vmem>>
    %dma_start3A_155 = tpu.memref_slice %arg7[%add3A_152] : memref<160000xi32, #tpu.memory_space<vmem_shared>> -> memref<320xi32, #tpu.memory_space<vmem_shared>>
    %dma_start3A_156 = arith.constant 4800 : i32
    %dma_start3A_157 = tpu.memref_slice %arg8[%dma_start3A_156] : memref<5120xi32, #tpu.memory_space<vmem>> -> memref<320xi32, #tpu.memory_space<vmem>>
    %dma_start3A_158 = tpu.memref_slice %arg7[%add3A_152] : memref<160000xi32, #tpu.memory_space<vmem_shared>> -> memref<320xi32, #tpu.memory_space<vmem_shared>>
    tpu.enqueue_dma source(%dma_start3A_158 : memref<320xi32, #tpu.memory_space<vmem_shared>>) target(%dma_start3A_157 : memref<320xi32, #tpu.memory_space<vmem>>) target_semaphore(%arg11 : memref<!tpu.dma_semaphore, #tpu.memory_space<semaphore_mem>>)
    %dma_wait3A_159 = arith.constant 0 : i32
    %dma_wait3A_160 = tpu.memref_slice %arg8[%dma_wait3A_159] : memref<5120xi32, #tpu.memory_space<vmem>> -> memref<320xi32, #tpu.memory_space<vmem>>
    %dma_wait3A_161 = tpu.memref_slice %arg7[%add3A_32] : memref<160000xi32, #tpu.memory_space<vmem_shared>> -> memref<320xi32, #tpu.memory_space<vmem_shared>>
    %dma_wait3A_162 = arith.constant 0 : i32
    %dma_wait3A_163 = tpu.memref_slice %arg8[%dma_wait3A_162] : memref<5120xi32, #tpu.memory_space<vmem>> -> memref<320xi32, #tpu.memory_space<vmem>>
    %dma_wait3A_164 = tpu.memref_slice %arg7[%add3A_32] : memref<160000xi32, #tpu.memory_space<vmem_shared>> -> memref<320xi32, #tpu.memory_space<vmem_shared>>
    tpu.wait_dma2 semaphore(%arg11 : memref<!tpu.dma_semaphore, #tpu.memory_space<semaphore_mem>>) src(%dma_wait3A_164 : memref<320xi32, #tpu.memory_space<vmem_shared>>) dst(%dma_wait3A_163 : memref<320xi32, #tpu.memory_space<vmem>>)
    %dma_wait3A_165 = arith.constant 320 : i32
    %dma_wait3A_166 = tpu.memref_slice %arg8[%dma_wait3A_165] : memref<5120xi32, #tpu.memory_space<vmem>> -> memref<320xi32, #tpu.memory_space<vmem>>
    %dma_wait3A_167 = tpu.memref_slice %arg7[%add3A_40] : memref<160000xi32, #tpu.memory_space<vmem_shared>> -> memref<320xi32, #tpu.memory_space<vmem_shared>>
    %dma_wait3A_168 = arith.constant 320 : i32
    %dma_wait3A_169 = tpu.memref_slice %arg8[%dma_wait3A_168] : memref<5120xi32, #tpu.memory_space<vmem>> -> memref<320xi32, #tpu.memory_space<vmem>>
    %dma_wait3A_170 = tpu.memref_slice %arg7[%add3A_40] : memref<160000xi32, #tpu.memory_space<vmem_shared>> -> memref<320xi32, #tpu.memory_space<vmem_shared>>
    tpu.wait_dma2 semaphore(%arg11 : memref<!tpu.dma_semaphore, #tpu.memory_space<semaphore_mem>>) src(%dma_wait3A_170 : memref<320xi32, #tpu.memory_space<vmem_shared>>) dst(%dma_wait3A_169 : memref<320xi32, #tpu.memory_space<vmem>>)
    %dma_wait3A_171 = arith.constant 640 : i32
    %dma_wait3A_172 = tpu.memref_slice %arg8[%dma_wait3A_171] : memref<5120xi32, #tpu.memory_space<vmem>> -> memref<320xi32, #tpu.memory_space<vmem>>
    %dma_wait3A_173 = tpu.memref_slice %arg7[%add3A_48] : memref<160000xi32, #tpu.memory_space<vmem_shared>> -> memref<320xi32, #tpu.memory_space<vmem_shared>>
    %dma_wait3A_174 = arith.constant 640 : i32
    %dma_wait3A_175 = tpu.memref_slice %arg8[%dma_wait3A_174] : memref<5120xi32, #tpu.memory_space<vmem>> -> memref<320xi32, #tpu.memory_space<vmem>>
    %dma_wait3A_176 = tpu.memref_slice %arg7[%add3A_48] : memref<160000xi32, #tpu.memory_space<vmem_shared>> -> memref<320xi32, #tpu.memory_space<vmem_shared>>
    tpu.wait_dma2 semaphore(%arg11 : memref<!tpu.dma_semaphore, #tpu.memory_space<semaphore_mem>>) src(%dma_wait3A_176 : memref<320xi32, #tpu.memory_space<vmem_shared>>) dst(%dma_wait3A_175 : memref<320xi32, #tpu.memory_space<vmem>>)
    %dma_wait3A_177 = arith.constant 960 : i32
    %dma_wait3A_178 = tpu.memref_slice %arg8[%dma_wait3A_177] : memref<5120xi32, #tpu.memory_space<vmem>> -> memref<320xi32, #tpu.memory_space<vmem>>
    %dma_wait3A_179 = tpu.memref_slice %arg7[%add3A_56] : memref<160000xi32, #tpu.memory_space<vmem_shared>> -> memref<320xi32, #tpu.memory_space<vmem_shared>>
    %dma_wait3A_180 = arith.constant 960 : i32
    %dma_wait3A_181 = tpu.memref_slice %arg8[%dma_wait3A_180] : memref<5120xi32, #tpu.memory_space<vmem>> -> memref<320xi32, #tpu.memory_space<vmem>>
    %dma_wait3A_182 = tpu.memref_slice %arg7[%add3A_56] : memref<160000xi32, #tpu.memory_space<vmem_shared>> -> memref<320xi32, #tpu.memory_space<vmem_shared>>
    tpu.wait_dma2 semaphore(%arg11 : memref<!tpu.dma_semaphore, #tpu.memory_space<semaphore_mem>>) src(%dma_wait3A_182 : memref<320xi32, #tpu.memory_space<vmem_shared>>) dst(%dma_wait3A_181 : memref<320xi32, #tpu.memory_space<vmem>>)
    %dma_wait3A_183 = arith.constant 1280 : i32
    %dma_wait3A_184 = tpu.memref_slice %arg8[%dma_wait3A_183] : memref<5120xi32, #tpu.memory_space<vmem>> -> memref<320xi32, #tpu.memory_space<vmem>>
    %dma_wait3A_185 = tpu.memref_slice %arg7[%add3A_64] : memref<160000xi32, #tpu.memory_space<vmem_shared>> -> memref<320xi32, #tpu.memory_space<vmem_shared>>
    %dma_wait3A_186 = arith.constant 1280 : i32
    %dma_wait3A_187 = tpu.memref_slice %arg8[%dma_wait3A_186] : memref<5120xi32, #tpu.memory_space<vmem>> -> memref<320xi32, #tpu.memory_space<vmem>>
    %dma_wait3A_188 = tpu.memref_slice %arg7[%add3A_64] : memref<160000xi32, #tpu.memory_space<vmem_shared>> -> memref<320xi32, #tpu.memory_space<vmem_shared>>
    tpu.wait_dma2 semaphore(%arg11 : memref<!tpu.dma_semaphore, #tpu.memory_space<semaphore_mem>>) src(%dma_wait3A_188 : memref<320xi32, #tpu.memory_space<vmem_shared>>) dst(%dma_wait3A_187 : memref<320xi32, #tpu.memory_space<vmem>>)
    %dma_wait3A_189 = arith.constant 1600 : i32
    %dma_wait3A_190 = tpu.memref_slice %arg8[%dma_wait3A_189] : memref<5120xi32, #tpu.memory_space<vmem>> -> memref<320xi32, #tpu.memory_space<vmem>>
    %dma_wait3A_191 = tpu.memref_slice %arg7[%add3A_72] : memref<160000xi32, #tpu.memory_space<vmem_shared>> -> memref<320xi32, #tpu.memory_space<vmem_shared>>
    %dma_wait3A_192 = arith.constant 1600 : i32
    %dma_wait3A_193 = tpu.memref_slice %arg8[%dma_wait3A_192] : memref<5120xi32, #tpu.memory_space<vmem>> -> memref<320xi32, #tpu.memory_space<vmem>>
    %dma_wait3A_194 = tpu.memref_slice %arg7[%add3A_72] : memref<160000xi32, #tpu.memory_space<vmem_shared>> -> memref<320xi32, #tpu.memory_space<vmem_shared>>
    tpu.wait_dma2 semaphore(%arg11 : memref<!tpu.dma_semaphore, #tpu.memory_space<semaphore_mem>>) src(%dma_wait3A_194 : memref<320xi32, #tpu.memory_space<vmem_shared>>) dst(%dma_wait3A_193 : memref<320xi32, #tpu.memory_space<vmem>>)
    %dma_wait3A_195 = arith.constant 1920 : i32
    %dma_wait3A_196 = tpu.memref_slice %arg8[%dma_wait3A_195] : memref<5120xi32, #tpu.memory_space<vmem>> -> memref<320xi32, #tpu.memory_space<vmem>>
    %dma_wait3A_197 = tpu.memref_slice %arg7[%add3A_80] : memref<160000xi32, #tpu.memory_space<vmem_shared>> -> memref<320xi32, #tpu.memory_space<vmem_shared>>
    %dma_wait3A_198 = arith.constant 1920 : i32
    %dma_wait3A_199 = tpu.memref_slice %arg8[%dma_wait3A_198] : memref<5120xi32, #tpu.memory_space<vmem>> -> memref<320xi32, #tpu.memory_space<vmem>>
    %dma_wait3A_200 = tpu.memref_slice %arg7[%add3A_80] : memref<160000xi32, #tpu.memory_space<vmem_shared>> -> memref<320xi32, #tpu.memory_space<vmem_shared>>
    tpu.wait_dma2 semaphore(%arg11 : memref<!tpu.dma_semaphore, #tpu.memory_space<semaphore_mem>>) src(%dma_wait3A_200 : memref<320xi32, #tpu.memory_space<vmem_shared>>) dst(%dma_wait3A_199 : memref<320xi32, #tpu.memory_space<vmem>>)
    %dma_wait3A_201 = arith.constant 2240 : i32
    %dma_wait3A_202 = tpu.memref_slice %arg8[%dma_wait3A_201] : memref<5120xi32, #tpu.memory_space<vmem>> -> memref<320xi32, #tpu.memory_space<vmem>>
    %dma_wait3A_203 = tpu.memref_slice %arg7[%add3A_88] : memref<160000xi32, #tpu.memory_space<vmem_shared>> -> memref<320xi32, #tpu.memory_space<vmem_shared>>
    %dma_wait3A_204 = arith.constant 2240 : i32
    %dma_wait3A_205 = tpu.memref_slice %arg8[%dma_wait3A_204] : memref<5120xi32, #tpu.memory_space<vmem>> -> memref<320xi32, #tpu.memory_space<vmem>>
    %dma_wait3A_206 = tpu.memref_slice %arg7[%add3A_88] : memref<160000xi32, #tpu.memory_space<vmem_shared>> -> memref<320xi32, #tpu.memory_space<vmem_shared>>
    tpu.wait_dma2 semaphore(%arg11 : memref<!tpu.dma_semaphore, #tpu.memory_space<semaphore_mem>>) src(%dma_wait3A_206 : memref<320xi32, #tpu.memory_space<vmem_shared>>) dst(%dma_wait3A_205 : memref<320xi32, #tpu.memory_space<vmem>>)
    %dma_wait3A_207 = arith.constant 2560 : i32
    %dma_wait3A_208 = tpu.memref_slice %arg8[%dma_wait3A_207] : memref<5120xi32, #tpu.memory_space<vmem>> -> memref<320xi32, #tpu.memory_space<vmem>>
    %dma_wait3A_209 = tpu.memref_slice %arg7[%add3A_96] : memref<160000xi32, #tpu.memory_space<vmem_shared>> -> memref<320xi32, #tpu.memory_space<vmem_shared>>
    %dma_wait3A_210 = arith.constant 2560 : i32
    %dma_wait3A_211 = tpu.memref_slice %arg8[%dma_wait3A_210] : memref<5120xi32, #tpu.memory_space<vmem>> -> memref<320xi32, #tpu.memory_space<vmem>>
    %dma_wait3A_212 = tpu.memref_slice %arg7[%add3A_96] : memref<160000xi32, #tpu.memory_space<vmem_shared>> -> memref<320xi32, #tpu.memory_space<vmem_shared>>
    tpu.wait_dma2 semaphore(%arg11 : memref<!tpu.dma_semaphore, #tpu.memory_space<semaphore_mem>>) src(%dma_wait3A_212 : memref<320xi32, #tpu.memory_space<vmem_shared>>) dst(%dma_wait3A_211 : memref<320xi32, #tpu.memory_space<vmem>>)
    %dma_wait3A_213 = arith.constant 2880 : i32
    %dma_wait3A_214 = tpu.memref_slice %arg8[%dma_wait3A_213] : memref<5120xi32, #tpu.memory_space<vmem>> -> memref<320xi32, #tpu.memory_space<vmem>>
    %dma_wait3A_215 = tpu.memref_slice %arg7[%add3A_104] : memref<160000xi32, #tpu.memory_space<vmem_shared>> -> memref<320xi32, #tpu.memory_space<vmem_shared>>
    %dma_wait3A_216 = arith.constant 2880 : i32
    %dma_wait3A_217 = tpu.memref_slice %arg8[%dma_wait3A_216] : memref<5120xi32, #tpu.memory_space<vmem>> -> memref<320xi32, #tpu.memory_space<vmem>>
    %dma_wait3A_218 = tpu.memref_slice %arg7[%add3A_104] : memref<160000xi32, #tpu.memory_space<vmem_shared>> -> memref<320xi32, #tpu.memory_space<vmem_shared>>
    tpu.wait_dma2 semaphore(%arg11 : memref<!tpu.dma_semaphore, #tpu.memory_space<semaphore_mem>>) src(%dma_wait3A_218 : memref<320xi32, #tpu.memory_space<vmem_shared>>) dst(%dma_wait3A_217 : memref<320xi32, #tpu.memory_space<vmem>>)
    %dma_wait3A_219 = arith.constant 3200 : i32
    %dma_wait3A_220 = tpu.memref_slice %arg8[%dma_wait3A_219] : memref<5120xi32, #tpu.memory_space<vmem>> -> memref<320xi32, #tpu.memory_space<vmem>>
    %dma_wait3A_221 = tpu.memref_slice %arg7[%add3A_112] : memref<160000xi32, #tpu.memory_space<vmem_shared>> -> memref<320xi32, #tpu.memory_space<vmem_shared>>
    %dma_wait3A_222 = arith.constant 3200 : i32
    %dma_wait3A_223 = tpu.memref_slice %arg8[%dma_wait3A_222] : memref<5120xi32, #tpu.memory_space<vmem>> -> memref<320xi32, #tpu.memory_space<vmem>>
    %dma_wait3A_224 = tpu.memref_slice %arg7[%add3A_112] : memref<160000xi32, #tpu.memory_space<vmem_shared>> -> memref<320xi32, #tpu.memory_space<vmem_shared>>
    tpu.wait_dma2 semaphore(%arg11 : memref<!tpu.dma_semaphore, #tpu.memory_space<semaphore_mem>>) src(%dma_wait3A_224 : memref<320xi32, #tpu.memory_space<vmem_shared>>) dst(%dma_wait3A_223 : memref<320xi32, #tpu.memory_space<vmem>>)
    %dma_wait3A_225 = arith.constant 3520 : i32
    %dma_wait3A_226 = tpu.memref_slice %arg8[%dma_wait3A_225] : memref<5120xi32, #tpu.memory_space<vmem>> -> memref<320xi32, #tpu.memory_space<vmem>>
    %dma_wait3A_227 = tpu.memref_slice %arg7[%add3A_120] : memref<160000xi32, #tpu.memory_space<vmem_shared>> -> memref<320xi32, #tpu.memory_space<vmem_shared>>
    %dma_wait3A_228 = arith.constant 3520 : i32
    %dma_wait3A_229 = tpu.memref_slice %arg8[%dma_wait3A_228] : memref<5120xi32, #tpu.memory_space<vmem>> -> memref<320xi32, #tpu.memory_space<vmem>>
    %dma_wait3A_230 = tpu.memref_slice %arg7[%add3A_120] : memref<160000xi32, #tpu.memory_space<vmem_shared>> -> memref<320xi32, #tpu.memory_space<vmem_shared>>
    tpu.wait_dma2 semaphore(%arg11 : memref<!tpu.dma_semaphore, #tpu.memory_space<semaphore_mem>>) src(%dma_wait3A_230 : memref<320xi32, #tpu.memory_space<vmem_shared>>) dst(%dma_wait3A_229 : memref<320xi32, #tpu.memory_space<vmem>>)
    %dma_wait3A_231 = arith.constant 3840 : i32
    %dma_wait3A_232 = tpu.memref_slice %arg8[%dma_wait3A_231] : memref<5120xi32, #tpu.memory_space<vmem>> -> memref<320xi32, #tpu.memory_space<vmem>>
    %dma_wait3A_233 = tpu.memref_slice %arg7[%add3A_128] : memref<160000xi32, #tpu.memory_space<vmem_shared>> -> memref<320xi32, #tpu.memory_space<vmem_shared>>
    %dma_wait3A_234 = arith.constant 3840 : i32
    %dma_wait3A_235 = tpu.memref_slice %arg8[%dma_wait3A_234] : memref<5120xi32, #tpu.memory_space<vmem>> -> memref<320xi32, #tpu.memory_space<vmem>>
    %dma_wait3A_236 = tpu.memref_slice %arg7[%add3A_128] : memref<160000xi32, #tpu.memory_space<vmem_shared>> -> memref<320xi32, #tpu.memory_space<vmem_shared>>
    tpu.wait_dma2 semaphore(%arg11 : memref<!tpu.dma_semaphore, #tpu.memory_space<semaphore_mem>>) src(%dma_wait3A_236 : memref<320xi32, #tpu.memory_space<vmem_shared>>) dst(%dma_wait3A_235 : memref<320xi32, #tpu.memory_space<vmem>>)
    %dma_wait3A_237 = arith.constant 4160 : i32
    %dma_wait3A_238 = tpu.memref_slice %arg8[%dma_wait3A_237] : memref<5120xi32, #tpu.memory_space<vmem>> -> memref<320xi32, #tpu.memory_space<vmem>>
    %dma_wait3A_239 = tpu.memref_slice %arg7[%add3A_136] : memref<160000xi32, #tpu.memory_space<vmem_shared>> -> memref<320xi32, #tpu.memory_space<vmem_shared>>
    %dma_wait3A_240 = arith.constant 4160 : i32
    %dma_wait3A_241 = tpu.memref_slice %arg8[%dma_wait3A_240] : memref<5120xi32, #tpu.memory_space<vmem>> -> memref<320xi32, #tpu.memory_space<vmem>>
    %dma_wait3A_242 = tpu.memref_slice %arg7[%add3A_136] : memref<160000xi32, #tpu.memory_space<vmem_shared>> -> memref<320xi32, #tpu.memory_space<vmem_shared>>
    tpu.wait_dma2 semaphore(%arg11 : memref<!tpu.dma_semaphore, #tpu.memory_space<semaphore_mem>>) src(%dma_wait3A_242 : memref<320xi32, #tpu.memory_space<vmem_shared>>) dst(%dma_wait3A_241 : memref<320xi32, #tpu.memory_space<vmem>>)
    %dma_wait3A_243 = arith.constant 4480 : i32
    %dma_wait3A_244 = tpu.memref_slice %arg8[%dma_wait3A_243] : memref<5120xi32, #tpu.memory_space<vmem>> -> memref<320xi32, #tpu.memory_space<vmem>>
    %dma_wait3A_245 = tpu.memref_slice %arg7[%add3A_144] : memref<160000xi32, #tpu.memory_space<vmem_shared>> -> memref<320xi32, #tpu.memory_space<vmem_shared>>
    %dma_wait3A_246 = arith.constant 4480 : i32
    %dma_wait3A_247 = tpu.memref_slice %arg8[%dma_wait3A_246] : memref<5120xi32, #tpu.memory_space<vmem>> -> memref<320xi32, #tpu.memory_space<vmem>>
    %dma_wait3A_248 = tpu.memref_slice %arg7[%add3A_144] : memref<160000xi32, #tpu.memory_space<vmem_shared>> -> memref<320xi32, #tpu.memory_space<vmem_shared>>
    tpu.wait_dma2 semaphore(%arg11 : memref<!tpu.dma_semaphore, #tpu.memory_space<semaphore_mem>>) src(%dma_wait3A_248 : memref<320xi32, #tpu.memory_space<vmem_shared>>) dst(%dma_wait3A_247 : memref<320xi32, #tpu.memory_space<vmem>>)
    %dma_wait3A_249 = arith.constant 4800 : i32
    %dma_wait3A_250 = tpu.memref_slice %arg8[%dma_wait3A_249] : memref<5120xi32, #tpu.memory_space<vmem>> -> memref<320xi32, #tpu.memory_space<vmem>>
    %dma_wait3A_251 = tpu.memref_slice %arg7[%add3A_152] : memref<160000xi32, #tpu.memory_space<vmem_shared>> -> memref<320xi32, #tpu.memory_space<vmem_shared>>
    %dma_wait3A_252 = arith.constant 4800 : i32
    %dma_wait3A_253 = tpu.memref_slice %arg8[%dma_wait3A_252] : memref<5120xi32, #tpu.memory_space<vmem>> -> memref<320xi32, #tpu.memory_space<vmem>>
    %dma_wait3A_254 = tpu.memref_slice %arg7[%add3A_152] : memref<160000xi32, #tpu.memory_space<vmem_shared>> -> memref<320xi32, #tpu.memory_space<vmem_shared>>
    tpu.wait_dma2 semaphore(%arg11 : memref<!tpu.dma_semaphore, #tpu.memory_space<semaphore_mem>>) src(%dma_wait3A_254 : memref<320xi32, #tpu.memory_space<vmem_shared>>) dst(%dma_wait3A_253 : memref<320xi32, #tpu.memory_space<vmem>>)
    %broadcast_in_dim3A_255 = arith.constant 256 : i32
    %broadcast_in_dim3A_256 = vector.broadcast %broadcast_in_dim3A_255 : i32 to vector<16xi32>
    %get3A = arith.constant 0 : index
    %get3A_257 = tpu.vector_load %arg8[%get3A] {strides = array<i32>} : memref<5120xi32, #tpu.memory_space<vmem>>, vector<16xi32>,
    %get3A_258 = arith.constant 320 : index
    %get3A_259 = tpu.vector_load %arg8[%get3A_258] {strides = array<i32>} : memref<5120xi32, #tpu.memory_space<vmem>>, vector<16xi32>,
    %add3A_260 = arith.addi %get3A_257, %get3A_259 : vector<16xi32>
    %get3A_261 = arith.constant 640 : index
    %get3A_262 = tpu.vector_load %arg8[%get3A_261] {strides = array<i32>} : memref<5120xi32, #tpu.memory_space<vmem>>, vector<16xi32>,
    %add3A_263 = arith.addi %add3A_260, %get3A_262 : vector<16xi32>
    %get3A_264 = arith.constant 960 : index
    %get3A_265 = tpu.vector_load %arg8[%get3A_264] {strides = array<i32>} : memref<5120xi32, #tpu.memory_space<vmem>>, vector<16xi32>,
    %add3A_266 = arith.addi %add3A_263, %get3A_265 : vector<16xi32>
    %get3A_267 = arith.constant 1280 : index
    %get3A_268 = tpu.vector_load %arg8[%get3A_267] {strides = array<i32>} : memref<5120xi32, #tpu.memory_space<vmem>>, vector<16xi32>,
    %add3A_269 = arith.addi %add3A_266, %get3A_268 : vector<16xi32>
    %get3A_270 = arith.constant 1600 : index
    %get3A_271 = tpu.vector_load %arg8[%get3A_270] {strides = array<i32>} : memref<5120xi32, #tpu.memory_space<vmem>>, vector<16xi32>,
    %add3A_272 = arith.addi %add3A_269, %get3A_271 : vector<16xi32>
    %get3A_273 = arith.constant 1920 : index
    %get3A_274 = tpu.vector_load %arg8[%get3A_273] {strides = array<i32>} : memref<5120xi32, #tpu.memory_space<vmem>>, vector<16xi32>,
    %add3A_275 = arith.addi %add3A_272, %get3A_274 : vector<16xi32>
    %get3A_276 = arith.constant 2240 : index
    %get3A_277 = tpu.vector_load %arg8[%get3A_276] {strides = array<i32>} : memref<5120xi32, #tpu.memory_space<vmem>>, vector<16xi32>,
    %add3A_278 = arith.addi %add3A_275, %get3A_277 : vector<16xi32>
    %get3A_279 = arith.constant 2560 : index
    %get3A_280 = tpu.vector_load %arg8[%get3A_279] {strides = array<i32>} : memref<5120xi32, #tpu.memory_space<vmem>>, vector<16xi32>,
    %add3A_281 = arith.addi %add3A_278, %get3A_280 : vector<16xi32>
    %get3A_282 = arith.constant 2880 : index
    %get3A_283 = tpu.vector_load %arg8[%get3A_282] {strides = array<i32>} : memref<5120xi32, #tpu.memory_space<vmem>>, vector<16xi32>,
    %add3A_284 = arith.addi %add3A_281, %get3A_283 : vector<16xi32>
    %get3A_285 = arith.constant 3200 : index
    %get3A_286 = tpu.vector_load %arg8[%get3A_285] {strides = array<i32>} : memref<5120xi32, #tpu.memory_space<vmem>>, vector<16xi32>,
    %add3A_287 = arith.addi %add3A_284, %get3A_286 : vector<16xi32>
    %get3A_288 = arith.constant 3520 : index
    %get3A_289 = tpu.vector_load %arg8[%get3A_288] {strides = array<i32>} : memref<5120xi32, #tpu.memory_space<vmem>>, vector<16xi32>,
    %add3A_290 = arith.addi %add3A_287, %get3A_289 : vector<16xi32>
    %get3A_291 = arith.constant 3840 : index
    %get3A_292 = tpu.vector_load %arg8[%get3A_291] {strides = array<i32>} : memref<5120xi32, #tpu.memory_space<vmem>>, vector<16xi32>,
    %add3A_293 = arith.addi %add3A_290, %get3A_292 : vector<16xi32>
    %get3A_294 = arith.constant 4160 : index
    %get3A_295 = tpu.vector_load %arg8[%get3A_294] {strides = array<i32>} : memref<5120xi32, #tpu.memory_space<vmem>>, vector<16xi32>,
    %add3A_296 = arith.addi %add3A_293, %get3A_295 : vector<16xi32>
    %get3A_297 = arith.constant 4480 : index
    %get3A_298 = tpu.vector_load %arg8[%get3A_297] {strides = array<i32>} : memref<5120xi32, #tpu.memory_space<vmem>>, vector<16xi32>,
    %add3A_299 = arith.addi %add3A_296, %get3A_298 : vector<16xi32>
    %get3A_300 = arith.constant 4800 : index
    %get3A_301 = tpu.vector_load %arg8[%get3A_300] {strides = array<i32>} : memref<5120xi32, #tpu.memory_space<vmem>>, vector<16xi32>,
    %add3A_302 = arith.addi %add3A_299, %get3A_301 : vector<16xi32>
    %min3A = arith.minsi %add3A_302, %broadcast_in_dim3A_256 : vector<16xi32>
    %swap3A_303 = arith.constant 0 : i32
    %swap3A_304 = arith.index_cast %swap3A_303 : i32 to index
    %swap3A_305 = arith.constant 0 : index
    %swap3A_306 = tpu.vector_load %arg9[%swap3A_304, %swap3A_305] {strides = array<i32>} : memref<4x80xi32, #tpu.memory_space<vmem>>, vector<16xi32>,
    tpu.vector_store %arg9[%swap3A_304, %swap3A_305], %min3A {strides = array<i32>} : memref<4x80xi32, #tpu.memory_space<vmem>>, vector<16xi32>,
    %get3A_307 = arith.constant 16 : index
    %get3A_308 = tpu.vector_load %arg8[%get3A_307] {strides = array<i32>} : memref<5120xi32, #tpu.memory_space<vmem>>, vector<16xi32>,
    %get3A_309 = arith.constant 336 : index
    %get3A_310 = tpu.vector_load %arg8[%get3A_309] {strides = array<i32>} : memref<5120xi32, #tpu.memory_space<vmem>>, vector<16xi32>,
    %add3A_311 = arith.addi %get3A_308, %get3A_310 : vector<16xi32>
    %get3A_312 = arith.constant 656 : index
    %get3A_313 = tpu.vector_load %arg8[%get3A_312] {strides = array<i32>} : memref<5120xi32, #tpu.memory_space<vmem>>, vector<16xi32>,
    %add3A_314 = arith.addi %add3A_311, %get3A_313 : vector<16xi32>
    %get3A_315 = arith.constant 976 : index
    %get3A_316 = tpu.vector_load %arg8[%get3A_315] {strides = array<i32>} : memref<5120xi32, #tpu.memory_space<vmem>>, vector<16xi32>,
    %add3A_317 = arith.addi %add3A_314, %get3A_316 : vector<16xi32>
    %get3A_318 = arith.constant 1296 : index
    %get3A_319 = tpu.vector_load %arg8[%get3A_318] {strides = array<i32>} : memref<5120xi32, #tpu.memory_space<vmem>>, vector<16xi32>,
    %add3A_320 = arith.addi %add3A_317, %get3A_319 : vector<16xi32>
    %get3A_321 = arith.constant 1616 : index
    %get3A_322 = tpu.vector_load %arg8[%get3A_321] {strides = array<i32>} : memref<5120xi32, #tpu.memory_space<vmem>>, vector<16xi32>,
    %add3A_323 = arith.addi %add3A_320, %get3A_322 : vector<16xi32>
    %get3A_324 = arith.constant 1936 : index
    %get3A_325 = tpu.vector_load %arg8[%get3A_324] {strides = array<i32>} : memref<5120xi32, #tpu.memory_space<vmem>>, vector<16xi32>,
    %add3A_326 = arith.addi %add3A_323, %get3A_325 : vector<16xi32>
    %get3A_327 = arith.constant 2256 : index
    %get3A_328 = tpu.vector_load %arg8[%get3A_327] {strides = array<i32>} : memref<5120xi32, #tpu.memory_space<vmem>>, vector<16xi32>,
    %add3A_329 = arith.addi %add3A_326, %get3A_328 : vector<16xi32>
    %get3A_330 = arith.constant 2576 : index
    %get3A_331 = tpu.vector_load %arg8[%get3A_330] {strides = array<i32>} : memref<5120xi32, #tpu.memory_space<vmem>>, vector<16xi32>,
    %add3A_332 = arith.addi %add3A_329, %get3A_331 : vector<16xi32>
    %get3A_333 = arith.constant 2896 : index
    %get3A_334 = tpu.vector_load %arg8[%get3A_333] {strides = array<i32>} : memref<5120xi32, #tpu.memory_space<vmem>>, vector<16xi32>,
    %add3A_335 = arith.addi %add3A_332, %get3A_334 : vector<16xi32>
    %get3A_336 = arith.constant 3216 : index
    %get3A_337 = tpu.vector_load %arg8[%get3A_336] {strides = array<i32>} : memref<5120xi32, #tpu.memory_space<vmem>>, vector<16xi32>,
    %add3A_338 = arith.addi %add3A_335, %get3A_337 : vector<16xi32>
    %get3A_339 = arith.constant 3536 : index
    %get3A_340 = tpu.vector_load %arg8[%get3A_339] {strides = array<i32>} : memref<5120xi32, #tpu.memory_space<vmem>>, vector<16xi32>,
    %add3A_341 = arith.addi %add3A_338, %get3A_340 : vector<16xi32>
    %get3A_342 = arith.constant 3856 : index
    %get3A_343 = tpu.vector_load %arg8[%get3A_342] {strides = array<i32>} : memref<5120xi32, #tpu.memory_space<vmem>>, vector<16xi32>,
    %add3A_344 = arith.addi %add3A_341, %get3A_343 : vector<16xi32>
    %get3A_345 = arith.constant 4176 : index
    %get3A_346 = tpu.vector_load %arg8[%get3A_345] {strides = array<i32>} : memref<5120xi32, #tpu.memory_space<vmem>>, vector<16xi32>,
    %add3A_347 = arith.addi %add3A_344, %get3A_346 : vector<16xi32>
    %get3A_348 = arith.constant 4496 : index
    %get3A_349 = tpu.vector_load %arg8[%get3A_348] {strides = array<i32>} : memref<5120xi32, #tpu.memory_space<vmem>>, vector<16xi32>,
    %add3A_350 = arith.addi %add3A_347, %get3A_349 : vector<16xi32>
    %get3A_351 = arith.constant 4816 : index
    %get3A_352 = tpu.vector_load %arg8[%get3A_351] {strides = array<i32>} : memref<5120xi32, #tpu.memory_space<vmem>>, vector<16xi32>,
    %add3A_353 = arith.addi %add3A_350, %get3A_352 : vector<16xi32>
    %min3A_354 = arith.minsi %add3A_353, %broadcast_in_dim3A_256 : vector<16xi32>
    %swap3A_355 = arith.constant 0 : i32
    %swap3A_356 = arith.index_cast %swap3A_355 : i32 to index
    %swap3A_357 = arith.constant 16 : index
    %swap3A_358 = tpu.vector_load %arg9[%swap3A_356, %swap3A_357] {strides = array<i32>} : memref<4x80xi32, #tpu.memory_space<vmem>>, vector<16xi32>,
    tpu.vector_store %arg9[%swap3A_356, %swap3A_357], %min3A_354 {strides = array<i32>} : memref<4x80xi32, #tpu.memory_space<vmem>>, vector<16xi32>,
    %get3A_359 = arith.constant 32 : index
    %get3A_360 = tpu.vector_load %arg8[%get3A_359] {strides = array<i32>} : memref<5120xi32, #tpu.memory_space<vmem>>, vector<16xi32>,
    %get3A_361 = arith.constant 352 : index
    %get3A_362 = tpu.vector_load %arg8[%get3A_361] {strides = array<i32>} : memref<5120xi32, #tpu.memory_space<vmem>>, vector<16xi32>,
    %add3A_363 = arith.addi %get3A_360, %get3A_362 : vector<16xi32>
    %get3A_364 = arith.constant 672 : index
    %get3A_365 = tpu.vector_load %arg8[%get3A_364] {strides = array<i32>} : memref<5120xi32, #tpu.memory_space<vmem>>, vector<16xi32>,
    %add3A_366 = arith.addi %add3A_363, %get3A_365 : vector<16xi32>
    %get3A_367 = arith.constant 992 : index
    %get3A_368 = tpu.vector_load %arg8[%get3A_367] {strides = array<i32>} : memref<5120xi32, #tpu.memory_space<vmem>>, vector<16xi32>,
    %add3A_369 = arith.addi %add3A_366, %get3A_368 : vector<16xi32>
    %get3A_370 = arith.constant 1312 : index
    %get3A_371 = tpu.vector_load %arg8[%get3A_370] {strides = array<i32>} : memref<5120xi32, #tpu.memory_space<vmem>>, vector<16xi32>,
    %add3A_372 = arith.addi %add3A_369, %get3A_371 : vector<16xi32>
    %get3A_373 = arith.constant 1632 : index
    %get3A_374 = tpu.vector_load %arg8[%get3A_373] {strides = array<i32>} : memref<5120xi32, #tpu.memory_space<vmem>>, vector<16xi32>,
    %add3A_375 = arith.addi %add3A_372, %get3A_374 : vector<16xi32>
    %get3A_376 = arith.constant 1952 : index
    %get3A_377 = tpu.vector_load %arg8[%get3A_376] {strides = array<i32>} : memref<5120xi32, #tpu.memory_space<vmem>>, vector<16xi32>,
    %add3A_378 = arith.addi %add3A_375, %get3A_377 : vector<16xi32>
    %get3A_379 = arith.constant 2272 : index
    %get3A_380 = tpu.vector_load %arg8[%get3A_379] {strides = array<i32>} : memref<5120xi32, #tpu.memory_space<vmem>>, vector<16xi32>,
    %add3A_381 = arith.addi %add3A_378, %get3A_380 : vector<16xi32>
    %get3A_382 = arith.constant 2592 : index
    %get3A_383 = tpu.vector_load %arg8[%get3A_382] {strides = array<i32>} : memref<5120xi32, #tpu.memory_space<vmem>>, vector<16xi32>,
    %add3A_384 = arith.addi %add3A_381, %get3A_383 : vector<16xi32>
    %get3A_385 = arith.constant 2912 : index
    %get3A_386 = tpu.vector_load %arg8[%get3A_385] {strides = array<i32>} : memref<5120xi32, #tpu.memory_space<vmem>>, vector<16xi32>,
    %add3A_387 = arith.addi %add3A_384, %get3A_386 : vector<16xi32>
    %get3A_388 = arith.constant 3232 : index
    %get3A_389 = tpu.vector_load %arg8[%get3A_388] {strides = array<i32>} : memref<5120xi32, #tpu.memory_space<vmem>>, vector<16xi32>,
    %add3A_390 = arith.addi %add3A_387, %get3A_389 : vector<16xi32>
    %get3A_391 = arith.constant 3552 : index
    %get3A_392 = tpu.vector_load %arg8[%get3A_391] {strides = array<i32>} : memref<5120xi32, #tpu.memory_space<vmem>>, vector<16xi32>,
    %add3A_393 = arith.addi %add3A_390, %get3A_392 : vector<16xi32>
    %get3A_394 = arith.constant 3872 : index
    %get3A_395 = tpu.vector_load %arg8[%get3A_394] {strides = array<i32>} : memref<5120xi32, #tpu.memory_space<vmem>>, vector<16xi32>,
    %add3A_396 = arith.addi %add3A_393, %get3A_395 : vector<16xi32>
    %get3A_397 = arith.constant 4192 : index
    %get3A_398 = tpu.vector_load %arg8[%get3A_397] {strides = array<i32>} : memref<5120xi32, #tpu.memory_space<vmem>>, vector<16xi32>,
    %add3A_399 = arith.addi %add3A_396, %get3A_398 : vector<16xi32>
    %get3A_400 = arith.constant 4512 : index
    %get3A_401 = tpu.vector_load %arg8[%get3A_400] {strides = array<i32>} : memref<5120xi32, #tpu.memory_space<vmem>>, vector<16xi32>,
    %add3A_402 = arith.addi %add3A_399, %get3A_401 : vector<16xi32>
    %get3A_403 = arith.constant 4832 : index
    %get3A_404 = tpu.vector_load %arg8[%get3A_403] {strides = array<i32>} : memref<5120xi32, #tpu.memory_space<vmem>>, vector<16xi32>,
    %add3A_405 = arith.addi %add3A_402, %get3A_404 : vector<16xi32>
    %min3A_406 = arith.minsi %add3A_405, %broadcast_in_dim3A_256 : vector<16xi32>
    %swap3A_407 = arith.constant 0 : i32
    %swap3A_408 = arith.index_cast %swap3A_407 : i32 to index
    %swap3A_409 = arith.constant 32 : index
    %swap3A_410 = tpu.vector_load %arg9[%swap3A_408, %swap3A_409] {strides = array<i32>} : memref<4x80xi32, #tpu.memory_space<vmem>>, vector<16xi32>,
    tpu.vector_store %arg9[%swap3A_408, %swap3A_409], %min3A_406 {strides = array<i32>} : memref<4x80xi32, #tpu.memory_space<vmem>>, vector<16xi32>,
    %get3A_411 = arith.constant 48 : index
    %get3A_412 = tpu.vector_load %arg8[%get3A_411] {strides = array<i32>} : memref<5120xi32, #tpu.memory_space<vmem>>, vector<16xi32>,
    %get3A_413 = arith.constant 368 : index
    %get3A_414 = tpu.vector_load %arg8[%get3A_413] {strides = array<i32>} : memref<5120xi32, #tpu.memory_space<vmem>>, vector<16xi32>,
    %add3A_415 = arith.addi %get3A_412, %get3A_414 : vector<16xi32>
    %get3A_416 = arith.constant 688 : index
    %get3A_417 = tpu.vector_load %arg8[%get3A_416] {strides = array<i32>} : memref<5120xi32, #tpu.memory_space<vmem>>, vector<16xi32>,
    %add3A_418 = arith.addi %add3A_415, %get3A_417 : vector<16xi32>
    %get3A_419 = arith.constant 1008 : index
    %get3A_420 = tpu.vector_load %arg8[%get3A_419] {strides = array<i32>} : memref<5120xi32, #tpu.memory_space<vmem>>, vector<16xi32>,
    %add3A_421 = arith.addi %add3A_418, %get3A_420 : vector<16xi32>
    %get3A_422 = arith.constant 1328 : index
    %get3A_423 = tpu.vector_load %arg8[%get3A_422] {strides = array<i32>} : memref<5120xi32, #tpu.memory_space<vmem>>, vector<16xi32>,
    %add3A_424 = arith.addi %add3A_421, %get3A_423 : vector<16xi32>
    %get3A_425 = arith.constant 1648 : index
    %get3A_426 = tpu.vector_load %arg8[%get3A_425] {strides = array<i32>} : memref<5120xi32, #tpu.memory_space<vmem>>, vector<16xi32>,
    %add3A_427 = arith.addi %add3A_424, %get3A_426 : vector<16xi32>
    %get3A_428 = arith.constant 1968 : index
    %get3A_429 = tpu.vector_load %arg8[%get3A_428] {strides = array<i32>} : memref<5120xi32, #tpu.memory_space<vmem>>, vector<16xi32>,
    %add3A_430 = arith.addi %add3A_427, %get3A_429 : vector<16xi32>
    %get3A_431 = arith.constant 2288 : index
    %get3A_432 = tpu.vector_load %arg8[%get3A_431] {strides = array<i32>} : memref<5120xi32, #tpu.memory_space<vmem>>, vector<16xi32>,
    %add3A_433 = arith.addi %add3A_430, %get3A_432 : vector<16xi32>
    %get3A_434 = arith.constant 2608 : index
    %get3A_435 = tpu.vector_load %arg8[%get3A_434] {strides = array<i32>} : memref<5120xi32, #tpu.memory_space<vmem>>, vector<16xi32>,
    %add3A_436 = arith.addi %add3A_433, %get3A_435 : vector<16xi32>
    %get3A_437 = arith.constant 2928 : index
    %get3A_438 = tpu.vector_load %arg8[%get3A_437] {strides = array<i32>} : memref<5120xi32, #tpu.memory_space<vmem>>, vector<16xi32>,
    %add3A_439 = arith.addi %add3A_436, %get3A_438 : vector<16xi32>
    %get3A_440 = arith.constant 3248 : index
    %get3A_441 = tpu.vector_load %arg8[%get3A_440] {strides = array<i32>} : memref<5120xi32, #tpu.memory_space<vmem>>, vector<16xi32>,
    %add3A_442 = arith.addi %add3A_439, %get3A_441 : vector<16xi32>
    %get3A_443 = arith.constant 3568 : index
    %get3A_444 = tpu.vector_load %arg8[%get3A_443] {strides = array<i32>} : memref<5120xi32, #tpu.memory_space<vmem>>, vector<16xi32>,
    %add3A_445 = arith.addi %add3A_442, %get3A_444 : vector<16xi32>
    %get3A_446 = arith.constant 3888 : index
    %get3A_447 = tpu.vector_load %arg8[%get3A_446] {strides = array<i32>} : memref<5120xi32, #tpu.memory_space<vmem>>, vector<16xi32>,
    %add3A_448 = arith.addi %add3A_445, %get3A_447 : vector<16xi32>
    %get3A_449 = arith.constant 4208 : index
    %get3A_450 = tpu.vector_load %arg8[%get3A_449] {strides = array<i32>} : memref<5120xi32, #tpu.memory_space<vmem>>, vector<16xi32>,
    %add3A_451 = arith.addi %add3A_448, %get3A_450 : vector<16xi32>
    %get3A_452 = arith.constant 4528 : index
    %get3A_453 = tpu.vector_load %arg8[%get3A_452] {strides = array<i32>} : memref<5120xi32, #tpu.memory_space<vmem>>, vector<16xi32>,
    %add3A_454 = arith.addi %add3A_451, %get3A_453 : vector<16xi32>
    %get3A_455 = arith.constant 4848 : index
    %get3A_456 = tpu.vector_load %arg8[%get3A_455] {strides = array<i32>} : memref<5120xi32, #tpu.memory_space<vmem>>, vector<16xi32>,
    %add3A_457 = arith.addi %add3A_454, %get3A_456 : vector<16xi32>
    %min3A_458 = arith.minsi %add3A_457, %broadcast_in_dim3A_256 : vector<16xi32>
    %swap3A_459 = arith.constant 0 : i32
    %swap3A_460 = arith.index_cast %swap3A_459 : i32 to index
    %swap3A_461 = arith.constant 48 : index
    %swap3A_462 = tpu.vector_load %arg9[%swap3A_460, %swap3A_461] {strides = array<i32>} : memref<4x80xi32, #tpu.memory_space<vmem>>, vector<16xi32>,
    tpu.vector_store %arg9[%swap3A_460, %swap3A_461], %min3A_458 {strides = array<i32>} : memref<4x80xi32, #tpu.memory_space<vmem>>, vector<16xi32>,
    %get3A_463 = arith.constant 64 : index
    %get3A_464 = tpu.vector_load %arg8[%get3A_463] {strides = array<i32>} : memref<5120xi32, #tpu.memory_space<vmem>>, vector<16xi32>,
    %get3A_465 = arith.constant 384 : index
    %get3A_466 = tpu.vector_load %arg8[%get3A_465] {strides = array<i32>} : memref<5120xi32, #tpu.memory_space<vmem>>, vector<16xi32>,
    %add3A_467 = arith.addi %get3A_464, %get3A_466 : vector<16xi32>
    %get3A_468 = arith.constant 704 : index
    %get3A_469 = tpu.vector_load %arg8[%get3A_468] {strides = array<i32>} : memref<5120xi32, #tpu.memory_space<vmem>>, vector<16xi32>,
    %add3A_470 = arith.addi %add3A_467, %get3A_469 : vector<16xi32>
    %get3A_471 = arith.constant 1024 : index
    %get3A_472 = tpu.vector_load %arg8[%get3A_471] {strides = array<i32>} : memref<5120xi32, #tpu.memory_space<vmem>>, vector<16xi32>,
    %add3A_473 = arith.addi %add3A_470, %get3A_472 : vector<16xi32>
    %get3A_474 = arith.constant 1344 : index
    %get3A_475 = tpu.vector_load %arg8[%get3A_474] {strides = array<i32>} : memref<5120xi32, #tpu.memory_space<vmem>>, vector<16xi32>,
    %add3A_476 = arith.addi %add3A_473, %get3A_475 : vector<16xi32>
    %get3A_477 = arith.constant 1664 : index
    %get3A_478 = tpu.vector_load %arg8[%get3A_477] {strides = array<i32>} : memref<5120xi32, #tpu.memory_space<vmem>>, vector<16xi32>,
    %add3A_479 = arith.addi %add3A_476, %get3A_478 : vector<16xi32>
    %get3A_480 = arith.constant 1984 : index
    %get3A_481 = tpu.vector_load %arg8[%get3A_480] {strides = array<i32>} : memref<5120xi32, #tpu.memory_space<vmem>>, vector<16xi32>,
    %add3A_482 = arith.addi %add3A_479, %get3A_481 : vector<16xi32>
    %get3A_483 = arith.constant 2304 : index
    %get3A_484 = tpu.vector_load %arg8[%get3A_483] {strides = array<i32>} : memref<5120xi32, #tpu.memory_space<vmem>>, vector<16xi32>,
    %add3A_485 = arith.addi %add3A_482, %get3A_484 : vector<16xi32>
    %get3A_486 = arith.constant 2624 : index
    %get3A_487 = tpu.vector_load %arg8[%get3A_486] {strides = array<i32>} : memref<5120xi32, #tpu.memory_space<vmem>>, vector<16xi32>,
    %add3A_488 = arith.addi %add3A_485, %get3A_487 : vector<16xi32>
    %get3A_489 = arith.constant 2944 : index
    %get3A_490 = tpu.vector_load %arg8[%get3A_489] {strides = array<i32>} : memref<5120xi32, #tpu.memory_space<vmem>>, vector<16xi32>,
    %add3A_491 = arith.addi %add3A_488, %get3A_490 : vector<16xi32>
    %get3A_492 = arith.constant 3264 : index
    %get3A_493 = tpu.vector_load %arg8[%get3A_492] {strides = array<i32>} : memref<5120xi32, #tpu.memory_space<vmem>>, vector<16xi32>,
    %add3A_494 = arith.addi %add3A_491, %get3A_493 : vector<16xi32>
    %get3A_495 = arith.constant 3584 : index
    %get3A_496 = tpu.vector_load %arg8[%get3A_495] {strides = array<i32>} : memref<5120xi32, #tpu.memory_space<vmem>>, vector<16xi32>,
    %add3A_497 = arith.addi %add3A_494, %get3A_496 : vector<16xi32>
    %get3A_498 = arith.constant 3904 : index
    %get3A_499 = tpu.vector_load %arg8[%get3A_498] {strides = array<i32>} : memref<5120xi32, #tpu.memory_space<vmem>>, vector<16xi32>,
    %add3A_500 = arith.addi %add3A_497, %get3A_499 : vector<16xi32>
    %get3A_501 = arith.constant 4224 : index
    %get3A_502 = tpu.vector_load %arg8[%get3A_501] {strides = array<i32>} : memref<5120xi32, #tpu.memory_space<vmem>>, vector<16xi32>,
    %add3A_503 = arith.addi %add3A_500, %get3A_502 : vector<16xi32>
    %get3A_504 = arith.constant 4544 : index
    %get3A_505 = tpu.vector_load %arg8[%get3A_504] {strides = array<i32>} : memref<5120xi32, #tpu.memory_space<vmem>>, vector<16xi32>,
    %add3A_506 = arith.addi %add3A_503, %get3A_505 : vector<16xi32>
    %get3A_507 = arith.constant 4864 : index
    %get3A_508 = tpu.vector_load %arg8[%get3A_507] {strides = array<i32>} : memref<5120xi32, #tpu.memory_space<vmem>>, vector<16xi32>,
    %add3A_509 = arith.addi %add3A_506, %get3A_508 : vector<16xi32>
    %min3A_510 = arith.minsi %add3A_509, %broadcast_in_dim3A_256 : vector<16xi32>
    %swap3A_511 = arith.constant 0 : i32
    %swap3A_512 = arith.index_cast %swap3A_511 : i32 to index
    %swap3A_513 = arith.constant 64 : index
    %swap3A_514 = tpu.vector_load %arg9[%swap3A_512, %swap3A_513] {strides = array<i32>} : memref<4x80xi32, #tpu.memory_space<vmem>>, vector<16xi32>,
    tpu.vector_store %arg9[%swap3A_512, %swap3A_513], %min3A_510 {strides = array<i32>} : memref<4x80xi32, #tpu.memory_space<vmem>>, vector<16xi32>,
    %get3A_515 = arith.constant 80 : index
    %get3A_516 = tpu.vector_load %arg8[%get3A_515] {strides = array<i32>} : memref<5120xi32, #tpu.memory_space<vmem>>, vector<16xi32>,
    %get3A_517 = arith.constant 400 : index
    %get3A_518 = tpu.vector_load %arg8[%get3A_517] {strides = array<i32>} : memref<5120xi32, #tpu.memory_space<vmem>>, vector<16xi32>,
    %add3A_519 = arith.addi %get3A_516, %get3A_518 : vector<16xi32>
    %get3A_520 = arith.constant 720 : index
    %get3A_521 = tpu.vector_load %arg8[%get3A_520] {strides = array<i32>} : memref<5120xi32, #tpu.memory_space<vmem>>, vector<16xi32>,
    %add3A_522 = arith.addi %add3A_519, %get3A_521 : vector<16xi32>
    %get3A_523 = arith.constant 1040 : index
    %get3A_524 = tpu.vector_load %arg8[%get3A_523] {strides = array<i32>} : memref<5120xi32, #tpu.memory_space<vmem>>, vector<16xi32>,
    %add3A_525 = arith.addi %add3A_522, %get3A_524 : vector<16xi32>
    %get3A_526 = arith.constant 1360 : index
    %get3A_527 = tpu.vector_load %arg8[%get3A_526] {strides = array<i32>} : memref<5120xi32, #tpu.memory_space<vmem>>, vector<16xi32>,
    %add3A_528 = arith.addi %add3A_525, %get3A_527 : vector<16xi32>
    %get3A_529 = arith.constant 1680 : index
    %get3A_530 = tpu.vector_load %arg8[%get3A_529] {strides = array<i32>} : memref<5120xi32, #tpu.memory_space<vmem>>, vector<16xi32>,
    %add3A_531 = arith.addi %add3A_528, %get3A_530 : vector<16xi32>
    %get3A_532 = arith.constant 2000 : index
    %get3A_533 = tpu.vector_load %arg8[%get3A_532] {strides = array<i32>} : memref<5120xi32, #tpu.memory_space<vmem>>, vector<16xi32>,
    %add3A_534 = arith.addi %add3A_531, %get3A_533 : vector<16xi32>
    %get3A_535 = arith.constant 2320 : index
    %get3A_536 = tpu.vector_load %arg8[%get3A_535] {strides = array<i32>} : memref<5120xi32, #tpu.memory_space<vmem>>, vector<16xi32>,
    %add3A_537 = arith.addi %add3A_534, %get3A_536 : vector<16xi32>
    %get3A_538 = arith.constant 2640 : index
    %get3A_539 = tpu.vector_load %arg8[%get3A_538] {strides = array<i32>} : memref<5120xi32, #tpu.memory_space<vmem>>, vector<16xi32>,
    %add3A_540 = arith.addi %add3A_537, %get3A_539 : vector<16xi32>
    %get3A_541 = arith.constant 2960 : index
    %get3A_542 = tpu.vector_load %arg8[%get3A_541] {strides = array<i32>} : memref<5120xi32, #tpu.memory_space<vmem>>, vector<16xi32>,
    %add3A_543 = arith.addi %add3A_540, %get3A_542 : vector<16xi32>
    %get3A_544 = arith.constant 3280 : index
    %get3A_545 = tpu.vector_load %arg8[%get3A_544] {strides = array<i32>} : memref<5120xi32, #tpu.memory_space<vmem>>, vector<16xi32>,
    %add3A_546 = arith.addi %add3A_543, %get3A_545 : vector<16xi32>
    %get3A_547 = arith.constant 3600 : index
    %get3A_548 = tpu.vector_load %arg8[%get3A_547] {strides = array<i32>} : memref<5120xi32, #tpu.memory_space<vmem>>, vector<16xi32>,
    %add3A_549 = arith.addi %add3A_546, %get3A_548 : vector<16xi32>
    %get3A_550 = arith.constant 3920 : index
    %get3A_551 = tpu.vector_load %arg8[%get3A_550] {strides = array<i32>} : memref<5120xi32, #tpu.memory_space<vmem>>, vector<16xi32>,
    %add3A_552 = arith.addi %add3A_549, %get3A_551 : vector<16xi32>
    %get3A_553 = arith.constant 4240 : index
    %get3A_554 = tpu.vector_load %arg8[%get3A_553] {strides = array<i32>} : memref<5120xi32, #tpu.memory_space<vmem>>, vector<16xi32>,
    %add3A_555 = arith.addi %add3A_552, %get3A_554 : vector<16xi32>
    %get3A_556 = arith.constant 4560 : index
    %get3A_557 = tpu.vector_load %arg8[%get3A_556] {strides = array<i32>} : memref<5120xi32, #tpu.memory_space<vmem>>, vector<16xi32>,
    %add3A_558 = arith.addi %add3A_555, %get3A_557 : vector<16xi32>
    %get3A_559 = arith.constant 4880 : index
    %get3A_560 = tpu.vector_load %arg8[%get3A_559] {strides = array<i32>} : memref<5120xi32, #tpu.memory_space<vmem>>, vector<16xi32>,
    %add3A_561 = arith.addi %add3A_558, %get3A_560 : vector<16xi32>
    %min3A_562 = arith.minsi %add3A_561, %broadcast_in_dim3A_256 : vector<16xi32>
    %swap3A_563 = arith.constant 1 : i32
    %swap3A_564 = arith.index_cast %swap3A_563 : i32 to index
    %swap3A_565 = arith.constant 0 : index
    %swap3A_566 = tpu.vector_load %arg9[%swap3A_564, %swap3A_565] {strides = array<i32>} : memref<4x80xi32, #tpu.memory_space<vmem>>, vector<16xi32>,
    tpu.vector_store %arg9[%swap3A_564, %swap3A_565], %min3A_562 {strides = array<i32>} : memref<4x80xi32, #tpu.memory_space<vmem>>, vector<16xi32>,
    %get3A_567 = arith.constant 96 : index
    %get3A_568 = tpu.vector_load %arg8[%get3A_567] {strides = array<i32>} : memref<5120xi32, #tpu.memory_space<vmem>>, vector<16xi32>,
    %get3A_569 = arith.constant 416 : index
    %get3A_570 = tpu.vector_load %arg8[%get3A_569] {strides = array<i32>} : memref<5120xi32, #tpu.memory_space<vmem>>, vector<16xi32>,
    %add3A_571 = arith.addi %get3A_568, %get3A_570 : vector<16xi32>
    %get3A_572 = arith.constant 736 : index
    %get3A_573 = tpu.vector_load %arg8[%get3A_572] {strides = array<i32>} : memref<5120xi32, #tpu.memory_space<vmem>>, vector<16xi32>,
    %add3A_574 = arith.addi %add3A_571, %get3A_573 : vector<16xi32>
    %get3A_575 = arith.constant 1056 : index
    %get3A_576 = tpu.vector_load %arg8[%get3A_575] {strides = array<i32>} : memref<5120xi32, #tpu.memory_space<vmem>>, vector<16xi32>,
    %add3A_577 = arith.addi %add3A_574, %get3A_576 : vector<16xi32>
    %get3A_578 = arith.constant 1376 : index
    %get3A_579 = tpu.vector_load %arg8[%get3A_578] {strides = array<i32>} : memref<5120xi32, #tpu.memory_space<vmem>>, vector<16xi32>,
    %add3A_580 = arith.addi %add3A_577, %get3A_579 : vector<16xi32>
    %get3A_581 = arith.constant 1696 : index
    %get3A_582 = tpu.vector_load %arg8[%get3A_581] {strides = array<i32>} : memref<5120xi32, #tpu.memory_space<vmem>>, vector<16xi32>,
    %add3A_583 = arith.addi %add3A_580, %get3A_582 : vector<16xi32>
    %get3A_584 = arith.constant 2016 : index
    %get3A_585 = tpu.vector_load %arg8[%get3A_584] {strides = array<i32>} : memref<5120xi32, #tpu.memory_space<vmem>>, vector<16xi32>,
    %add3A_586 = arith.addi %add3A_583, %get3A_585 : vector<16xi32>
    %get3A_587 = arith.constant 2336 : index
    %get3A_588 = tpu.vector_load %arg8[%get3A_587] {strides = array<i32>} : memref<5120xi32, #tpu.memory_space<vmem>>, vector<16xi32>,
    %add3A_589 = arith.addi %add3A_586, %get3A_588 : vector<16xi32>
    %get3A_590 = arith.constant 2656 : index
    %get3A_591 = tpu.vector_load %arg8[%get3A_590] {strides = array<i32>} : memref<5120xi32, #tpu.memory_space<vmem>>, vector<16xi32>,
    %add3A_592 = arith.addi %add3A_589, %get3A_591 : vector<16xi32>
    %get3A_593 = arith.constant 2976 : index
    %get3A_594 = tpu.vector_load %arg8[%get3A_593] {strides = array<i32>} : memref<5120xi32, #tpu.memory_space<vmem>>, vector<16xi32>,
    %add3A_595 = arith.addi %add3A_592, %get3A_594 : vector<16xi32>
    %get3A_596 = arith.constant 3296 : index
    %get3A_597 = tpu.vector_load %arg8[%get3A_596] {strides = array<i32>} : memref<5120xi32, #tpu.memory_space<vmem>>, vector<16xi32>,
    %add3A_598 = arith.addi %add3A_595, %get3A_597 : vector<16xi32>
    %get3A_599 = arith.constant 3616 : index
    %get3A_600 = tpu.vector_load %arg8[%get3A_599] {strides = array<i32>} : memref<5120xi32, #tpu.memory_space<vmem>>, vector<16xi32>,
    %add3A_601 = arith.addi %add3A_598, %get3A_600 : vector<16xi32>
    %get3A_602 = arith.constant 3936 : index
    %get3A_603 = tpu.vector_load %arg8[%get3A_602] {strides = array<i32>} : memref<5120xi32, #tpu.memory_space<vmem>>, vector<16xi32>,
    %add3A_604 = arith.addi %add3A_601, %get3A_603 : vector<16xi32>
    %get3A_605 = arith.constant 4256 : index
    %get3A_606 = tpu.vector_load %arg8[%get3A_605] {strides = array<i32>} : memref<5120xi32, #tpu.memory_space<vmem>>, vector<16xi32>,
    %add3A_607 = arith.addi %add3A_604, %get3A_606 : vector<16xi32>
    %get3A_608 = arith.constant 4576 : index
    %get3A_609 = tpu.vector_load %arg8[%get3A_608] {strides = array<i32>} : memref<5120xi32, #tpu.memory_space<vmem>>, vector<16xi32>,
    %add3A_610 = arith.addi %add3A_607, %get3A_609 : vector<16xi32>
    %get3A_611 = arith.constant 4896 : index
    %get3A_612 = tpu.vector_load %arg8[%get3A_611] {strides = array<i32>} : memref<5120xi32, #tpu.memory_space<vmem>>, vector<16xi32>,
    %add3A_613 = arith.addi %add3A_610, %get3A_612 : vector<16xi32>
    %min3A_614 = arith.minsi %add3A_613, %broadcast_in_dim3A_256 : vector<16xi32>
    %swap3A_615 = arith.constant 1 : i32
    %swap3A_616 = arith.index_cast %swap3A_615 : i32 to index
    %swap3A_617 = arith.constant 16 : index
    %swap3A_618 = tpu.vector_load %arg9[%swap3A_616, %swap3A_617] {strides = array<i32>} : memref<4x80xi32, #tpu.memory_space<vmem>>, vector<16xi32>,
    tpu.vector_store %arg9[%swap3A_616, %swap3A_617], %min3A_614 {strides = array<i32>} : memref<4x80xi32, #tpu.memory_space<vmem>>, vector<16xi32>,
    %get3A_619 = arith.constant 112 : index
    %get3A_620 = tpu.vector_load %arg8[%get3A_619] {strides = array<i32>} : memref<5120xi32, #tpu.memory_space<vmem>>, vector<16xi32>,
    %get3A_621 = arith.constant 432 : index
    %get3A_622 = tpu.vector_load %arg8[%get3A_621] {strides = array<i32>} : memref<5120xi32, #tpu.memory_space<vmem>>, vector<16xi32>,
    %add3A_623 = arith.addi %get3A_620, %get3A_622 : vector<16xi32>
    %get3A_624 = arith.constant 752 : index
    %get3A_625 = tpu.vector_load %arg8[%get3A_624] {strides = array<i32>} : memref<5120xi32, #tpu.memory_space<vmem>>, vector<16xi32>,
    %add3A_626 = arith.addi %add3A_623, %get3A_625 : vector<16xi32>
    %get3A_627 = arith.constant 1072 : index
    %get3A_628 = tpu.vector_load %arg8[%get3A_627] {strides = array<i32>} : memref<5120xi32, #tpu.memory_space<vmem>>, vector<16xi32>,
    %add3A_629 = arith.addi %add3A_626, %get3A_628 : vector<16xi32>
    %get3A_630 = arith.constant 1392 : index
    %get3A_631 = tpu.vector_load %arg8[%get3A_630] {strides = array<i32>} : memref<5120xi32, #tpu.memory_space<vmem>>, vector<16xi32>,
    %add3A_632 = arith.addi %add3A_629, %get3A_631 : vector<16xi32>
    %get3A_633 = arith.constant 1712 : index
    %get3A_634 = tpu.vector_load %arg8[%get3A_633] {strides = array<i32>} : memref<5120xi32, #tpu.memory_space<vmem>>, vector<16xi32>,
    %add3A_635 = arith.addi %add3A_632, %get3A_634 : vector<16xi32>
    %get3A_636 = arith.constant 2032 : index
    %get3A_637 = tpu.vector_load %arg8[%get3A_636] {strides = array<i32>} : memref<5120xi32, #tpu.memory_space<vmem>>, vector<16xi32>,
    %add3A_638 = arith.addi %add3A_635, %get3A_637 : vector<16xi32>
    %get3A_639 = arith.constant 2352 : index
    %get3A_640 = tpu.vector_load %arg8[%get3A_639] {strides = array<i32>} : memref<5120xi32, #tpu.memory_space<vmem>>, vector<16xi32>,
    %add3A_641 = arith.addi %add3A_638, %get3A_640 : vector<16xi32>
    %get3A_642 = arith.constant 2672 : index
    %get3A_643 = tpu.vector_load %arg8[%get3A_642] {strides = array<i32>} : memref<5120xi32, #tpu.memory_space<vmem>>, vector<16xi32>,
    %add3A_644 = arith.addi %add3A_641, %get3A_643 : vector<16xi32>
    %get3A_645 = arith.constant 2992 : index
    %get3A_646 = tpu.vector_load %arg8[%get3A_645] {strides = array<i32>} : memref<5120xi32, #tpu.memory_space<vmem>>, vector<16xi32>,
    %add3A_647 = arith.addi %add3A_644, %get3A_646 : vector<16xi32>
    %get3A_648 = arith.constant 3312 : index
    %get3A_649 = tpu.vector_load %arg8[%get3A_648] {strides = array<i32>} : memref<5120xi32, #tpu.memory_space<vmem>>, vector<16xi32>,
    %add3A_650 = arith.addi %add3A_647, %get3A_649 : vector<16xi32>
    %get3A_651 = arith.constant 3632 : index
    %get3A_652 = tpu.vector_load %arg8[%get3A_651] {strides = array<i32>} : memref<5120xi32, #tpu.memory_space<vmem>>, vector<16xi32>,
    %add3A_653 = arith.addi %add3A_650, %get3A_652 : vector<16xi32>
    %get3A_654 = arith.constant 3952 : index
    %get3A_655 = tpu.vector_load %arg8[%get3A_654] {strides = array<i32>} : memref<5120xi32, #tpu.memory_space<vmem>>, vector<16xi32>,
    %add3A_656 = arith.addi %add3A_653, %get3A_655 : vector<16xi32>
    %get3A_657 = arith.constant 4272 : index
    %get3A_658 = tpu.vector_load %arg8[%get3A_657] {strides = array<i32>} : memref<5120xi32, #tpu.memory_space<vmem>>, vector<16xi32>,
    %add3A_659 = arith.addi %add3A_656, %get3A_658 : vector<16xi32>
    %get3A_660 = arith.constant 4592 : index
    %get3A_661 = tpu.vector_load %arg8[%get3A_660] {strides = array<i32>} : memref<5120xi32, #tpu.memory_space<vmem>>, vector<16xi32>,
    %add3A_662 = arith.addi %add3A_659, %get3A_661 : vector<16xi32>
    %get3A_663 = arith.constant 4912 : index
    %get3A_664 = tpu.vector_load %arg8[%get3A_663] {strides = array<i32>} : memref<5120xi32, #tpu.memory_space<vmem>>, vector<16xi32>,
    %add3A_665 = arith.addi %add3A_662, %get3A_664 : vector<16xi32>
    %min3A_666 = arith.minsi %add3A_665, %broadcast_in_dim3A_256 : vector<16xi32>
    %swap3A_667 = arith.constant 1 : i32
    %swap3A_668 = arith.index_cast %swap3A_667 : i32 to index
    %swap3A_669 = arith.constant 32 : index
    %swap3A_670 = tpu.vector_load %arg9[%swap3A_668, %swap3A_669] {strides = array<i32>} : memref<4x80xi32, #tpu.memory_space<vmem>>, vector<16xi32>,
    tpu.vector_store %arg9[%swap3A_668, %swap3A_669], %min3A_666 {strides = array<i32>} : memref<4x80xi32, #tpu.memory_space<vmem>>, vector<16xi32>,
    %get3A_671 = arith.constant 128 : index
    %get3A_672 = tpu.vector_load %arg8[%get3A_671] {strides = array<i32>} : memref<5120xi32, #tpu.memory_space<vmem>>, vector<16xi32>,
    %get3A_673 = arith.constant 448 : index
    %get3A_674 = tpu.vector_load %arg8[%get3A_673] {strides = array<i32>} : memref<5120xi32, #tpu.memory_space<vmem>>, vector<16xi32>,
    %add3A_675 = arith.addi %get3A_672, %get3A_674 : vector<16xi32>
    %get3A_676 = arith.constant 768 : index
    %get3A_677 = tpu.vector_load %arg8[%get3A_676] {strides = array<i32>} : memref<5120xi32, #tpu.memory_space<vmem>>, vector<16xi32>,
    %add3A_678 = arith.addi %add3A_675, %get3A_677 : vector<16xi32>
    %get3A_679 = arith.constant 1088 : index
    %get3A_680 = tpu.vector_load %arg8[%get3A_679] {strides = array<i32>} : memref<5120xi32, #tpu.memory_space<vmem>>, vector<16xi32>,
    %add3A_681 = arith.addi %add3A_678, %get3A_680 : vector<16xi32>
    %get3A_682 = arith.constant 1408 : index
    %get3A_683 = tpu.vector_load %arg8[%get3A_682] {strides = array<i32>} : memref<5120xi32, #tpu.memory_space<vmem>>, vector<16xi32>,
    %add3A_684 = arith.addi %add3A_681, %get3A_683 : vector<16xi32>
    %get3A_685 = arith.constant 1728 : index
    %get3A_686 = tpu.vector_load %arg8[%get3A_685] {strides = array<i32>} : memref<5120xi32, #tpu.memory_space<vmem>>, vector<16xi32>,
    %add3A_687 = arith.addi %add3A_684, %get3A_686 : vector<16xi32>
    %get3A_688 = arith.constant 2048 : index
    %get3A_689 = tpu.vector_load %arg8[%get3A_688] {strides = array<i32>} : memref<5120xi32, #tpu.memory_space<vmem>>, vector<16xi32>,
    %add3A_690 = arith.addi %add3A_687, %get3A_689 : vector<16xi32>
    %get3A_691 = arith.constant 2368 : index
    %get3A_692 = tpu.vector_load %arg8[%get3A_691] {strides = array<i32>} : memref<5120xi32, #tpu.memory_space<vmem>>, vector<16xi32>,
    %add3A_693 = arith.addi %add3A_690, %get3A_692 : vector<16xi32>
    %get3A_694 = arith.constant 2688 : index
    %get3A_695 = tpu.vector_load %arg8[%get3A_694] {strides = array<i32>} : memref<5120xi32, #tpu.memory_space<vmem>>, vector<16xi32>,
    %add3A_696 = arith.addi %add3A_693, %get3A_695 : vector<16xi32>
    %get3A_697 = arith.constant 3008 : index
    %get3A_698 = tpu.vector_load %arg8[%get3A_697] {strides = array<i32>} : memref<5120xi32, #tpu.memory_space<vmem>>, vector<16xi32>,
    %add3A_699 = arith.addi %add3A_696, %get3A_698 : vector<16xi32>
    %get3A_700 = arith.constant 3328 : index
    %get3A_701 = tpu.vector_load %arg8[%get3A_700] {strides = array<i32>} : memref<5120xi32, #tpu.memory_space<vmem>>, vector<16xi32>,
    %add3A_702 = arith.addi %add3A_699, %get3A_701 : vector<16xi32>
    %get3A_703 = arith.constant 3648 : index
    %get3A_704 = tpu.vector_load %arg8[%get3A_703] {strides = array<i32>} : memref<5120xi32, #tpu.memory_space<vmem>>, vector<16xi32>,
    %add3A_705 = arith.addi %add3A_702, %get3A_704 : vector<16xi32>
    %get3A_706 = arith.constant 3968 : index
    %get3A_707 = tpu.vector_load %arg8[%get3A_706] {strides = array<i32>} : memref<5120xi32, #tpu.memory_space<vmem>>, vector<16xi32>,
    %add3A_708 = arith.addi %add3A_705, %get3A_707 : vector<16xi32>
    %get3A_709 = arith.constant 4288 : index
    %get3A_710 = tpu.vector_load %arg8[%get3A_709] {strides = array<i32>} : memref<5120xi32, #tpu.memory_space<vmem>>, vector<16xi32>,
    %add3A_711 = arith.addi %add3A_708, %get3A_710 : vector<16xi32>
    %get3A_712 = arith.constant 4608 : index
    %get3A_713 = tpu.vector_load %arg8[%get3A_712] {strides = array<i32>} : memref<5120xi32, #tpu.memory_space<vmem>>, vector<16xi32>,
    %add3A_714 = arith.addi %add3A_711, %get3A_713 : vector<16xi32>
    %get3A_715 = arith.constant 4928 : index
    %get3A_716 = tpu.vector_load %arg8[%get3A_715] {strides = array<i32>} : memref<5120xi32, #tpu.memory_space<vmem>>, vector<16xi32>,
    %add3A_717 = arith.addi %add3A_714, %get3A_716 : vector<16xi32>
    %min3A_718 = arith.minsi %add3A_717, %broadcast_in_dim3A_256 : vector<16xi32>
    %swap3A_719 = arith.constant 1 : i32
    %swap3A_720 = arith.index_cast %swap3A_719 : i32 to index
    %swap3A_721 = arith.constant 48 : index
    %swap3A_722 = tpu.vector_load %arg9[%swap3A_720, %swap3A_721] {strides = array<i32>} : memref<4x80xi32, #tpu.memory_space<vmem>>, vector<16xi32>,
    tpu.vector_store %arg9[%swap3A_720, %swap3A_721], %min3A_718 {strides = array<i32>} : memref<4x80xi32, #tpu.memory_space<vmem>>, vector<16xi32>,
    %get3A_723 = arith.constant 144 : index
    %get3A_724 = tpu.vector_load %arg8[%get3A_723] {strides = array<i32>} : memref<5120xi32, #tpu.memory_space<vmem>>, vector<16xi32>,
    %get3A_725 = arith.constant 464 : index
    %get3A_726 = tpu.vector_load %arg8[%get3A_725] {strides = array<i32>} : memref<5120xi32, #tpu.memory_space<vmem>>, vector<16xi32>,
    %add3A_727 = arith.addi %get3A_724, %get3A_726 : vector<16xi32>
    %get3A_728 = arith.constant 784 : index
    %get3A_729 = tpu.vector_load %arg8[%get3A_728] {strides = array<i32>} : memref<5120xi32, #tpu.memory_space<vmem>>, vector<16xi32>,
    %add3A_730 = arith.addi %add3A_727, %get3A_729 : vector<16xi32>
    %get3A_731 = arith.constant 1104 : index
    %get3A_732 = tpu.vector_load %arg8[%get3A_731] {strides = array<i32>} : memref<5120xi32, #tpu.memory_space<vmem>>, vector<16xi32>,
    %add3A_733 = arith.addi %add3A_730, %get3A_732 : vector<16xi32>
    %get3A_734 = arith.constant 1424 : index
    %get3A_735 = tpu.vector_load %arg8[%get3A_734] {strides = array<i32>} : memref<5120xi32, #tpu.memory_space<vmem>>, vector<16xi32>,
    %add3A_736 = arith.addi %add3A_733, %get3A_735 : vector<16xi32>
    %get3A_737 = arith.constant 1744 : index
    %get3A_738 = tpu.vector_load %arg8[%get3A_737] {strides = array<i32>} : memref<5120xi32, #tpu.memory_space<vmem>>, vector<16xi32>,
    %add3A_739 = arith.addi %add3A_736, %get3A_738 : vector<16xi32>
    %get3A_740 = arith.constant 2064 : index
    %get3A_741 = tpu.vector_load %arg8[%get3A_740] {strides = array<i32>} : memref<5120xi32, #tpu.memory_space<vmem>>, vector<16xi32>,
    %add3A_742 = arith.addi %add3A_739, %get3A_741 : vector<16xi32>
    %get3A_743 = arith.constant 2384 : index
    %get3A_744 = tpu.vector_load %arg8[%get3A_743] {strides = array<i32>} : memref<5120xi32, #tpu.memory_space<vmem>>, vector<16xi32>,
    %add3A_745 = arith.addi %add3A_742, %get3A_744 : vector<16xi32>
    %get3A_746 = arith.constant 2704 : index
    %get3A_747 = tpu.vector_load %arg8[%get3A_746] {strides = array<i32>} : memref<5120xi32, #tpu.memory_space<vmem>>, vector<16xi32>,
    %add3A_748 = arith.addi %add3A_745, %get3A_747 : vector<16xi32>
    %get3A_749 = arith.constant 3024 : index
    %get3A_750 = tpu.vector_load %arg8[%get3A_749] {strides = array<i32>} : memref<5120xi32, #tpu.memory_space<vmem>>, vector<16xi32>,
    %add3A_751 = arith.addi %add3A_748, %get3A_750 : vector<16xi32>
    %get3A_752 = arith.constant 3344 : index
    %get3A_753 = tpu.vector_load %arg8[%get3A_752] {strides = array<i32>} : memref<5120xi32, #tpu.memory_space<vmem>>, vector<16xi32>,
    %add3A_754 = arith.addi %add3A_751, %get3A_753 : vector<16xi32>
    %get3A_755 = arith.constant 3664 : index
    %get3A_756 = tpu.vector_load %arg8[%get3A_755] {strides = array<i32>} : memref<5120xi32, #tpu.memory_space<vmem>>, vector<16xi32>,
    %add3A_757 = arith.addi %add3A_754, %get3A_756 : vector<16xi32>
    %get3A_758 = arith.constant 3984 : index
    %get3A_759 = tpu.vector_load %arg8[%get3A_758] {strides = array<i32>} : memref<5120xi32, #tpu.memory_space<vmem>>, vector<16xi32>,
    %add3A_760 = arith.addi %add3A_757, %get3A_759 : vector<16xi32>
    %get3A_761 = arith.constant 4304 : index
    %get3A_762 = tpu.vector_load %arg8[%get3A_761] {strides = array<i32>} : memref<5120xi32, #tpu.memory_space<vmem>>, vector<16xi32>,
    %add3A_763 = arith.addi %add3A_760, %get3A_762 : vector<16xi32>
    %get3A_764 = arith.constant 4624 : index
    %get3A_765 = tpu.vector_load %arg8[%get3A_764] {strides = array<i32>} : memref<5120xi32, #tpu.memory_space<vmem>>, vector<16xi32>,
    %add3A_766 = arith.addi %add3A_763, %get3A_765 : vector<16xi32>
    %get3A_767 = arith.constant 4944 : index
    %get3A_768 = tpu.vector_load %arg8[%get3A_767] {strides = array<i32>} : memref<5120xi32, #tpu.memory_space<vmem>>, vector<16xi32>,
    %add3A_769 = arith.addi %add3A_766, %get3A_768 : vector<16xi32>
    %min3A_770 = arith.minsi %add3A_769, %broadcast_in_dim3A_256 : vector<16xi32>
    %swap3A_771 = arith.constant 1 : i32
    %swap3A_772 = arith.index_cast %swap3A_771 : i32 to index
    %swap3A_773 = arith.constant 64 : index
    %swap3A_774 = tpu.vector_load %arg9[%swap3A_772, %swap3A_773] {strides = array<i32>} : memref<4x80xi32, #tpu.memory_space<vmem>>, vector<16xi32>,
    tpu.vector_store %arg9[%swap3A_772, %swap3A_773], %min3A_770 {strides = array<i32>} : memref<4x80xi32, #tpu.memory_space<vmem>>, vector<16xi32>,
    %get3A_775 = arith.constant 160 : index
    %get3A_776 = tpu.vector_load %arg8[%get3A_775] {strides = array<i32>} : memref<5120xi32, #tpu.memory_space<vmem>>, vector<16xi32>,
    %get3A_777 = arith.constant 480 : index
    %get3A_778 = tpu.vector_load %arg8[%get3A_777] {strides = array<i32>} : memref<5120xi32, #tpu.memory_space<vmem>>, vector<16xi32>,
    %add3A_779 = arith.addi %get3A_776, %get3A_778 : vector<16xi32>
    %get3A_780 = arith.constant 800 : index
    %get3A_781 = tpu.vector_load %arg8[%get3A_780] {strides = array<i32>} : memref<5120xi32, #tpu.memory_space<vmem>>, vector<16xi32>,
    %add3A_782 = arith.addi %add3A_779, %get3A_781 : vector<16xi32>
    %get3A_783 = arith.constant 1120 : index
    %get3A_784 = tpu.vector_load %arg8[%get3A_783] {strides = array<i32>} : memref<5120xi32, #tpu.memory_space<vmem>>, vector<16xi32>,
    %add3A_785 = arith.addi %add3A_782, %get3A_784 : vector<16xi32>
    %get3A_786 = arith.constant 1440 : index
    %get3A_787 = tpu.vector_load %arg8[%get3A_786] {strides = array<i32>} : memref<5120xi32, #tpu.memory_space<vmem>>, vector<16xi32>,
    %add3A_788 = arith.addi %add3A_785, %get3A_787 : vector<16xi32>
    %get3A_789 = arith.constant 1760 : index
    %get3A_790 = tpu.vector_load %arg8[%get3A_789] {strides = array<i32>} : memref<5120xi32, #tpu.memory_space<vmem>>, vector<16xi32>,
    %add3A_791 = arith.addi %add3A_788, %get3A_790 : vector<16xi32>
    %get3A_792 = arith.constant 2080 : index
    %get3A_793 = tpu.vector_load %arg8[%get3A_792] {strides = array<i32>} : memref<5120xi32, #tpu.memory_space<vmem>>, vector<16xi32>,
    %add3A_794 = arith.addi %add3A_791, %get3A_793 : vector<16xi32>
    %get3A_795 = arith.constant 2400 : index
    %get3A_796 = tpu.vector_load %arg8[%get3A_795] {strides = array<i32>} : memref<5120xi32, #tpu.memory_space<vmem>>, vector<16xi32>,
    %add3A_797 = arith.addi %add3A_794, %get3A_796 : vector<16xi32>
    %get3A_798 = arith.constant 2720 : index
    %get3A_799 = tpu.vector_load %arg8[%get3A_798] {strides = array<i32>} : memref<5120xi32, #tpu.memory_space<vmem>>, vector<16xi32>,
    %add3A_800 = arith.addi %add3A_797, %get3A_799 : vector<16xi32>
    %get3A_801 = arith.constant 3040 : index
    %get3A_802 = tpu.vector_load %arg8[%get3A_801] {strides = array<i32>} : memref<5120xi32, #tpu.memory_space<vmem>>, vector<16xi32>,
    %add3A_803 = arith.addi %add3A_800, %get3A_802 : vector<16xi32>
    %get3A_804 = arith.constant 3360 : index
    %get3A_805 = tpu.vector_load %arg8[%get3A_804] {strides = array<i32>} : memref<5120xi32, #tpu.memory_space<vmem>>, vector<16xi32>,
    %add3A_806 = arith.addi %add3A_803, %get3A_805 : vector<16xi32>
    %get3A_807 = arith.constant 3680 : index
    %get3A_808 = tpu.vector_load %arg8[%get3A_807] {strides = array<i32>} : memref<5120xi32, #tpu.memory_space<vmem>>, vector<16xi32>,
    %add3A_809 = arith.addi %add3A_806, %get3A_808 : vector<16xi32>
    %get3A_810 = arith.constant 4000 : index
    %get3A_811 = tpu.vector_load %arg8[%get3A_810] {strides = array<i32>} : memref<5120xi32, #tpu.memory_space<vmem>>, vector<16xi32>,
    %add3A_812 = arith.addi %add3A_809, %get3A_811 : vector<16xi32>
    %get3A_813 = arith.constant 4320 : index
    %get3A_814 = tpu.vector_load %arg8[%get3A_813] {strides = array<i32>} : memref<5120xi32, #tpu.memory_space<vmem>>, vector<16xi32>,
    %add3A_815 = arith.addi %add3A_812, %get3A_814 : vector<16xi32>
    %get3A_816 = arith.constant 4640 : index
    %get3A_817 = tpu.vector_load %arg8[%get3A_816] {strides = array<i32>} : memref<5120xi32, #tpu.memory_space<vmem>>, vector<16xi32>,
    %add3A_818 = arith.addi %add3A_815, %get3A_817 : vector<16xi32>
    %get3A_819 = arith.constant 4960 : index
    %get3A_820 = tpu.vector_load %arg8[%get3A_819] {strides = array<i32>} : memref<5120xi32, #tpu.memory_space<vmem>>, vector<16xi32>,
    %add3A_821 = arith.addi %add3A_818, %get3A_820 : vector<16xi32>
    %min3A_822 = arith.minsi %add3A_821, %broadcast_in_dim3A_256 : vector<16xi32>
    %swap3A_823 = arith.constant 2 : i32
    %swap3A_824 = arith.index_cast %swap3A_823 : i32 to index
    %swap3A_825 = arith.constant 0 : index
    %swap3A_826 = tpu.vector_load %arg9[%swap3A_824, %swap3A_825] {strides = array<i32>} : memref<4x80xi32, #tpu.memory_space<vmem>>, vector<16xi32>,
    tpu.vector_store %arg9[%swap3A_824, %swap3A_825], %min3A_822 {strides = array<i32>} : memref<4x80xi32, #tpu.memory_space<vmem>>, vector<16xi32>,
    %get3A_827 = arith.constant 176 : index
    %get3A_828 = tpu.vector_load %arg8[%get3A_827] {strides = array<i32>} : memref<5120xi32, #tpu.memory_space<vmem>>, vector<16xi32>,
    %get3A_829 = arith.constant 496 : index
    %get3A_830 = tpu.vector_load %arg8[%get3A_829] {strides = array<i32>} : memref<5120xi32, #tpu.memory_space<vmem>>, vector<16xi32>,
    %add3A_831 = arith.addi %get3A_828, %get3A_830 : vector<16xi32>
    %get3A_832 = arith.constant 816 : index
    %get3A_833 = tpu.vector_load %arg8[%get3A_832] {strides = array<i32>} : memref<5120xi32, #tpu.memory_space<vmem>>, vector<16xi32>,
    %add3A_834 = arith.addi %add3A_831, %get3A_833 : vector<16xi32>
    %get3A_835 = arith.constant 1136 : index
    %get3A_836 = tpu.vector_load %arg8[%get3A_835] {strides = array<i32>} : memref<5120xi32, #tpu.memory_space<vmem>>, vector<16xi32>,
    %add3A_837 = arith.addi %add3A_834, %get3A_836 : vector<16xi32>
    %get3A_838 = arith.constant 1456 : index
    %get3A_839 = tpu.vector_load %arg8[%get3A_838] {strides = array<i32>} : memref<5120xi32, #tpu.memory_space<vmem>>, vector<16xi32>,
    %add3A_840 = arith.addi %add3A_837, %get3A_839 : vector<16xi32>
    %get3A_841 = arith.constant 1776 : index
    %get3A_842 = tpu.vector_load %arg8[%get3A_841] {strides = array<i32>} : memref<5120xi32, #tpu.memory_space<vmem>>, vector<16xi32>,
    %add3A_843 = arith.addi %add3A_840, %get3A_842 : vector<16xi32>
    %get3A_844 = arith.constant 2096 : index
    %get3A_845 = tpu.vector_load %arg8[%get3A_844] {strides = array<i32>} : memref<5120xi32, #tpu.memory_space<vmem>>, vector<16xi32>,
    %add3A_846 = arith.addi %add3A_843, %get3A_845 : vector<16xi32>
    %get3A_847 = arith.constant 2416 : index
    %get3A_848 = tpu.vector_load %arg8[%get3A_847] {strides = array<i32>} : memref<5120xi32, #tpu.memory_space<vmem>>, vector<16xi32>,
    %add3A_849 = arith.addi %add3A_846, %get3A_848 : vector<16xi32>
    %get3A_850 = arith.constant 2736 : index
    %get3A_851 = tpu.vector_load %arg8[%get3A_850] {strides = array<i32>} : memref<5120xi32, #tpu.memory_space<vmem>>, vector<16xi32>,
    %add3A_852 = arith.addi %add3A_849, %get3A_851 : vector<16xi32>
    %get3A_853 = arith.constant 3056 : index
    %get3A_854 = tpu.vector_load %arg8[%get3A_853] {strides = array<i32>} : memref<5120xi32, #tpu.memory_space<vmem>>, vector<16xi32>,
    %add3A_855 = arith.addi %add3A_852, %get3A_854 : vector<16xi32>
    %get3A_856 = arith.constant 3376 : index
    %get3A_857 = tpu.vector_load %arg8[%get3A_856] {strides = array<i32>} : memref<5120xi32, #tpu.memory_space<vmem>>, vector<16xi32>,
    %add3A_858 = arith.addi %add3A_855, %get3A_857 : vector<16xi32>
    %get3A_859 = arith.constant 3696 : index
    %get3A_860 = tpu.vector_load %arg8[%get3A_859] {strides = array<i32>} : memref<5120xi32, #tpu.memory_space<vmem>>, vector<16xi32>,
    %add3A_861 = arith.addi %add3A_858, %get3A_860 : vector<16xi32>
    %get3A_862 = arith.constant 4016 : index
    %get3A_863 = tpu.vector_load %arg8[%get3A_862] {strides = array<i32>} : memref<5120xi32, #tpu.memory_space<vmem>>, vector<16xi32>,
    %add3A_864 = arith.addi %add3A_861, %get3A_863 : vector<16xi32>
    %get3A_865 = arith.constant 4336 : index
    %get3A_866 = tpu.vector_load %arg8[%get3A_865] {strides = array<i32>} : memref<5120xi32, #tpu.memory_space<vmem>>, vector<16xi32>,
    %add3A_867 = arith.addi %add3A_864, %get3A_866 : vector<16xi32>
    %get3A_868 = arith.constant 4656 : index
    %get3A_869 = tpu.vector_load %arg8[%get3A_868] {strides = array<i32>} : memref<5120xi32, #tpu.memory_space<vmem>>, vector<16xi32>,
    %add3A_870 = arith.addi %add3A_867, %get3A_869 : vector<16xi32>
    %get3A_871 = arith.constant 4976 : index
    %get3A_872 = tpu.vector_load %arg8[%get3A_871] {strides = array<i32>} : memref<5120xi32, #tpu.memory_space<vmem>>, vector<16xi32>,
    %add3A_873 = arith.addi %add3A_870, %get3A_872 : vector<16xi32>
    %min3A_874 = arith.minsi %add3A_873, %broadcast_in_dim3A_256 : vector<16xi32>
    %swap3A_875 = arith.constant 2 : i32
    %swap3A_876 = arith.index_cast %swap3A_875 : i32 to index
    %swap3A_877 = arith.constant 16 : index
    %swap3A_878 = tpu.vector_load %arg9[%swap3A_876, %swap3A_877] {strides = array<i32>} : memref<4x80xi32, #tpu.memory_space<vmem>>, vector<16xi32>,
    tpu.vector_store %arg9[%swap3A_876, %swap3A_877], %min3A_874 {strides = array<i32>} : memref<4x80xi32, #tpu.memory_space<vmem>>, vector<16xi32>,
    %get3A_879 = arith.constant 192 : index
    %get3A_880 = tpu.vector_load %arg8[%get3A_879] {strides = array<i32>} : memref<5120xi32, #tpu.memory_space<vmem>>, vector<16xi32>,
    %get3A_881 = arith.constant 512 : index
    %get3A_882 = tpu.vector_load %arg8[%get3A_881] {strides = array<i32>} : memref<5120xi32, #tpu.memory_space<vmem>>, vector<16xi32>,
    %add3A_883 = arith.addi %get3A_880, %get3A_882 : vector<16xi32>
    %get3A_884 = arith.constant 832 : index
    %get3A_885 = tpu.vector_load %arg8[%get3A_884] {strides = array<i32>} : memref<5120xi32, #tpu.memory_space<vmem>>, vector<16xi32>,
    %add3A_886 = arith.addi %add3A_883, %get3A_885 : vector<16xi32>
    %get3A_887 = arith.constant 1152 : index
    %get3A_888 = tpu.vector_load %arg8[%get3A_887] {strides = array<i32>} : memref<5120xi32, #tpu.memory_space<vmem>>, vector<16xi32>,
    %add3A_889 = arith.addi %add3A_886, %get3A_888 : vector<16xi32>
    %get3A_890 = arith.constant 1472 : index
    %get3A_891 = tpu.vector_load %arg8[%get3A_890] {strides = array<i32>} : memref<5120xi32, #tpu.memory_space<vmem>>, vector<16xi32>,
    %add3A_892 = arith.addi %add3A_889, %get3A_891 : vector<16xi32>
    %get3A_893 = arith.constant 1792 : index
    %get3A_894 = tpu.vector_load %arg8[%get3A_893] {strides = array<i32>} : memref<5120xi32, #tpu.memory_space<vmem>>, vector<16xi32>,
    %add3A_895 = arith.addi %add3A_892, %get3A_894 : vector<16xi32>
    %get3A_896 = arith.constant 2112 : index
    %get3A_897 = tpu.vector_load %arg8[%get3A_896] {strides = array<i32>} : memref<5120xi32, #tpu.memory_space<vmem>>, vector<16xi32>,
    %add3A_898 = arith.addi %add3A_895, %get3A_897 : vector<16xi32>
    %get3A_899 = arith.constant 2432 : index
    %get3A_900 = tpu.vector_load %arg8[%get3A_899] {strides = array<i32>} : memref<5120xi32, #tpu.memory_space<vmem>>, vector<16xi32>,
    %add3A_901 = arith.addi %add3A_898, %get3A_900 : vector<16xi32>
    %get3A_902 = arith.constant 2752 : index
    %get3A_903 = tpu.vector_load %arg8[%get3A_902] {strides = array<i32>} : memref<5120xi32, #tpu.memory_space<vmem>>, vector<16xi32>,
    %add3A_904 = arith.addi %add3A_901, %get3A_903 : vector<16xi32>
    %get3A_905 = arith.constant 3072 : index
    %get3A_906 = tpu.vector_load %arg8[%get3A_905] {strides = array<i32>} : memref<5120xi32, #tpu.memory_space<vmem>>, vector<16xi32>,
    %add3A_907 = arith.addi %add3A_904, %get3A_906 : vector<16xi32>
    %get3A_908 = arith.constant 3392 : index
    %get3A_909 = tpu.vector_load %arg8[%get3A_908] {strides = array<i32>} : memref<5120xi32, #tpu.memory_space<vmem>>, vector<16xi32>,
    %add3A_910 = arith.addi %add3A_907, %get3A_909 : vector<16xi32>
    %get3A_911 = arith.constant 3712 : index
    %get3A_912 = tpu.vector_load %arg8[%get3A_911] {strides = array<i32>} : memref<5120xi32, #tpu.memory_space<vmem>>, vector<16xi32>,
    %add3A_913 = arith.addi %add3A_910, %get3A_912 : vector<16xi32>
    %get3A_914 = arith.constant 4032 : index
    %get3A_915 = tpu.vector_load %arg8[%get3A_914] {strides = array<i32>} : memref<5120xi32, #tpu.memory_space<vmem>>, vector<16xi32>,
    %add3A_916 = arith.addi %add3A_913, %get3A_915 : vector<16xi32>
    %get3A_917 = arith.constant 4352 : index
    %get3A_918 = tpu.vector_load %arg8[%get3A_917] {strides = array<i32>} : memref<5120xi32, #tpu.memory_space<vmem>>, vector<16xi32>,
    %add3A_919 = arith.addi %add3A_916, %get3A_918 : vector<16xi32>
    %get3A_920 = arith.constant 4672 : index
    %get3A_921 = tpu.vector_load %arg8[%get3A_920] {strides = array<i32>} : memref<5120xi32, #tpu.memory_space<vmem>>, vector<16xi32>,
    %add3A_922 = arith.addi %add3A_919, %get3A_921 : vector<16xi32>
    %get3A_923 = arith.constant 4992 : index
    %get3A_924 = tpu.vector_load %arg8[%get3A_923] {strides = array<i32>} : memref<5120xi32, #tpu.memory_space<vmem>>, vector<16xi32>,
    %add3A_925 = arith.addi %add3A_922, %get3A_924 : vector<16xi32>
    %min3A_926 = arith.minsi %add3A_925, %broadcast_in_dim3A_256 : vector<16xi32>
    %swap3A_927 = arith.constant 2 : i32
    %swap3A_928 = arith.index_cast %swap3A_927 : i32 to index
    %swap3A_929 = arith.constant 32 : index
    %swap3A_930 = tpu.vector_load %arg9[%swap3A_928, %swap3A_929] {strides = array<i32>} : memref<4x80xi32, #tpu.memory_space<vmem>>, vector<16xi32>,
    tpu.vector_store %arg9[%swap3A_928, %swap3A_929], %min3A_926 {strides = array<i32>} : memref<4x80xi32, #tpu.memory_space<vmem>>, vector<16xi32>,
    %get3A_931 = arith.constant 208 : index
    %get3A_932 = tpu.vector_load %arg8[%get3A_931] {strides = array<i32>} : memref<5120xi32, #tpu.memory_space<vmem>>, vector<16xi32>,
    %get3A_933 = arith.constant 528 : index
    %get3A_934 = tpu.vector_load %arg8[%get3A_933] {strides = array<i32>} : memref<5120xi32, #tpu.memory_space<vmem>>, vector<16xi32>,
    %add3A_935 = arith.addi %get3A_932, %get3A_934 : vector<16xi32>
    %get3A_936 = arith.constant 848 : index
    %get3A_937 = tpu.vector_load %arg8[%get3A_936] {strides = array<i32>} : memref<5120xi32, #tpu.memory_space<vmem>>, vector<16xi32>,
    %add3A_938 = arith.addi %add3A_935, %get3A_937 : vector<16xi32>
    %get3A_939 = arith.constant 1168 : index
    %get3A_940 = tpu.vector_load %arg8[%get3A_939] {strides = array<i32>} : memref<5120xi32, #tpu.memory_space<vmem>>, vector<16xi32>,
    %add3A_941 = arith.addi %add3A_938, %get3A_940 : vector<16xi32>
    %get3A_942 = arith.constant 1488 : index
    %get3A_943 = tpu.vector_load %arg8[%get3A_942] {strides = array<i32>} : memref<5120xi32, #tpu.memory_space<vmem>>, vector<16xi32>,
    %add3A_944 = arith.addi %add3A_941, %get3A_943 : vector<16xi32>
    %get3A_945 = arith.constant 1808 : index
    %get3A_946 = tpu.vector_load %arg8[%get3A_945] {strides = array<i32>} : memref<5120xi32, #tpu.memory_space<vmem>>, vector<16xi32>,
    %add3A_947 = arith.addi %add3A_944, %get3A_946 : vector<16xi32>
    %get3A_948 = arith.constant 2128 : index
    %get3A_949 = tpu.vector_load %arg8[%get3A_948] {strides = array<i32>} : memref<5120xi32, #tpu.memory_space<vmem>>, vector<16xi32>,
    %add3A_950 = arith.addi %add3A_947, %get3A_949 : vector<16xi32>
    %get3A_951 = arith.constant 2448 : index
    %get3A_952 = tpu.vector_load %arg8[%get3A_951] {strides = array<i32>} : memref<5120xi32, #tpu.memory_space<vmem>>, vector<16xi32>,
    %add3A_953 = arith.addi %add3A_950, %get3A_952 : vector<16xi32>
    %get3A_954 = arith.constant 2768 : index
    %get3A_955 = tpu.vector_load %arg8[%get3A_954] {strides = array<i32>} : memref<5120xi32, #tpu.memory_space<vmem>>, vector<16xi32>,
    %add3A_956 = arith.addi %add3A_953, %get3A_955 : vector<16xi32>
    %get3A_957 = arith.constant 3088 : index
    %get3A_958 = tpu.vector_load %arg8[%get3A_957] {strides = array<i32>} : memref<5120xi32, #tpu.memory_space<vmem>>, vector<16xi32>,
    %add3A_959 = arith.addi %add3A_956, %get3A_958 : vector<16xi32>
    %get3A_960 = arith.constant 3408 : index
    %get3A_961 = tpu.vector_load %arg8[%get3A_960] {strides = array<i32>} : memref<5120xi32, #tpu.memory_space<vmem>>, vector<16xi32>,
    %add3A_962 = arith.addi %add3A_959, %get3A_961 : vector<16xi32>
    %get3A_963 = arith.constant 3728 : index
    %get3A_964 = tpu.vector_load %arg8[%get3A_963] {strides = array<i32>} : memref<5120xi32, #tpu.memory_space<vmem>>, vector<16xi32>,
    %add3A_965 = arith.addi %add3A_962, %get3A_964 : vector<16xi32>
    %get3A_966 = arith.constant 4048 : index
    %get3A_967 = tpu.vector_load %arg8[%get3A_966] {strides = array<i32>} : memref<5120xi32, #tpu.memory_space<vmem>>, vector<16xi32>,
    %add3A_968 = arith.addi %add3A_965, %get3A_967 : vector<16xi32>
    %get3A_969 = arith.constant 4368 : index
    %get3A_970 = tpu.vector_load %arg8[%get3A_969] {strides = array<i32>} : memref<5120xi32, #tpu.memory_space<vmem>>, vector<16xi32>,
    %add3A_971 = arith.addi %add3A_968, %get3A_970 : vector<16xi32>
    %get3A_972 = arith.constant 4688 : index
    %get3A_973 = tpu.vector_load %arg8[%get3A_972] {strides = array<i32>} : memref<5120xi32, #tpu.memory_space<vmem>>, vector<16xi32>,
    %add3A_974 = arith.addi %add3A_971, %get3A_973 : vector<16xi32>
    %get3A_975 = arith.constant 5008 : index
    %get3A_976 = tpu.vector_load %arg8[%get3A_975] {strides = array<i32>} : memref<5120xi32, #tpu.memory_space<vmem>>, vector<16xi32>,
    %add3A_977 = arith.addi %add3A_974, %get3A_976 : vector<16xi32>
    %min3A_978 = arith.minsi %add3A_977, %broadcast_in_dim3A_256 : vector<16xi32>
    %swap3A_979 = arith.constant 2 : i32
    %swap3A_980 = arith.index_cast %swap3A_979 : i32 to index
    %swap3A_981 = arith.constant 48 : index
    %swap3A_982 = tpu.vector_load %arg9[%swap3A_980, %swap3A_981] {strides = array<i32>} : memref<4x80xi32, #tpu.memory_space<vmem>>, vector<16xi32>,
    tpu.vector_store %arg9[%swap3A_980, %swap3A_981], %min3A_978 {strides = array<i32>} : memref<4x80xi32, #tpu.memory_space<vmem>>, vector<16xi32>,
    %get3A_983 = arith.constant 224 : index
    %get3A_984 = tpu.vector_load %arg8[%get3A_983] {strides = array<i32>} : memref<5120xi32, #tpu.memory_space<vmem>>, vector<16xi32>,
    %get3A_985 = arith.constant 544 : index
    %get3A_986 = tpu.vector_load %arg8[%get3A_985] {strides = array<i32>} : memref<5120xi32, #tpu.memory_space<vmem>>, vector<16xi32>,
    %add3A_987 = arith.addi %get3A_984, %get3A_986 : vector<16xi32>
    %get3A_988 = arith.constant 864 : index
    %get3A_989 = tpu.vector_load %arg8[%get3A_988] {strides = array<i32>} : memref<5120xi32, #tpu.memory_space<vmem>>, vector<16xi32>,
    %add3A_990 = arith.addi %add3A_987, %get3A_989 : vector<16xi32>
    %get3A_991 = arith.constant 1184 : index
    %get3A_992 = tpu.vector_load %arg8[%get3A_991] {strides = array<i32>} : memref<5120xi32, #tpu.memory_space<vmem>>, vector<16xi32>,
    %add3A_993 = arith.addi %add3A_990, %get3A_992 : vector<16xi32>
    %get3A_994 = arith.constant 1504 : index
    %get3A_995 = tpu.vector_load %arg8[%get3A_994] {strides = array<i32>} : memref<5120xi32, #tpu.memory_space<vmem>>, vector<16xi32>,
    %add3A_996 = arith.addi %add3A_993, %get3A_995 : vector<16xi32>
    %get3A_997 = arith.constant 1824 : index
    %get3A_998 = tpu.vector_load %arg8[%get3A_997] {strides = array<i32>} : memref<5120xi32, #tpu.memory_space<vmem>>, vector<16xi32>,
    %add3A_999 = arith.addi %add3A_996, %get3A_998 : vector<16xi32>
    %get3A_1000 = arith.constant 2144 : index
    %get3A_1001 = tpu.vector_load %arg8[%get3A_1000] {strides = array<i32>} : memref<5120xi32, #tpu.memory_space<vmem>>, vector<16xi32>,
    %add3A_1002 = arith.addi %add3A_999, %get3A_1001 : vector<16xi32>
    %get3A_1003 = arith.constant 2464 : index
    %get3A_1004 = tpu.vector_load %arg8[%get3A_1003] {strides = array<i32>} : memref<5120xi32, #tpu.memory_space<vmem>>, vector<16xi32>,
    %add3A_1005 = arith.addi %add3A_1002, %get3A_1004 : vector<16xi32>
    %get3A_1006 = arith.constant 2784 : index
    %get3A_1007 = tpu.vector_load %arg8[%get3A_1006] {strides = array<i32>} : memref<5120xi32, #tpu.memory_space<vmem>>, vector<16xi32>,
    %add3A_1008 = arith.addi %add3A_1005, %get3A_1007 : vector<16xi32>
    %get3A_1009 = arith.constant 3104 : index
    %get3A_1010 = tpu.vector_load %arg8[%get3A_1009] {strides = array<i32>} : memref<5120xi32, #tpu.memory_space<vmem>>, vector<16xi32>,
    %add3A_1011 = arith.addi %add3A_1008, %get3A_1010 : vector<16xi32>
    %get3A_1012 = arith.constant 3424 : index
    %get3A_1013 = tpu.vector_load %arg8[%get3A_1012] {strides = array<i32>} : memref<5120xi32, #tpu.memory_space<vmem>>, vector<16xi32>,
    %add3A_1014 = arith.addi %add3A_1011, %get3A_1013 : vector<16xi32>
    %get3A_1015 = arith.constant 3744 : index
    %get3A_1016 = tpu.vector_load %arg8[%get3A_1015] {strides = array<i32>} : memref<5120xi32, #tpu.memory_space<vmem>>, vector<16xi32>,
    %add3A_1017 = arith.addi %add3A_1014, %get3A_1016 : vector<16xi32>
    %get3A_1018 = arith.constant 4064 : index
    %get3A_1019 = tpu.vector_load %arg8[%get3A_1018] {strides = array<i32>} : memref<5120xi32, #tpu.memory_space<vmem>>, vector<16xi32>,
    %add3A_1020 = arith.addi %add3A_1017, %get3A_1019 : vector<16xi32>
    %get3A_1021 = arith.constant 4384 : index
    %get3A_1022 = tpu.vector_load %arg8[%get3A_1021] {strides = array<i32>} : memref<5120xi32, #tpu.memory_space<vmem>>, vector<16xi32>,
    %add3A_1023 = arith.addi %add3A_1020, %get3A_1022 : vector<16xi32>
    %get3A_1024 = arith.constant 4704 : index
    %get3A_1025 = tpu.vector_load %arg8[%get3A_1024] {strides = array<i32>} : memref<5120xi32, #tpu.memory_space<vmem>>, vector<16xi32>,
    %add3A_1026 = arith.addi %add3A_1023, %get3A_1025 : vector<16xi32>
    %get3A_1027 = arith.constant 5024 : index
    %get3A_1028 = tpu.vector_load %arg8[%get3A_1027] {strides = array<i32>} : memref<5120xi32, #tpu.memory_space<vmem>>, vector<16xi32>,
    %add3A_1029 = arith.addi %add3A_1026, %get3A_1028 : vector<16xi32>
    %min3A_1030 = arith.minsi %add3A_1029, %broadcast_in_dim3A_256 : vector<16xi32>
    %swap3A_1031 = arith.constant 2 : i32
    %swap3A_1032 = arith.index_cast %swap3A_1031 : i32 to index
    %swap3A_1033 = arith.constant 64 : index
    %swap3A_1034 = tpu.vector_load %arg9[%swap3A_1032, %swap3A_1033] {strides = array<i32>} : memref<4x80xi32, #tpu.memory_space<vmem>>, vector<16xi32>,
    tpu.vector_store %arg9[%swap3A_1032, %swap3A_1033], %min3A_1030 {strides = array<i32>} : memref<4x80xi32, #tpu.memory_space<vmem>>, vector<16xi32>,
    %get3A_1035 = arith.constant 240 : index
    %get3A_1036 = tpu.vector_load %arg8[%get3A_1035] {strides = array<i32>} : memref<5120xi32, #tpu.memory_space<vmem>>, vector<16xi32>,
    %get3A_1037 = arith.constant 560 : index
    %get3A_1038 = tpu.vector_load %arg8[%get3A_1037] {strides = array<i32>} : memref<5120xi32, #tpu.memory_space<vmem>>, vector<16xi32>,
    %add3A_1039 = arith.addi %get3A_1036, %get3A_1038 : vector<16xi32>
    %get3A_1040 = arith.constant 880 : index
    %get3A_1041 = tpu.vector_load %arg8[%get3A_1040] {strides = array<i32>} : memref<5120xi32, #tpu.memory_space<vmem>>, vector<16xi32>,
    %add3A_1042 = arith.addi %add3A_1039, %get3A_1041 : vector<16xi32>
    %get3A_1043 = arith.constant 1200 : index
    %get3A_1044 = tpu.vector_load %arg8[%get3A_1043] {strides = array<i32>} : memref<5120xi32, #tpu.memory_space<vmem>>, vector<16xi32>,
    %add3A_1045 = arith.addi %add3A_1042, %get3A_1044 : vector<16xi32>
    %get3A_1046 = arith.constant 1520 : index
    %get3A_1047 = tpu.vector_load %arg8[%get3A_1046] {strides = array<i32>} : memref<5120xi32, #tpu.memory_space<vmem>>, vector<16xi32>,
    %add3A_1048 = arith.addi %add3A_1045, %get3A_1047 : vector<16xi32>
    %get3A_1049 = arith.constant 1840 : index
    %get3A_1050 = tpu.vector_load %arg8[%get3A_1049] {strides = array<i32>} : memref<5120xi32, #tpu.memory_space<vmem>>, vector<16xi32>,
    %add3A_1051 = arith.addi %add3A_1048, %get3A_1050 : vector<16xi32>
    %get3A_1052 = arith.constant 2160 : index
    %get3A_1053 = tpu.vector_load %arg8[%get3A_1052] {strides = array<i32>} : memref<5120xi32, #tpu.memory_space<vmem>>, vector<16xi32>,
    %add3A_1054 = arith.addi %add3A_1051, %get3A_1053 : vector<16xi32>
    %get3A_1055 = arith.constant 2480 : index
    %get3A_1056 = tpu.vector_load %arg8[%get3A_1055] {strides = array<i32>} : memref<5120xi32, #tpu.memory_space<vmem>>, vector<16xi32>,
    %add3A_1057 = arith.addi %add3A_1054, %get3A_1056 : vector<16xi32>
    %get3A_1058 = arith.constant 2800 : index
    %get3A_1059 = tpu.vector_load %arg8[%get3A_1058] {strides = array<i32>} : memref<5120xi32, #tpu.memory_space<vmem>>, vector<16xi32>,
    %add3A_1060 = arith.addi %add3A_1057, %get3A_1059 : vector<16xi32>
    %get3A_1061 = arith.constant 3120 : index
    %get3A_1062 = tpu.vector_load %arg8[%get3A_1061] {strides = array<i32>} : memref<5120xi32, #tpu.memory_space<vmem>>, vector<16xi32>,
    %add3A_1063 = arith.addi %add3A_1060, %get3A_1062 : vector<16xi32>
    %get3A_1064 = arith.constant 3440 : index
    %get3A_1065 = tpu.vector_load %arg8[%get3A_1064] {strides = array<i32>} : memref<5120xi32, #tpu.memory_space<vmem>>, vector<16xi32>,
    %add3A_1066 = arith.addi %add3A_1063, %get3A_1065 : vector<16xi32>
    %get3A_1067 = arith.constant 3760 : index
    %get3A_1068 = tpu.vector_load %arg8[%get3A_1067] {strides = array<i32>} : memref<5120xi32, #tpu.memory_space<vmem>>, vector<16xi32>,
    %add3A_1069 = arith.addi %add3A_1066, %get3A_1068 : vector<16xi32>
    %get3A_1070 = arith.constant 4080 : index
    %get3A_1071 = tpu.vector_load %arg8[%get3A_1070] {strides = array<i32>} : memref<5120xi32, #tpu.memory_space<vmem>>, vector<16xi32>,
    %add3A_1072 = arith.addi %add3A_1069, %get3A_1071 : vector<16xi32>
    %get3A_1073 = arith.constant 4400 : index
    %get3A_1074 = tpu.vector_load %arg8[%get3A_1073] {strides = array<i32>} : memref<5120xi32, #tpu.memory_space<vmem>>, vector<16xi32>,
    %add3A_1075 = arith.addi %add3A_1072, %get3A_1074 : vector<16xi32>
    %get3A_1076 = arith.constant 4720 : index
    %get3A_1077 = tpu.vector_load %arg8[%get3A_1076] {strides = array<i32>} : memref<5120xi32, #tpu.memory_space<vmem>>, vector<16xi32>,
    %add3A_1078 = arith.addi %add3A_1075, %get3A_1077 : vector<16xi32>
    %get3A_1079 = arith.constant 5040 : index
    %get3A_1080 = tpu.vector_load %arg8[%get3A_1079] {strides = array<i32>} : memref<5120xi32, #tpu.memory_space<vmem>>, vector<16xi32>,
    %add3A_1081 = arith.addi %add3A_1078, %get3A_1080 : vector<16xi32>
    %min3A_1082 = arith.minsi %add3A_1081, %broadcast_in_dim3A_256 : vector<16xi32>
    %swap3A_1083 = arith.constant 3 : i32
    %swap3A_1084 = arith.index_cast %swap3A_1083 : i32 to index
    %swap3A_1085 = arith.constant 0 : index
    %swap3A_1086 = tpu.vector_load %arg9[%swap3A_1084, %swap3A_1085] {strides = array<i32>} : memref<4x80xi32, #tpu.memory_space<vmem>>, vector<16xi32>,
    tpu.vector_store %arg9[%swap3A_1084, %swap3A_1085], %min3A_1082 {strides = array<i32>} : memref<4x80xi32, #tpu.memory_space<vmem>>, vector<16xi32>,
    %get3A_1087 = arith.constant 256 : index
    %get3A_1088 = tpu.vector_load %arg8[%get3A_1087] {strides = array<i32>} : memref<5120xi32, #tpu.memory_space<vmem>>, vector<16xi32>,
    %get3A_1089 = arith.constant 576 : index
    %get3A_1090 = tpu.vector_load %arg8[%get3A_1089] {strides = array<i32>} : memref<5120xi32, #tpu.memory_space<vmem>>, vector<16xi32>,
    %add3A_1091 = arith.addi %get3A_1088, %get3A_1090 : vector<16xi32>
    %get3A_1092 = arith.constant 896 : index
    %get3A_1093 = tpu.vector_load %arg8[%get3A_1092] {strides = array<i32>} : memref<5120xi32, #tpu.memory_space<vmem>>, vector<16xi32>,
    %add3A_1094 = arith.addi %add3A_1091, %get3A_1093 : vector<16xi32>
    %get3A_1095 = arith.constant 1216 : index
    %get3A_1096 = tpu.vector_load %arg8[%get3A_1095] {strides = array<i32>} : memref<5120xi32, #tpu.memory_space<vmem>>, vector<16xi32>,
    %add3A_1097 = arith.addi %add3A_1094, %get3A_1096 : vector<16xi32>
    %get3A_1098 = arith.constant 1536 : index
    %get3A_1099 = tpu.vector_load %arg8[%get3A_1098] {strides = array<i32>} : memref<5120xi32, #tpu.memory_space<vmem>>, vector<16xi32>,
    %add3A_1100 = arith.addi %add3A_1097, %get3A_1099 : vector<16xi32>
    %get3A_1101 = arith.constant 1856 : index
    %get3A_1102 = tpu.vector_load %arg8[%get3A_1101] {strides = array<i32>} : memref<5120xi32, #tpu.memory_space<vmem>>, vector<16xi32>,
    %add3A_1103 = arith.addi %add3A_1100, %get3A_1102 : vector<16xi32>
    %get3A_1104 = arith.constant 2176 : index
    %get3A_1105 = tpu.vector_load %arg8[%get3A_1104] {strides = array<i32>} : memref<5120xi32, #tpu.memory_space<vmem>>, vector<16xi32>,
    %add3A_1106 = arith.addi %add3A_1103, %get3A_1105 : vector<16xi32>
    %get3A_1107 = arith.constant 2496 : index
    %get3A_1108 = tpu.vector_load %arg8[%get3A_1107] {strides = array<i32>} : memref<5120xi32, #tpu.memory_space<vmem>>, vector<16xi32>,
    %add3A_1109 = arith.addi %add3A_1106, %get3A_1108 : vector<16xi32>
    %get3A_1110 = arith.constant 2816 : index
    %get3A_1111 = tpu.vector_load %arg8[%get3A_1110] {strides = array<i32>} : memref<5120xi32, #tpu.memory_space<vmem>>, vector<16xi32>,
    %add3A_1112 = arith.addi %add3A_1109, %get3A_1111 : vector<16xi32>
    %get3A_1113 = arith.constant 3136 : index
    %get3A_1114 = tpu.vector_load %arg8[%get3A_1113] {strides = array<i32>} : memref<5120xi32, #tpu.memory_space<vmem>>, vector<16xi32>,
    %add3A_1115 = arith.addi %add3A_1112, %get3A_1114 : vector<16xi32>
    %get3A_1116 = arith.constant 3456 : index
    %get3A_1117 = tpu.vector_load %arg8[%get3A_1116] {strides = array<i32>} : memref<5120xi32, #tpu.memory_space<vmem>>, vector<16xi32>,
    %add3A_1118 = arith.addi %add3A_1115, %get3A_1117 : vector<16xi32>
    %get3A_1119 = arith.constant 3776 : index
    %get3A_1120 = tpu.vector_load %arg8[%get3A_1119] {strides = array<i32>} : memref<5120xi32, #tpu.memory_space<vmem>>, vector<16xi32>,
    %add3A_1121 = arith.addi %add3A_1118, %get3A_1120 : vector<16xi32>
    %get3A_1122 = arith.constant 4096 : index
    %get3A_1123 = tpu.vector_load %arg8[%get3A_1122] {strides = array<i32>} : memref<5120xi32, #tpu.memory_space<vmem>>, vector<16xi32>,
    %add3A_1124 = arith.addi %add3A_1121, %get3A_1123 : vector<16xi32>
    %get3A_1125 = arith.constant 4416 : index
    %get3A_1126 = tpu.vector_load %arg8[%get3A_1125] {strides = array<i32>} : memref<5120xi32, #tpu.memory_space<vmem>>, vector<16xi32>,
    %add3A_1127 = arith.addi %add3A_1124, %get3A_1126 : vector<16xi32>
    %get3A_1128 = arith.constant 4736 : index
    %get3A_1129 = tpu.vector_load %arg8[%get3A_1128] {strides = array<i32>} : memref<5120xi32, #tpu.memory_space<vmem>>, vector<16xi32>,
    %add3A_1130 = arith.addi %add3A_1127, %get3A_1129 : vector<16xi32>
    %get3A_1131 = arith.constant 5056 : index
    %get3A_1132 = tpu.vector_load %arg8[%get3A_1131] {strides = array<i32>} : memref<5120xi32, #tpu.memory_space<vmem>>, vector<16xi32>,
    %add3A_1133 = arith.addi %add3A_1130, %get3A_1132 : vector<16xi32>
    %min3A_1134 = arith.minsi %add3A_1133, %broadcast_in_dim3A_256 : vector<16xi32>
    %swap3A_1135 = arith.constant 3 : i32
    %swap3A_1136 = arith.index_cast %swap3A_1135 : i32 to index
    %swap3A_1137 = arith.constant 16 : index
    %swap3A_1138 = tpu.vector_load %arg9[%swap3A_1136, %swap3A_1137] {strides = array<i32>} : memref<4x80xi32, #tpu.memory_space<vmem>>, vector<16xi32>,
    tpu.vector_store %arg9[%swap3A_1136, %swap3A_1137], %min3A_1134 {strides = array<i32>} : memref<4x80xi32, #tpu.memory_space<vmem>>, vector<16xi32>,
    %get3A_1139 = arith.constant 272 : index
    %get3A_1140 = tpu.vector_load %arg8[%get3A_1139] {strides = array<i32>} : memref<5120xi32, #tpu.memory_space<vmem>>, vector<16xi32>,
    %get3A_1141 = arith.constant 592 : index
    %get3A_1142 = tpu.vector_load %arg8[%get3A_1141] {strides = array<i32>} : memref<5120xi32, #tpu.memory_space<vmem>>, vector<16xi32>,
    %add3A_1143 = arith.addi %get3A_1140, %get3A_1142 : vector<16xi32>
    %get3A_1144 = arith.constant 912 : index
    %get3A_1145 = tpu.vector_load %arg8[%get3A_1144] {strides = array<i32>} : memref<5120xi32, #tpu.memory_space<vmem>>, vector<16xi32>,
    %add3A_1146 = arith.addi %add3A_1143, %get3A_1145 : vector<16xi32>
    %get3A_1147 = arith.constant 1232 : index
    %get3A_1148 = tpu.vector_load %arg8[%get3A_1147] {strides = array<i32>} : memref<5120xi32, #tpu.memory_space<vmem>>, vector<16xi32>,
    %add3A_1149 = arith.addi %add3A_1146, %get3A_1148 : vector<16xi32>
    %get3A_1150 = arith.constant 1552 : index
    %get3A_1151 = tpu.vector_load %arg8[%get3A_1150] {strides = array<i32>} : memref<5120xi32, #tpu.memory_space<vmem>>, vector<16xi32>,
    %add3A_1152 = arith.addi %add3A_1149, %get3A_1151 : vector<16xi32>
    %get3A_1153 = arith.constant 1872 : index
    %get3A_1154 = tpu.vector_load %arg8[%get3A_1153] {strides = array<i32>} : memref<5120xi32, #tpu.memory_space<vmem>>, vector<16xi32>,
    %add3A_1155 = arith.addi %add3A_1152, %get3A_1154 : vector<16xi32>
    %get3A_1156 = arith.constant 2192 : index
    %get3A_1157 = tpu.vector_load %arg8[%get3A_1156] {strides = array<i32>} : memref<5120xi32, #tpu.memory_space<vmem>>, vector<16xi32>,
    %add3A_1158 = arith.addi %add3A_1155, %get3A_1157 : vector<16xi32>
    %get3A_1159 = arith.constant 2512 : index
    %get3A_1160 = tpu.vector_load %arg8[%get3A_1159] {strides = array<i32>} : memref<5120xi32, #tpu.memory_space<vmem>>, vector<16xi32>,
    %add3A_1161 = arith.addi %add3A_1158, %get3A_1160 : vector<16xi32>
    %get3A_1162 = arith.constant 2832 : index
    %get3A_1163 = tpu.vector_load %arg8[%get3A_1162] {strides = array<i32>} : memref<5120xi32, #tpu.memory_space<vmem>>, vector<16xi32>,
    %add3A_1164 = arith.addi %add3A_1161, %get3A_1163 : vector<16xi32>
    %get3A_1165 = arith.constant 3152 : index
    %get3A_1166 = tpu.vector_load %arg8[%get3A_1165] {strides = array<i32>} : memref<5120xi32, #tpu.memory_space<vmem>>, vector<16xi32>,
    %add3A_1167 = arith.addi %add3A_1164, %get3A_1166 : vector<16xi32>
    %get3A_1168 = arith.constant 3472 : index
    %get3A_1169 = tpu.vector_load %arg8[%get3A_1168] {strides = array<i32>} : memref<5120xi32, #tpu.memory_space<vmem>>, vector<16xi32>,
    %add3A_1170 = arith.addi %add3A_1167, %get3A_1169 : vector<16xi32>
    %get3A_1171 = arith.constant 3792 : index
    %get3A_1172 = tpu.vector_load %arg8[%get3A_1171] {strides = array<i32>} : memref<5120xi32, #tpu.memory_space<vmem>>, vector<16xi32>,
    %add3A_1173 = arith.addi %add3A_1170, %get3A_1172 : vector<16xi32>
    %get3A_1174 = arith.constant 4112 : index
    %get3A_1175 = tpu.vector_load %arg8[%get3A_1174] {strides = array<i32>} : memref<5120xi32, #tpu.memory_space<vmem>>, vector<16xi32>,
    %add3A_1176 = arith.addi %add3A_1173, %get3A_1175 : vector<16xi32>
    %get3A_1177 = arith.constant 4432 : index
    %get3A_1178 = tpu.vector_load %arg8[%get3A_1177] {strides = array<i32>} : memref<5120xi32, #tpu.memory_space<vmem>>, vector<16xi32>,
    %add3A_1179 = arith.addi %add3A_1176, %get3A_1178 : vector<16xi32>
    %get3A_1180 = arith.constant 4752 : index
    %get3A_1181 = tpu.vector_load %arg8[%get3A_1180] {strides = array<i32>} : memref<5120xi32, #tpu.memory_space<vmem>>, vector<16xi32>,
    %add3A_1182 = arith.addi %add3A_1179, %get3A_1181 : vector<16xi32>
    %get3A_1183 = arith.constant 5072 : index
    %get3A_1184 = tpu.vector_load %arg8[%get3A_1183] {strides = array<i32>} : memref<5120xi32, #tpu.memory_space<vmem>>, vector<16xi32>,
    %add3A_1185 = arith.addi %add3A_1182, %get3A_1184 : vector<16xi32>
    %min3A_1186 = arith.minsi %add3A_1185, %broadcast_in_dim3A_256 : vector<16xi32>
    %swap3A_1187 = arith.constant 3 : i32
    %swap3A_1188 = arith.index_cast %swap3A_1187 : i32 to index
    %swap3A_1189 = arith.constant 32 : index
    %swap3A_1190 = tpu.vector_load %arg9[%swap3A_1188, %swap3A_1189] {strides = array<i32>} : memref<4x80xi32, #tpu.memory_space<vmem>>, vector<16xi32>,
    tpu.vector_store %arg9[%swap3A_1188, %swap3A_1189], %min3A_1186 {strides = array<i32>} : memref<4x80xi32, #tpu.memory_space<vmem>>, vector<16xi32>,
    %get3A_1191 = arith.constant 288 : index
    %get3A_1192 = tpu.vector_load %arg8[%get3A_1191] {strides = array<i32>} : memref<5120xi32, #tpu.memory_space<vmem>>, vector<16xi32>,
    %get3A_1193 = arith.constant 608 : index
    %get3A_1194 = tpu.vector_load %arg8[%get3A_1193] {strides = array<i32>} : memref<5120xi32, #tpu.memory_space<vmem>>, vector<16xi32>,
    %add3A_1195 = arith.addi %get3A_1192, %get3A_1194 : vector<16xi32>
    %get3A_1196 = arith.constant 928 : index
    %get3A_1197 = tpu.vector_load %arg8[%get3A_1196] {strides = array<i32>} : memref<5120xi32, #tpu.memory_space<vmem>>, vector<16xi32>,
    %add3A_1198 = arith.addi %add3A_1195, %get3A_1197 : vector<16xi32>
    %get3A_1199 = arith.constant 1248 : index
    %get3A_1200 = tpu.vector_load %arg8[%get3A_1199] {strides = array<i32>} : memref<5120xi32, #tpu.memory_space<vmem>>, vector<16xi32>,
    %add3A_1201 = arith.addi %add3A_1198, %get3A_1200 : vector<16xi32>
    %get3A_1202 = arith.constant 1568 : index
    %get3A_1203 = tpu.vector_load %arg8[%get3A_1202] {strides = array<i32>} : memref<5120xi32, #tpu.memory_space<vmem>>, vector<16xi32>,
    %add3A_1204 = arith.addi %add3A_1201, %get3A_1203 : vector<16xi32>
    %get3A_1205 = arith.constant 1888 : index
    %get3A_1206 = tpu.vector_load %arg8[%get3A_1205] {strides = array<i32>} : memref<5120xi32, #tpu.memory_space<vmem>>, vector<16xi32>,
    %add3A_1207 = arith.addi %add3A_1204, %get3A_1206 : vector<16xi32>
    %get3A_1208 = arith.constant 2208 : index
    %get3A_1209 = tpu.vector_load %arg8[%get3A_1208] {strides = array<i32>} : memref<5120xi32, #tpu.memory_space<vmem>>, vector<16xi32>,
    %add3A_1210 = arith.addi %add3A_1207, %get3A_1209 : vector<16xi32>
    %get3A_1211 = arith.constant 2528 : index
    %get3A_1212 = tpu.vector_load %arg8[%get3A_1211] {strides = array<i32>} : memref<5120xi32, #tpu.memory_space<vmem>>, vector<16xi32>,
    %add3A_1213 = arith.addi %add3A_1210, %get3A_1212 : vector<16xi32>
    %get3A_1214 = arith.constant 2848 : index
    %get3A_1215 = tpu.vector_load %arg8[%get3A_1214] {strides = array<i32>} : memref<5120xi32, #tpu.memory_space<vmem>>, vector<16xi32>,
    %add3A_1216 = arith.addi %add3A_1213, %get3A_1215 : vector<16xi32>
    %get3A_1217 = arith.constant 3168 : index
    %get3A_1218 = tpu.vector_load %arg8[%get3A_1217] {strides = array<i32>} : memref<5120xi32, #tpu.memory_space<vmem>>, vector<16xi32>,
    %add3A_1219 = arith.addi %add3A_1216, %get3A_1218 : vector<16xi32>
    %get3A_1220 = arith.constant 3488 : index
    %get3A_1221 = tpu.vector_load %arg8[%get3A_1220] {strides = array<i32>} : memref<5120xi32, #tpu.memory_space<vmem>>, vector<16xi32>,
    %add3A_1222 = arith.addi %add3A_1219, %get3A_1221 : vector<16xi32>
    %get3A_1223 = arith.constant 3808 : index
    %get3A_1224 = tpu.vector_load %arg8[%get3A_1223] {strides = array<i32>} : memref<5120xi32, #tpu.memory_space<vmem>>, vector<16xi32>,
    %add3A_1225 = arith.addi %add3A_1222, %get3A_1224 : vector<16xi32>
    %get3A_1226 = arith.constant 4128 : index
    %get3A_1227 = tpu.vector_load %arg8[%get3A_1226] {strides = array<i32>} : memref<5120xi32, #tpu.memory_space<vmem>>, vector<16xi32>,
    %add3A_1228 = arith.addi %add3A_1225, %get3A_1227 : vector<16xi32>
    %get3A_1229 = arith.constant 4448 : index
    %get3A_1230 = tpu.vector_load %arg8[%get3A_1229] {strides = array<i32>} : memref<5120xi32, #tpu.memory_space<vmem>>, vector<16xi32>,
    %add3A_1231 = arith.addi %add3A_1228, %get3A_1230 : vector<16xi32>
    %get3A_1232 = arith.constant 4768 : index
    %get3A_1233 = tpu.vector_load %arg8[%get3A_1232] {strides = array<i32>} : memref<5120xi32, #tpu.memory_space<vmem>>, vector<16xi32>,
    %add3A_1234 = arith.addi %add3A_1231, %get3A_1233 : vector<16xi32>
    %get3A_1235 = arith.constant 5088 : index
    %get3A_1236 = tpu.vector_load %arg8[%get3A_1235] {strides = array<i32>} : memref<5120xi32, #tpu.memory_space<vmem>>, vector<16xi32>,
    %add3A_1237 = arith.addi %add3A_1234, %get3A_1236 : vector<16xi32>
    %min3A_1238 = arith.minsi %add3A_1237, %broadcast_in_dim3A_256 : vector<16xi32>
    %swap3A_1239 = arith.constant 3 : i32
    %swap3A_1240 = arith.index_cast %swap3A_1239 : i32 to index
    %swap3A_1241 = arith.constant 48 : index
    %swap3A_1242 = tpu.vector_load %arg9[%swap3A_1240, %swap3A_1241] {strides = array<i32>} : memref<4x80xi32, #tpu.memory_space<vmem>>, vector<16xi32>,
    tpu.vector_store %arg9[%swap3A_1240, %swap3A_1241], %min3A_1238 {strides = array<i32>} : memref<4x80xi32, #tpu.memory_space<vmem>>, vector<16xi32>,
    %get3A_1243 = arith.constant 304 : index
    %get3A_1244 = tpu.vector_load %arg8[%get3A_1243] {strides = array<i32>} : memref<5120xi32, #tpu.memory_space<vmem>>, vector<16xi32>,
    %get3A_1245 = arith.constant 624 : index
    %get3A_1246 = tpu.vector_load %arg8[%get3A_1245] {strides = array<i32>} : memref<5120xi32, #tpu.memory_space<vmem>>, vector<16xi32>,
    %add3A_1247 = arith.addi %get3A_1244, %get3A_1246 : vector<16xi32>
    %get3A_1248 = arith.constant 944 : index
    %get3A_1249 = tpu.vector_load %arg8[%get3A_1248] {strides = array<i32>} : memref<5120xi32, #tpu.memory_space<vmem>>, vector<16xi32>,
    %add3A_1250 = arith.addi %add3A_1247, %get3A_1249 : vector<16xi32>
    %get3A_1251 = arith.constant 1264 : index
    %get3A_1252 = tpu.vector_load %arg8[%get3A_1251] {strides = array<i32>} : memref<5120xi32, #tpu.memory_space<vmem>>, vector<16xi32>,
    %add3A_1253 = arith.addi %add3A_1250, %get3A_1252 : vector<16xi32>
    %get3A_1254 = arith.constant 1584 : index
    %get3A_1255 = tpu.vector_load %arg8[%get3A_1254] {strides = array<i32>} : memref<5120xi32, #tpu.memory_space<vmem>>, vector<16xi32>,
    %add3A_1256 = arith.addi %add3A_1253, %get3A_1255 : vector<16xi32>
    %get3A_1257 = arith.constant 1904 : index
    %get3A_1258 = tpu.vector_load %arg8[%get3A_1257] {strides = array<i32>} : memref<5120xi32, #tpu.memory_space<vmem>>, vector<16xi32>,
    %add3A_1259 = arith.addi %add3A_1256, %get3A_1258 : vector<16xi32>
    %get3A_1260 = arith.constant 2224 : index
    %get3A_1261 = tpu.vector_load %arg8[%get3A_1260] {strides = array<i32>} : memref<5120xi32, #tpu.memory_space<vmem>>, vector<16xi32>,
    %add3A_1262 = arith.addi %add3A_1259, %get3A_1261 : vector<16xi32>
    %get3A_1263 = arith.constant 2544 : index
    %get3A_1264 = tpu.vector_load %arg8[%get3A_1263] {strides = array<i32>} : memref<5120xi32, #tpu.memory_space<vmem>>, vector<16xi32>,
    %add3A_1265 = arith.addi %add3A_1262, %get3A_1264 : vector<16xi32>
    %get3A_1266 = arith.constant 2864 : index
    %get3A_1267 = tpu.vector_load %arg8[%get3A_1266] {strides = array<i32>} : memref<5120xi32, #tpu.memory_space<vmem>>, vector<16xi32>,
    %add3A_1268 = arith.addi %add3A_1265, %get3A_1267 : vector<16xi32>
    %get3A_1269 = arith.constant 3184 : index
    %get3A_1270 = tpu.vector_load %arg8[%get3A_1269] {strides = array<i32>} : memref<5120xi32, #tpu.memory_space<vmem>>, vector<16xi32>,
    %add3A_1271 = arith.addi %add3A_1268, %get3A_1270 : vector<16xi32>
    %get3A_1272 = arith.constant 3504 : index
    %get3A_1273 = tpu.vector_load %arg8[%get3A_1272] {strides = array<i32>} : memref<5120xi32, #tpu.memory_space<vmem>>, vector<16xi32>,
    %add3A_1274 = arith.addi %add3A_1271, %get3A_1273 : vector<16xi32>
    %get3A_1275 = arith.constant 3824 : index
    %get3A_1276 = tpu.vector_load %arg8[%get3A_1275] {strides = array<i32>} : memref<5120xi32, #tpu.memory_space<vmem>>, vector<16xi32>,
    %add3A_1277 = arith.addi %add3A_1274, %get3A_1276 : vector<16xi32>
    %get3A_1278 = arith.constant 4144 : index
    %get3A_1279 = tpu.vector_load %arg8[%get3A_1278] {strides = array<i32>} : memref<5120xi32, #tpu.memory_space<vmem>>, vector<16xi32>,
    %add3A_1280 = arith.addi %add3A_1277, %get3A_1279 : vector<16xi32>
    %get3A_1281 = arith.constant 4464 : index
    %get3A_1282 = tpu.vector_load %arg8[%get3A_1281] {strides = array<i32>} : memref<5120xi32, #tpu.memory_space<vmem>>, vector<16xi32>,
    %add3A_1283 = arith.addi %add3A_1280, %get3A_1282 : vector<16xi32>
    %get3A_1284 = arith.constant 4784 : index
    %get3A_1285 = tpu.vector_load %arg8[%get3A_1284] {strides = array<i32>} : memref<5120xi32, #tpu.memory_space<vmem>>, vector<16xi32>,
    %add3A_1286 = arith.addi %add3A_1283, %get3A_1285 : vector<16xi32>
    %get3A_1287 = arith.constant 5104 : index
    %get3A_1288 = tpu.vector_load %arg8[%get3A_1287] {strides = array<i32>} : memref<5120xi32, #tpu.memory_space<vmem>>, vector<16xi32>,
    %add3A_1289 = arith.addi %add3A_1286, %get3A_1288 : vector<16xi32>
    %min3A_1290 = arith.minsi %add3A_1289, %broadcast_in_dim3A_256 : vector<16xi32>
    %swap3A_1291 = arith.constant 3 : i32
    %swap3A_1292 = arith.index_cast %swap3A_1291 : i32 to index
    %swap3A_1293 = arith.constant 64 : index
    %swap3A_1294 = tpu.vector_load %arg9[%swap3A_1292, %swap3A_1293] {strides = array<i32>} : memref<4x80xi32, #tpu.memory_space<vmem>>, vector<16xi32>,
    tpu.vector_store %arg9[%swap3A_1292, %swap3A_1293], %min3A_1290 {strides = array<i32>} : memref<4x80xi32, #tpu.memory_space<vmem>>, vector<16xi32>,
    %dma_start3A_1295 = arith.constant 0 : i32
    %dma_start3A_1296 = arith.constant 0 : i32
    %dma_start3A_1297 = arith.constant 0 : i32
    %dma_start3A_1298 = tpu.memref_slice %arg10[%dma_start3A_1296, %dma_start3A_1297] : memref<320x64xf32, #tpu.memory_space<vmem>> -> memref<80x64xf32, #tpu.memory_space<vmem>>
    %dma_start3A_1299 = arith.constant 0 : i32
    %dma_start3A_1300 = tpu.memref_slice %arg9[%dma_start3A_1295, %dma_start3A_1299] : memref<4x80xi32, #tpu.memory_space<vmem>> -> memref<1x80xi32, #tpu.memory_space<vmem>>
    %dma_start3A_1301 = tpu.memref_squeeze %dma_start3A_1300 : memref<1x80xi32, #tpu.memory_space<vmem>> -> memref<80xi32, #tpu.memory_space<vmem>>
    %dma_start3A_1302 = arith.constant 0 : i32
    %dma_start3A_1303 = arith.constant 0 : i32
    %dma_start3A_1304 = tpu.memref_slice %arg3[%dma_start3A_1302, %dma_start3A_1303] : memref<257x64xf32, #tpu.memory_space<hbm>> -> memref<257x64xf32, #tpu.memory_space<hbm>>
    tpu.enqueue_indirect_dma source(%dma_start3A_1304 : memref<257x64xf32, #tpu.memory_space<hbm>>) target(%dma_start3A_1298 : memref<80x64xf32, #tpu.memory_space<vmem>>) offsets(%dma_start3A_1301 : memref<80xi32, #tpu.memory_space<vmem>>) semaphore(%arg12 : memref<!tpu.dma_semaphore, #tpu.memory_space<semaphore_mem>>)
    %dma_start3A_1305 = arith.constant 1 : i32
    %dma_start3A_1306 = arith.constant 80 : i32
    %dma_start3A_1307 = arith.constant 0 : i32
    %dma_start3A_1308 = tpu.memref_slice %arg10[%dma_start3A_1306, %dma_start3A_1307] : memref<320x64xf32, #tpu.memory_space<vmem>> -> memref<80x64xf32, #tpu.memory_space<vmem>>
    %dma_start3A_1309 = arith.constant 0 : i32
    %dma_start3A_1310 = tpu.memref_slice %arg9[%dma_start3A_1305, %dma_start3A_1309] : memref<4x80xi32, #tpu.memory_space<vmem>> -> memref<1x80xi32, #tpu.memory_space<vmem>>
    %dma_start3A_1311 = tpu.memref_squeeze %dma_start3A_1310 : memref<1x80xi32, #tpu.memory_space<vmem>> -> memref<80xi32, #tpu.memory_space<vmem>>
    %dma_start3A_1312 = arith.constant 0 : i32
    %dma_start3A_1313 = arith.constant 0 : i32
    %dma_start3A_1314 = tpu.memref_slice %arg3[%dma_start3A_1312, %dma_start3A_1313] : memref<257x64xf32, #tpu.memory_space<hbm>> -> memref<257x64xf32, #tpu.memory_space<hbm>>
    tpu.enqueue_indirect_dma source(%dma_start3A_1314 : memref<257x64xf32, #tpu.memory_space<hbm>>) target(%dma_start3A_1308 : memref<80x64xf32, #tpu.memory_space<vmem>>) offsets(%dma_start3A_1311 : memref<80xi32, #tpu.memory_space<vmem>>) semaphore(%arg12 : memref<!tpu.dma_semaphore, #tpu.memory_space<semaphore_mem>>)
    %dma_start3A_1315 = arith.constant 2 : i32
    %dma_start3A_1316 = arith.constant 160 : i32
    %dma_start3A_1317 = arith.constant 0 : i32
    %dma_start3A_1318 = tpu.memref_slice %arg10[%dma_start3A_1316, %dma_start3A_1317] : memref<320x64xf32, #tpu.memory_space<vmem>> -> memref<80x64xf32, #tpu.memory_space<vmem>>
    %dma_start3A_1319 = arith.constant 0 : i32
    %dma_start3A_1320 = tpu.memref_slice %arg9[%dma_start3A_1315, %dma_start3A_1319] : memref<4x80xi32, #tpu.memory_space<vmem>> -> memref<1x80xi32, #tpu.memory_space<vmem>>
    %dma_start3A_1321 = tpu.memref_squeeze %dma_start3A_1320 : memref<1x80xi32, #tpu.memory_space<vmem>> -> memref<80xi32, #tpu.memory_space<vmem>>
    %dma_start3A_1322 = arith.constant 0 : i32
    %dma_start3A_1323 = arith.constant 0 : i32
    %dma_start3A_1324 = tpu.memref_slice %arg3[%dma_start3A_1322, %dma_start3A_1323] : memref<257x64xf32, #tpu.memory_space<hbm>> -> memref<257x64xf32, #tpu.memory_space<hbm>>
    tpu.enqueue_indirect_dma source(%dma_start3A_1324 : memref<257x64xf32, #tpu.memory_space<hbm>>) target(%dma_start3A_1318 : memref<80x64xf32, #tpu.memory_space<vmem>>) offsets(%dma_start3A_1321 : memref<80xi32, #tpu.memory_space<vmem>>) semaphore(%arg12 : memref<!tpu.dma_semaphore, #tpu.memory_space<semaphore_mem>>)
    %dma_start3A_1325 = arith.constant 3 : i32
    %dma_start3A_1326 = arith.constant 240 : i32
    %dma_start3A_1327 = arith.constant 0 : i32
    %dma_start3A_1328 = tpu.memref_slice %arg10[%dma_start3A_1326, %dma_start3A_1327] : memref<320x64xf32, #tpu.memory_space<vmem>> -> memref<80x64xf32, #tpu.memory_space<vmem>>
    %dma_start3A_1329 = arith.constant 0 : i32
    %dma_start3A_1330 = tpu.memref_slice %arg9[%dma_start3A_1325, %dma_start3A_1329] : memref<4x80xi32, #tpu.memory_space<vmem>> -> memref<1x80xi32, #tpu.memory_space<vmem>>
    %dma_start3A_1331 = tpu.memref_squeeze %dma_start3A_1330 : memref<1x80xi32, #tpu.memory_space<vmem>> -> memref<80xi32, #tpu.memory_space<vmem>>
    %dma_start3A_1332 = arith.constant 0 : i32
    %dma_start3A_1333 = arith.constant 0 : i32
    %dma_start3A_1334 = tpu.memref_slice %arg3[%dma_start3A_1332, %dma_start3A_1333] : memref<257x64xf32, #tpu.memory_space<hbm>> -> memref<257x64xf32, #tpu.memory_space<hbm>>
    tpu.enqueue_indirect_dma source(%dma_start3A_1334 : memref<257x64xf32, #tpu.memory_space<hbm>>) target(%dma_start3A_1328 : memref<80x64xf32, #tpu.memory_space<vmem>>) offsets(%dma_start3A_1331 : memref<80xi32, #tpu.memory_space<vmem>>) semaphore(%arg12 : memref<!tpu.dma_semaphore, #tpu.memory_space<semaphore_mem>>)
    %dma_wait3A_1335 = arith.constant 0 : i32
    %dma_wait3A_1336 = arith.constant 0 : i32
    %dma_wait3A_1337 = arith.constant 0 : i32
    %dma_wait3A_1338 = tpu.memref_slice %arg10[%dma_wait3A_1336, %dma_wait3A_1337] : memref<320x64xf32, #tpu.memory_space<vmem>> -> memref<80x64xf32, #tpu.memory_space<vmem>>
    %dma_wait3A_1339 = arith.constant 0 : i32
    %dma_wait3A_1340 = tpu.memref_slice %arg9[%dma_wait3A_1335, %dma_wait3A_1339] : memref<4x80xi32, #tpu.memory_space<vmem>> -> memref<1x80xi32, #tpu.memory_space<vmem>>
    %dma_wait3A_1341 = tpu.memref_squeeze %dma_wait3A_1340 : memref<1x80xi32, #tpu.memory_space<vmem>> -> memref<80xi32, #tpu.memory_space<vmem>>
    %dma_wait3A_1342 = arith.constant 0 : i32
    %dma_wait3A_1343 = arith.constant 0 : i32
    %dma_wait3A_1344 = tpu.memref_slice %arg3[%dma_wait3A_1342, %dma_wait3A_1343] : memref<257x64xf32, #tpu.memory_space<hbm>> -> memref<257x64xf32, #tpu.memory_space<hbm>>
    tpu.wait_indirect_dma semaphore(%arg12 : memref<!tpu.dma_semaphore, #tpu.memory_space<semaphore_mem>>) src(%dma_wait3A_1344 : memref<257x64xf32, #tpu.memory_space<hbm>>) dst(%dma_wait3A_1338 : memref<80x64xf32, #tpu.memory_space<vmem>>)
    %dma_wait3A_1345 = arith.constant 1 : i32
    %dma_wait3A_1346 = arith.constant 80 : i32
    %dma_wait3A_1347 = arith.constant 0 : i32
    %dma_wait3A_1348 = tpu.memref_slice %arg10[%dma_wait3A_1346, %dma_wait3A_1347] : memref<320x64xf32, #tpu.memory_space<vmem>> -> memref<80x64xf32, #tpu.memory_space<vmem>>
    %dma_wait3A_1349 = arith.constant 0 : i32
    %dma_wait3A_1350 = tpu.memref_slice %arg9[%dma_wait3A_1345, %dma_wait3A_1349] : memref<4x80xi32, #tpu.memory_space<vmem>> -> memref<1x80xi32, #tpu.memory_space<vmem>>
    %dma_wait3A_1351 = tpu.memref_squeeze %dma_wait3A_1350 : memref<1x80xi32, #tpu.memory_space<vmem>> -> memref<80xi32, #tpu.memory_space<vmem>>
    %dma_wait3A_1352 = arith.constant 0 : i32
    %dma_wait3A_1353 = arith.constant 0 : i32
    %dma_wait3A_1354 = tpu.memref_slice %arg3[%dma_wait3A_1352, %dma_wait3A_1353] : memref<257x64xf32, #tpu.memory_space<hbm>> -> memref<257x64xf32, #tpu.memory_space<hbm>>
    tpu.wait_indirect_dma semaphore(%arg12 : memref<!tpu.dma_semaphore, #tpu.memory_space<semaphore_mem>>) src(%dma_wait3A_1354 : memref<257x64xf32, #tpu.memory_space<hbm>>) dst(%dma_wait3A_1348 : memref<80x64xf32, #tpu.memory_space<vmem>>)
    %dma_wait3A_1355 = arith.constant 2 : i32
    %dma_wait3A_1356 = arith.constant 160 : i32
    %dma_wait3A_1357 = arith.constant 0 : i32
    %dma_wait3A_1358 = tpu.memref_slice %arg10[%dma_wait3A_1356, %dma_wait3A_1357] : memref<320x64xf32, #tpu.memory_space<vmem>> -> memref<80x64xf32, #tpu.memory_space<vmem>>
    %dma_wait3A_1359 = arith.constant 0 : i32
    %dma_wait3A_1360 = tpu.memref_slice %arg9[%dma_wait3A_1355, %dma_wait3A_1359] : memref<4x80xi32, #tpu.memory_space<vmem>> -> memref<1x80xi32, #tpu.memory_space<vmem>>
    %dma_wait3A_1361 = tpu.memref_squeeze %dma_wait3A_1360 : memref<1x80xi32, #tpu.memory_space<vmem>> -> memref<80xi32, #tpu.memory_space<vmem>>
    %dma_wait3A_1362 = arith.constant 0 : i32
    %dma_wait3A_1363 = arith.constant 0 : i32
    %dma_wait3A_1364 = tpu.memref_slice %arg3[%dma_wait3A_1362, %dma_wait3A_1363] : memref<257x64xf32, #tpu.memory_space<hbm>> -> memref<257x64xf32, #tpu.memory_space<hbm>>
    tpu.wait_indirect_dma semaphore(%arg12 : memref<!tpu.dma_semaphore, #tpu.memory_space<semaphore_mem>>) src(%dma_wait3A_1364 : memref<257x64xf32, #tpu.memory_space<hbm>>) dst(%dma_wait3A_1358 : memref<80x64xf32, #tpu.memory_space<vmem>>)
    %dma_wait3A_1365 = arith.constant 3 : i32
    %dma_wait3A_1366 = arith.constant 240 : i32
    %dma_wait3A_1367 = arith.constant 0 : i32
    %dma_wait3A_1368 = tpu.memref_slice %arg10[%dma_wait3A_1366, %dma_wait3A_1367] : memref<320x64xf32, #tpu.memory_space<vmem>> -> memref<80x64xf32, #tpu.memory_space<vmem>>
    %dma_wait3A_1369 = arith.constant 0 : i32
    %dma_wait3A_1370 = tpu.memref_slice %arg9[%dma_wait3A_1365, %dma_wait3A_1369] : memref<4x80xi32, #tpu.memory_space<vmem>> -> memref<1x80xi32, #tpu.memory_space<vmem>>
    %dma_wait3A_1371 = tpu.memref_squeeze %dma_wait3A_1370 : memref<1x80xi32, #tpu.memory_space<vmem>> -> memref<80xi32, #tpu.memory_space<vmem>>
    %dma_wait3A_1372 = arith.constant 0 : i32
    %dma_wait3A_1373 = arith.constant 0 : i32
    %dma_wait3A_1374 = tpu.memref_slice %arg3[%dma_wait3A_1372, %dma_wait3A_1373] : memref<257x64xf32, #tpu.memory_space<hbm>> -> memref<257x64xf32, #tpu.memory_space<hbm>>
    tpu.wait_indirect_dma semaphore(%arg12 : memref<!tpu.dma_semaphore, #tpu.memory_space<semaphore_mem>>) src(%dma_wait3A_1374 : memref<257x64xf32, #tpu.memory_space<hbm>>) dst(%dma_wait3A_1368 : memref<80x64xf32, #tpu.memory_space<vmem>>)
    "tpu.region"() ({
      %run_scoped3A = tpu.sem_alloc : memref<!tpu.dma_semaphore, #tpu.memory_space<semaphore_mem>>
      %dma_start3A_1375 = arith.constant 0 : i32
      %dma_start3A_1376 = tpu.memref_slice %arg4[%add3A, %dma_start3A_1375] : memref<10000x64xf32, #tpu.memory_space<hbm>> -> memref<320x64xf32, #tpu.memory_space<hbm>>
      %dma_start3A_1377 = arith.constant 0 : i32
      %dma_start3A_1378 = tpu.memref_slice %arg4[%add3A, %dma_start3A_1377] : memref<10000x64xf32, #tpu.memory_space<hbm>> -> memref<320x64xf32, #tpu.memory_space<hbm>>
      tpu.enqueue_dma source(%arg10 : memref<320x64xf32, #tpu.memory_space<vmem>>) target(%dma_start3A_1378 : memref<320x64xf32, #tpu.memory_space<hbm>>) target_semaphore(%run_scoped3A : memref<!tpu.dma_semaphore, #tpu.memory_space<semaphore_mem>>)
      %dma_wait3A_1379 = arith.constant 0 : i32
      %dma_wait3A_1380 = tpu.memref_slice %arg4[%add3A, %dma_wait3A_1379] : memref<10000x64xf32, #tpu.memory_space<hbm>> -> memref<320x64xf32, #tpu.memory_space<hbm>>
      %dma_wait3A_1381 = arith.constant 0 : i32
      %dma_wait3A_1382 = tpu.memref_slice %arg4[%add3A, %dma_wait3A_1381] : memref<10000x64xf32, #tpu.memory_space<hbm>> -> memref<320x64xf32, #tpu.memory_space<hbm>>
      tpu.wait_dma2 semaphore(%run_scoped3A : memref<!tpu.dma_semaphore, #tpu.memory_space<semaphore_mem>>) src(%arg10 : memref<320x64xf32, #tpu.memory_space<vmem>>) dst(%dma_wait3A_1382 : memref<320x64xf32, #tpu.memory_space<hbm>>)
      tpu.yield
    }) : () -> ()
    return
  }
}

</mosaic_0001>

<sc_bundles>
// kernel: kernel.3.cloned.1.call-start
scs
__scs_entry_jumppad:
0x0: {  	(pc) =	sbr.rel $0x88, $3  }
0x1: {  	(tag) =	ssettag $0x0;
	lr =	simm.s32 $0x1  }
0x2: {  	[smem:$0x3F9E] =	sst lr;
	_ =	strace $0xD0000000  }
0x3: {  	_ = 	snop  }
0x4: {  	_ = 	snop  }
0x5: {  	_ = 	snop  }
0x6: {  	_ = 	snop  }
0x7: {  	_ = 	snop  }
__scs_overlays_trampoline_lowered:
0x8: {  	[smem:$0x3FAD] =	sst s0  }
0x9: {  	[smem:$0x3FAE] =	sst s1  }
0xa: {  	[smem:$0x3FAF] =	sst s2  }
0xb: {  	[smem:$0x3FB0] =	sst s3  }
0xc: {  	[smem:$0x3FB1] =	sst s4  }
0xd: {  	[smem:$0x3FB2] =	sst s5  }
0xe: {  	[smem:$0x3FB3] =	sst s6  }
0xf: {  	[smem:$0x3FB4] =	sst s7  }
0x10: {  	[smem:$0x3FB5] =	sst s8  }
0x11: {  	[smem:$0x3FB6] =	sst s9;
	s0 =	simm.s32 @!p0 $0x0  }
0x12: {  	s1 =	sld [smem:$0x3F9C];
	s0 =	simm.s32 @p0 $0x1  }
0x13: {  	[smem:$0x3FB7] =	sst s0;
	s0 =	simm.s32 @!p1 $0x0  }
0x14: {  	s2 =	sld [smem:$0x3F9B];
	s0 =	simm.s32 @p1 $0x1  }
0x15: {  	[smem:$0x3FB8] =	sst s0;
	s0 =	simm.s32 @!p2 $0x0  }
0x16: {  	s3 =	sld [smem:$0x3FDB];
	s0 =	simm.s32 @p2 $0x1  }
0x17: {  	s4 =	simm.s32 $0x1BF5;
	[smem:$0x3FBA] =	sst s0  }
0x18: {  	s0 =	sld [smem:$0x3F9D];
	_ =	swait.ge [sflag:s4], $0x0  }
0x19: {  	s7 =	sld [smem:$0x3F9E]  }
0x1a: {  	s8 =	sadd.s32 $0xFFFFE003, lr  }
0x1b: {  	s9 =	sadd.s32 $0xFFFFFEF7, lr;
	s5 =	simm.s32 $0xFFFFFFFF;
	p2 =	slt.u32 s8, $0xFFFFF086  }
0x1c: {  	p1 =	slt.u32 s9, $0xF7A;
	s5 =	simm.s32 @!p2 $0x0  }
0x1d: {  	s5 =	simm.s32 @p1 $0x1;
	p0 =	seq.s32 s7, s2  }
0x1e: {  	s7 =	smul.u32 @!p0 $0xF7A, s2;
	p2 =	seq.s32 @!p0 s5, $0x0  }
0x1f: {  	s9 =	smul.u32 $0xF7A, s1;
	s8 =	simm.s32 @!p0 $0x1BF5;
	p2 =	por !p2, p0  }
0x20: {  	[sflag:s8] =	ssyncset.s32 @!p0 $0xFFFFF086;
	s6 =	sadd.s32 @!p0 s3, s7;
	s7 =	simm.s32 @!p0 $0x108  }
0x21: {  	s3 =	sadd.s32 s3, s9;
	s6 =	sadd.s32 @!p0 $0x88, s6;
	s7 =	simm.s32 @p2 $0x1082  }
0x22: {  	[simem:s7], [sflag:s8] =	dma.local @!p0 [hbm:s6], $0xF7A  }
0x23: {  	s9 =	sor.u32 $0xD0000000, s2;
	s6 =	simm.s32 $0x108;
	_ =	swait.ge @!p0 [sflag:s8], $0x0  }
0x24: {  	s3 =	sadd.s32 $0x88, s3;
	s6 =	simm.s32 @!p1 $0x1082;
	[sflag:s4] =	ssyncset.s32 $0xFFFFF086  }
0x25: {  	[simem:s6], [sflag:s4] =	dma.local [hbm:s3], $0xF7A  }
0x26: {  	[smem:$0x3F9E] =	sst s1;
	(tag) =	ssettag s2;
	_ =	strace s9  }
0x27: {  	s1 =	sld [smem:$0x3FAE]  }
0x28: {  	s2 =	sld [smem:$0x3FAF]  }
0x29: {  	s4 =	sld [smem:$0x3FB1]  }
0x2a: {  	p0 =	seq.s32 s5, $0x0;
	s5 =	sld [smem:$0x3FB2]  }
0x2b: {  	s6 =	sld [smem:$0x3FB3]  }
0x2c: {  	s7 =	sld [smem:$0x3FB4]  }
0x2d: {  	s3 =	simm.s32 $0x108;
	s8 =	sld [smem:$0x3FB5]  }
0x2e: {  	s3 =	simm.s32 @!p0 $0x1082;
	s9 =	sld [smem:$0x3FB6]  }
0x2f: {  	lr =	sadd.s32 s0, s3;
	s0 =	sld [smem:$0x3FAD]  }
0x30: {  	s3 =	sld [smem:$0x3FB0]  }
0x31: {  	[smem:$0x3FB9] =	sst s10  }
0x32: {  	s10 =	sld [smem:$0x3FB7];
	_ =	sdelay $0x3  }
0x33: {  	p0 =	seq.s32 s10, $0x1;
	s10 =	sld [smem:$0x3FB9];
	_ =	sdelay $0x3  }
0x34: {  	[smem:$0x3FB9] =	sst s10  }
0x35: {  	s10 =	sld [smem:$0x3FB8];
	_ =	sdelay $0x3  }
0x36: {  	p1 =	seq.s32 s10, $0x1;
	s10 =	sld [smem:$0x3FB9];
	_ =	sdelay $0x3  }
0x37: {  	[smem:$0x3FB9] =	sst s10  }
0x38: {  	s10 =	sld [smem:$0x3FBA]  }
0x39: {  	_ = 	snop;
	(pc) =	sbr.ind lr, $3  }
0x3a: {  	_ = 	snop  }
0x3b: {  	_ = 	snop  }
0x3c: {  	p2 =	seq.s32 s10, $0x1;
	s10 =	sld [smem:$0x3FB9]  }
0x3d: {  	_ =	shalt  }
0x3e: {  	_ =	shalt  }
0x3f: {  	_ =	shalt  }
0x40: {  	_ =	shalt  }
0x41: {  	_ =	shalt  }
0x42: {  	_ =	shalt  }
0x43: {  	_ =	shalt  }
0x44: {  	_ =	shalt  }
0x45: {  	_ =	shalt  }
0x46: {  	_ =	shalt  }
0x47: {  	_ =	shalt  }
0x48: {  	_ =	shalt  }
0x49: {  	_ =	shalt  }
0x4a: {  	_ =	shalt  }
0x4b: {  	_ =	shalt  }
0x4c: {  	_ =	shalt  }
0x4d: {  	_ =	shalt  }
0x4e: {  	_ =	shalt  }
0x4f: {  	_ =	shalt  }
0x50: {  	_ =	shalt  }
0x51: {  	_ =	shalt  }
0x52: {  	_ =	shalt  }
0x53: {  	_ =	shalt  }
0x54: {  	_ =	shalt  }
0x55: {  	_ =	shalt  }
0x56: {  	_ =	shalt  }
0x57: {  	_ =	shalt  }
0x58: {  	_ =	shalt  }
0x59: {  	_ =	shalt  }
0x5a: {  	_ =	shalt  }
0x5b: {  	_ =	shalt  }
0x5c: {  	_ =	shalt  }
0x5d: {  	_ =	shalt  }
0x5e: {  	_ =	shalt  }
0x5f: {  	_ =	shalt  }
0x60: {  	_ =	shalt  }
0x61: {  	_ =	shalt  }
0x62: {  	_ =	shalt  }
0x63: {  	_ =	shalt  }
0x64: {  	_ =	shalt  }
0x65: {  	_ =	shalt  }
0x66: {  	_ =	shalt  }
0x67: {  	_ =	shalt  }
0x68: {  	_ =	shalt  }
0x69: {  	_ =	shalt  }
0x6a: {  	_ =	shalt  }
0x6b: {  	_ =	shalt  }
0x6c: {  	_ =	shalt  }
0x6d: {  	_ =	shalt  }
0x6e: {  	_ =	shalt  }
0x6f: {  	_ =	shalt  }
0x70: {  	_ =	shalt  }
0x71: {  	_ =	shalt  }
0x72: {  	_ =	shalt  }
0x73: {  	_ =	shalt  }
0x74: {  	_ =	shalt  }
0x75: {  	_ =	shalt  }
0x76: {  	_ =	shalt  }
0x77: {  	_ =	shalt  }
0x78: {  	_ =	shalt  }
0x79: {  	_ =	shalt  }
0x7a: {  	_ =	shalt  }
0x7b: {  	_ =	shalt  }
0x7c: {  	_ =	shalt  }
0x7d: {  	_ =	shalt  }
0x7e: {  	_ =	shalt  }
0x7f: {  	_ =	shalt  }
0x80: {  	_ =	shalt  }
0x81: {  	_ =	shalt  }
0x82: {  	_ =	shalt  }
0x83: {  	_ =	shalt  }
0x84: {  	_ =	shalt  }
0x85: {  	_ =	shalt  }
0x86: {  	_ =	shalt  }
0x87: {  	_ =	shalt  }
.Lfunc_end0:
.L_simem_size_0:
called_computation_lowered:
.L_overlay_start_0:
0x88: {  	s2 =	sld [smem:$0x3FD9]  }
0x89: {  	s3 =	sld [smem:$0x3FFE];
	_ =	sdelay $0x1  }
0x8a: {  	s1 =	srdreg.scid  }
0x8b: {  	s0 =	sand.u32 $0x1, s1  }
0x8c: {  	s17 =	sshll.u32 s0, $0xA;
	s2 =	sadd.s32 s3, s2  }
0x8d: {  	s2 =	sadd.s32 s2, s17  }
0x8e: {  	[smem:$0x3FC5] =	sst s2  }
0x8f: {  	_ = 	snop  }
0x90: {  	s2 =	sld [smem:$0x3FD0];
	(tm) =	ssettm $0x1  }
0x91: {  	s18 =	sld [smem:$0x3FFB];
	_ =	sdelay $0x3  }
0x92: {  	_ =	strace s18  }
0x93: {  	s3 =	sld [smem:$0x3FFC];
	_ =	sdelay $0x3  }
0x94: {  	_ =	strace s3  }
0x95: {  	s3 =	sld [smem:$0x3FFD];
	_ =	sdelay $0x3  }
0x96: {  	_ =	strace s3  }
0x97: {  	_ =	strace $0x8FFFFFFF  }
0x98: {  	s19 =	sld [smem:$0x3FDB];
	_ =	sdelay $0x1  }
0x99: {  	s4 =	simm.s32 $_scs_section_size  }
0x9a: {  	s5 =	simm.s32 $_size__tile_overlayer_lowered;
	s6 =	simm.s32 $_tile_overlayer_lowered  }
0x9b: {  	s22 =	simm.s32 $0x1BFF;
	s21 =	sshll.u32 s6, $0x1;
	s3 =	sadd.s32 s4, s19  }
0x9c: {  	s7 =	simm.s32 $0x0;
	s20 =	sshll.u32 s5, $0x1;
	s5 =	sadd.s32 s21, s3  }
0x9d: {  	[timem:s7], [sflag:s22] =	dma.local [hbm:s5], s20  }
0x9e: {  	_ =	swait.ge [sflag:s22], s20  }
0x9f: {  	s4 =	ssub.s32 $0x0, s20;
	[sflag:s22] =	ssyncset.done $0x0  }
0xa0: {  	[sflag:s22] =	ssyncadd.s32 s4;
	_ =	sdelay $0x1  }
0xa1: {  	s23 =	simm.s32 $0x1B8B  }
0xa2: {  	_ =	swait.ge [sflag:s23], $0x1  }
0xa3: {  	[sflag:s23] =	ssyncset.done $0x0  }
0xa4: {  	s25 =	simm.s32 $0x1B8E;
	s24 =	sld [smem:$0x3FFE];
	[sflag:s23] =	ssyncadd.s32 $0xFFFFFFFF  }
0xa5: {  	s26 =	simm.s32 $execute0_lowered;
	[smem:$0x3FD2] =	sst s25  }
0xa6: {  	s5 =	sshll.u32 s26, $0x1;
	_ =	strace $0x80000046;
	[dreg:$0x1] =	wrdreg $0xFFFFFFFF  }
0xa7: {  	s28 =	simm.s32 $_size_execute0_lowered;
	s3 =	sadd.s32 s3, s5;
	[dreg:$0x0] =	wrdreg $0x0  }
0xa8: {  	s5 =	sshll.u32 s28, $0x1;
	[dreg:$0x2] =	wrdreg s3  }
0xa9: {  	[dreg:$0x3] =	wrdreg s5  }
0xaa: {  	[dreg:$0x4] =	wrdreg $0xC0  }
0xab: {  	_ =	task [dreg:s7], $0x5FFFF  }
0xac: {  	[dreg:$0x1] =	wrdreg $0xFFFFFFFF  }
0xad: {  	[dreg:$0x0] =	wrdreg $0x60  }
0xae: {  	[dreg:$0x2] =	wrdreg s2  }
0xaf: {  	[dreg:$0x3] =	wrdreg s24  }
0xb0: {  	[dreg:$0x4] =	wrdreg $0x75300  }
0xb1: {  	[dreg:$0x5] =	wrdreg $0x9  }
0xb2: {  	_ =	task.clear_ibuf [dreg:s7], $0x6FFFF;
	_ =	strace $0x90000046  }
0xb3: {  	s29 =	simm.s32 $0x9;
	_ =	strace $0x80000048  }
0xb4: {  	_ =	swait.ge [sflag:s29], $0x1  }
0xb5: {  	[sflag:s29] =	ssyncadd.s32 $0xFFFFFFFF  }
0xb6: {  	_ =	strace $0x90000048  }
0xb7: {  	_ =	sfence  }
0xb8: {  	s30 =	sld [smem:$0x0];
	_ =	sdelay $0x2  }
0xb9: {  	s31 =	sshll.u32 s1, $0xD;
	s1 =	sshrl.u32 s1, $0x2  }
0xba: {  	s3 =	sand.u32 $0x4000, s31;
	s1 =	sadd.s32 s1, s30  }
0xbb: {  	s0 =	sor.u32 s3, s0;
	s1 =	sshll.u32 s1, $0x11  }
0xbc: {  	s0 =	sor.u32 s1, s0  }
0xbd: {  	s0 =	sadd.s32 $0x8F2B, s0  }
0xbe: {  	[sflag:s0] =	ssyncadd.remote.s32 $0x1  }
0xbf: {  	_ =	sfence.sel $0xFFFF  }
0xc0: {  	[dreg:$0x0] =	wrdreg $0xFFFFFFFF;
	(pc) =	sbr.abs _section_cstart, $3  }
0xc1: {  	[dreg:$0x1] =	wrdreg $0xFFFFFFFF  }
0xc2: {  	_ =	task.clear_ibuf [dreg:s7], $0x2FFFF;
	_ =	strace $0x9FFFFFFF  }
0xc3: {  	(tm) =	ssettm $0x7FFFFFFF  }
tec
execute0_lowered:
.L_overlay_start_1:
0x0: {  	(tag) =	ssettag $0x1  }
0x1: {  	s0 =	rddreg [dreg:$0x0]  }
0x2: {  	s1 =	rddreg [dreg:$0x1]  }
0x3: {  	s6 =	rddreg [dreg:$0x2]  }
0x4: {  	s2 =	srdreg.scid;
	s10 =	stileid.u32;
	s24 =	simm.s32 $0x2  }
0x5: {  	s25 =	simm.s32 $0x4E20;
	s26 =	simm.s32 $0x3;
	s5 =	smul.u32 $0x138, s10  }
0x6: {  	s29 =	simm.s32 $0xB180;
	s30 =	simm.s32 $0x0;
	s7 =	smul.u32 $0x9C4, s10  }
0x7: {  	s3 =	sand.u32 $0x1, s2;
	s2 =	simm.s32 $0x0;
	s10 =	smul.u32 $0x9C40, s10  }
0x8: {  	s4 =	smul.u32 $0x1388, s3;
	[smem:$0x7FF] =	sst s2;
	s28 =	ssub.s32 $0x2, s3  }
0x9: {  	s3 =	sadd.s32 $0xC00, s1;
	_ =	strace $0x80000047;
	s9 =	sshrl.u32 s28, $0x1  }
0xa: {  	s31 =	sshrl.u32 s10, $0x2;
	s5 =	sadd.s32 s5, s4;
	s23 =	ssub.s32 s28, s9  }
0xb: {  	s4 =	sadd.s32 s0, s7;
	s0 =	simm.s32 $0x1;
	s8 =	sshll.u32 s5, $0x3  }
0xc: {  	s5 =	sadd.s32 s5, s6;
	s6 =	sadd.s32 s31, s6;
	s23 =	smax.u32 s23, $0x1  }
0xd: {  	s1 =	sadd.s32 s8, s1;
	s7 =	sadd.s32 $0x2710, s5;
	s8 =	sadd.s32 $0x4E20, s5  }
0xe: {  	s9 =	sadd.s32 $0x7530, s5;
	s10 =	sadd.s32 $0x9C40, s5;
	s11 =	sadd.s32 $0xC350, s5  }
0xf: {  	s12 =	sadd.s32 $0xEA60, s5;
	s13 =	sadd.s32 $0x11170, s5;
	s14 =	sadd.s32 $0x13880, s5  }
0x10: {  	s15 =	sadd.s32 $0x15F90, s5;
	s16 =	sadd.s32 $0x186A0, s5;
	s17 =	sadd.s32 $0x1ADB0, s5  }
0x11: {  	s18 =	sadd.s32 $0x1D4C0, s5;
	s19 =	sadd.s32 $0x1FBD0, s5;
	s20 =	sadd.s32 $0x222E0, s5  }
0x12: {  	v0 =	vimm.s32 $0x0;
	v1 =	vimm.s32 $0x1;
	s21 =	sadd.s32 $0x249F0, s5;
	s22 =	sadd.s32 $0x1600, s1;
	s1 =	simm.s32 $0x50  }
.LBB2_1:
0x13: {  	[tilespmem:s2], [sflag:$0x2] =	stream.linear.gather [hbm4b:s4+s2], $0x4E20, $0x38;
	[tilespmem:$0x10180] =	vst v63  }
0x14: {  	s31 =	simm.s32 $0x4E60  }
0x15: {  	[tilespmem:s31+$0xFFFFFFC0] =	vst v0  }
0x16: {  	[tilespmem:s31+$0x30] =	vst v0  }
0x17: {  	[tilespmem:s31+$0x20] =	vst v0  }
0x18: {  	[tilespmem:s31+$0x10] =	vst v0  }
0x19: {  	[tilespmem:s31+$0x0] =	vst v0  }
0x1a: {  	[tilespmem:s31+$0xFFFFFFF0] =	vst v0  }
0x1b: {  	s28 =	simm.s32 $0x0;
	[tilespmem:s31+$0xFFFFFFE0] =	vst v0  }
.LBB2_2:
0x1c: {  	s28 =	sadd.s32 $0x8, s28;
	[tilespmem:s31+$0xFFFFFFD0] =	vst v0;
	s31 =	sadd.s32 $0x80, s31  }
0x1d: {  	[tilespmem:s31+$0xFFFFFFC0] =	vst v0;
	p0 =	slt.u32 s28, $0x268  }
0x1e: {  	[tilespmem:s31+$0x30] =	vst v0  }
.Ltmp0:
0x1f: {  	[tilespmem:s31+$0x20] =	vst v0;
	(pc) =	sbr.rel @p0 .LBB2_2-.Ltmp0, $4  }
0x20: {  	[tilespmem:s31+$0x10] =	vst v0  }
0x21: {  	[tilespmem:s31+$0x0] =	vst v0  }
0x22: {  	[tilespmem:s31+$0xFFFFFFF0] =	vst v0  }
0x23: {  	[tilespmem:s31+$0xFFFFFFE0] =	vst v0  }
0x24: {  	[tilespmem:s31+$0xFFFFFFD0] =	vst v0  }
0x25: {  	[tilespmem:$0x7520] =	vst v0  }
0x26: {  	_ =	swait.ge [sflag:s24], $0x4E20  }
0x27: {  	[sflag:s24] =	ssyncset.done $0x0  }
0x28: {  	s28 =	simm.s32 $0x0;
	[sflag:s24] =	ssyncadd.s32 $0xFFFFB1E0  }
0x29: {  	v2 =	vld [tilespmem:s28+$0x180]  }
0x2a: {  	v3 =	vld [tilespmem:s28+$0x170]  }
0x2b: {  	v4 =	vld [tilespmem:s28+$0x160]  }
0x2c: {  	v5 =	vld [tilespmem:s28+$0x150]  }
0x2d: {  	v6 =	vld [tilespmem:s28+$0x140]  }
0x2e: {  	v7 =	vld [tilespmem:s28+$0x120]  }
0x2f: {  	v8 =	vld [tilespmem:s28+$0x110]  }
0x30: {  	v9 =	vld [tilespmem:s28+$0x130]  }
0x31: {  	v10 =	vld [tilespmem:s28+$0x100]  }
0x32: {  	v11 =	vld [tilespmem:s28+$0x50]  }
0x33: {  	v12 =	vld [tilespmem:s28+$0xE0]  }
0x34: {  	v13 =	vld [tilespmem:s28+$0x80]  }
0x35: {  	v14 =	vld [tilespmem:s28+$0x60]  }
0x36: {  	v15 =	vld [tilespmem:s28+$0x20]  }
0x37: {  	v16 =	vld [tilespmem:s28+$0x40]  }
0x38: {  	v17 =	vld [tilespmem:s28+$0x30]  }
0x39: {  	v18 =	vld [tilespmem:s28+$0x10]  }
0x3a: {  	v19 =	vld [tilespmem:s28+$0x0]  }
0x3b: {  	v20 =	vld [tilespmem:s28+$0x70]  }
0x3c: {  	v21 =	vld [tilespmem:s28+$0xB0]  }
0x3d: {  	v22 =	vld [tilespmem:s28+$0x90]  }
0x3e: {  	v23 =	vld [tilespmem:s28+$0xC0]  }
0x3f: {  	v24 =	vld [tilespmem:s28+$0xF0]  }
0x40: {  	v25 =	vld [tilespmem:s28+$0xA0]  }
0x41: {  	v26 =	vld [tilespmem:s28+$0xD0]  }
0x42: {  	[tilespmem:v19+s25+$0x0] =	vst.idx.add.s32.msk $0xffff, v1  }
0x43: {  	[tilespmem:v18+s25+$0x0] =	vst.idx.add.s32.msk $0xffff, v1  }
0x44: {  	[tilespmem:v15+s25+$0x0] =	vst.idx.add.s32.msk $0xffff, v1  }
0x45: {  	[tilespmem:v17+s25+$0x0] =	vst.idx.add.s32.msk $0xffff, v1  }
0x46: {  	[tilespmem:v16+s25+$0x0] =	vst.idx.add.s32.msk $0xffff, v1  }
0x47: {  	[tilespmem:v11+s25+$0x0] =	vst.idx.add.s32.msk $0xffff, v1  }
0x48: {  	[tilespmem:v14+s25+$0x0] =	vst.idx.add.s32.msk $0xffff, v1  }
0x49: {  	[tilespmem:v20+s25+$0x0] =	vst.idx.add.s32.msk $0xffff, v1  }
0x4a: {  	[tilespmem:v13+s25+$0x0] =	vst.idx.add.s32.msk $0xffff, v1  }
0x4b: {  	[tilespmem:v22+s25+$0x0] =	vst.idx.add.s32.msk $0xffff, v1  }
0x4c: {  	[tilespmem:v25+s25+$0x0] =	vst.idx.add.s32.msk $0xffff, v1  }
0x4d: {  	[tilespmem:v21+s25+$0x0] =	vst.idx.add.s32.msk $0xffff, v1  }
0x4e: {  	[tilespmem:v23+s25+$0x0] =	vst.idx.add.s32.msk $0xffff, v1  }
0x4f: {  	[tilespmem:v26+s25+$0x0] =	vst.idx.add.s32.msk $0xffff, v1  }
0x50: {  	[tilespmem:v12+s25+$0x0] =	vst.idx.add.s32.msk $0xffff, v1  }
0x51: {  	[tilespmem:v24+s25+$0x0] =	vst.idx.add.s32.msk $0xffff, v1  }
0x52: {  	[tilespmem:v10+s25+$0x0] =	vst.idx.add.s32.msk $0xffff, v1  }
0x53: {  	[tilespmem:v8+s25+$0x0] =	vst.idx.add.s32.msk $0xffff, v1  }
0x54: {  	[tilespmem:v7+s25+$0x0] =	vst.idx.add.s32.msk $0xffff, v1  }
0x55: {  	[tilespmem:v9+s25+$0x0] =	vst.idx.add.s32.msk $0xffff, v1  }
0x56: {  	[tilespmem:v6+s25+$0x0] =	vst.idx.add.s32.msk $0xffff, v1  }
0x57: {  	[tilespmem:v5+s25+$0x0] =	vst.idx.add.s32.msk $0xffff, v1  }
0x58: {  	[tilespmem:v4+s25+$0x0] =	vst.idx.add.s32.msk $0xffff, v1  }
0x59: {  	s31 =	simm.s32 $0x640;
	[tilespmem:v3+s25+$0x0] =	vst.idx.add.s32.msk $0xffff, v1  }
.LBB2_4:
0x5a: {  	s28 =	sshra.s32 s31, $0x2;
	p0 =	sne.s32 s31, $0x13240;
	s31 =	sadd.s32 $0x640, s31;
	[tilespmem:v2+s25+$0x0] =	vst.idx.add.s32.msk $0xffff, v1  }
0x5b: {  	v2 =	vld [tilespmem:s28+$0x180]  }
0x5c: {  	v3 =	vld [tilespmem:s28+$0x170]  }
0x5d: {  	v4 =	vld [tilespmem:s28+$0x160]  }
0x5e: {  	v5 =	vld [tilespmem:s28+$0x150]  }
0x5f: {  	v6 =	vld [tilespmem:s28+$0x140]  }
0x60: {  	v7 =	vld [tilespmem:s28+$0x120]  }
0x61: {  	v8 =	vld [tilespmem:s28+$0x110]  }
0x62: {  	v9 =	vld [tilespmem:s28+$0x130]  }
0x63: {  	v10 =	vld [tilespmem:s28+$0x100]  }
0x64: {  	v11 =	vld [tilespmem:s28+$0x50]  }
0x65: {  	v12 =	vld [tilespmem:s28+$0xE0]  }
0x66: {  	v13 =	vld [tilespmem:s28+$0x80]  }
0x67: {  	v14 =	vld [tilespmem:s28+$0x60]  }
0x68: {  	v15 =	vld [tilespmem:s28+$0x20]  }
0x69: {  	v16 =	vld [tilespmem:s28+$0x40]  }
0x6a: {  	v17 =	vld [tilespmem:s28+$0x30]  }
0x6b: {  	v18 =	vld [tilespmem:s28+$0x10]  }
0x6c: {  	v19 =	vld [tilespmem:s28+$0x0]  }
0x6d: {  	v20 =	vld [tilespmem:s28+$0x70]  }
0x6e: {  	v21 =	vld [tilespmem:s28+$0xB0]  }
0x6f: {  	v22 =	vld [tilespmem:s28+$0x90]  }
0x70: {  	v23 =	vld [tilespmem:s28+$0xC0]  }
0x71: {  	v24 =	vld [tilespmem:s28+$0xF0]  }
0x72: {  	v25 =	vld [tilespmem:s28+$0xA0]  }
0x73: {  	v26 =	vld [tilespmem:s28+$0xD0]  }
0x74: {  	[tilespmem:v19+s25+$0x0] =	vst.idx.add.s32.msk $0xffff, v1  }
0x75: {  	[tilespmem:v18+s25+$0x0] =	vst.idx.add.s32.msk $0xffff, v1  }
0x76: {  	[tilespmem:v15+s25+$0x0] =	vst.idx.add.s32.msk $0xffff, v1  }
0x77: {  	[tilespmem:v17+s25+$0x0] =	vst.idx.add.s32.msk $0xffff, v1  }
0x78: {  	[tilespmem:v16+s25+$0x0] =	vst.idx.add.s32.msk $0xffff, v1  }
0x79: {  	[tilespmem:v11+s25+$0x0] =	vst.idx.add.s32.msk $0xffff, v1  }
0x7a: {  	[tilespmem:v14+s25+$0x0] =	vst.idx.add.s32.msk $0xffff, v1  }
0x7b: {  	[tilespmem:v20+s25+$0x0] =	vst.idx.add.s32.msk $0xffff, v1  }
0x7c: {  	[tilespmem:v13+s25+$0x0] =	vst.idx.add.s32.msk $0xffff, v1  }
0x7d: {  	[tilespmem:v22+s25+$0x0] =	vst.idx.add.s32.msk $0xffff, v1  }
0x7e: {  	[tilespmem:v25+s25+$0x0] =	vst.idx.add.s32.msk $0xffff, v1  }
0x7f: {  	[tilespmem:v21+s25+$0x0] =	vst.idx.add.s32.msk $0xffff, v1  }
0x80: {  	[tilespmem:v23+s25+$0x0] =	vst.idx.add.s32.msk $0xffff, v1  }
0x81: {  	[tilespmem:v26+s25+$0x0] =	vst.idx.add.s32.msk $0xffff, v1  }
0x82: {  	[tilespmem:v12+s25+$0x0] =	vst.idx.add.s32.msk $0xffff, v1  }
0x83: {  	[tilespmem:v24+s25+$0x0] =	vst.idx.add.s32.msk $0xffff, v1  }
0x84: {  	[tilespmem:v10+s25+$0x0] =	vst.idx.add.s32.msk $0xffff, v1  }
0x85: {  	[tilespmem:v8+s25+$0x0] =	vst.idx.add.s32.msk $0xffff, v1  }
0x86: {  	[tilespmem:v7+s25+$0x0] =	vst.idx.add.s32.msk $0xffff, v1  }
.Ltmp1:
0x87: {  	[tilespmem:v9+s25+$0x0] =	vst.idx.add.s32.msk $0xffff, v1;
	(pc) =	sbr.rel @p0 .LBB2_4-.Ltmp1, $4  }
0x88: {  	[tilespmem:v6+s25+$0x0] =	vst.idx.add.s32.msk $0xffff, v1  }
0x89: {  	[tilespmem:v5+s25+$0x0] =	vst.idx.add.s32.msk $0xffff, v1  }
0x8a: {  	[tilespmem:v4+s25+$0x0] =	vst.idx.add.s32.msk $0xffff, v1  }
0x8b: {  	[tilespmem:v3+s25+$0x0] =	vst.idx.add.s32.msk $0xffff, v1  }
0x8c: {  	_ =	sdelay $0x3  }
0x8d: {  	[tilespmem:v2+s25+$0x0] =	vst.idx.add.s32.msk $0xffff, v1  }
0x8e: {  	[spmem:s6] =	stream.linear.scatter [tilespmem:s25], [sflag:$0x3], $0x2710, $0x38;
	[tilespmem:$0x10180] =	vst v63  }
0x8f: {  	_ =	swait.ge [sflag:s26], $0x2710  }
0x90: {  	[sflag:s26] =	ssyncset.done $0x0  }
0x91: {  	[sflag:s26] =	ssyncadd.s32 $0xFFFFD8F0  }
0x92: {  	s28 =	simm.s32 $0x9C40;
	[bflag:$0x0] =	sbarrier.arrive $0xFFFF  }
0x93: {  	[tilespmem:s28], [sflag:$0x1] =	stream.linear.gather [spmem:s5], $0x140, $0x38;
	[tilespmem:$0x10180] =	vst v63  }
0x94: {  	s31 =	simm.s32 $0x9D80  }
0x95: {  	[tilespmem:s31], [sflag:$0x1] =	stream.linear.gather [spmem:s7], $0x140, $0x38;
	[tilespmem:$0x10180] =	vst v63  }
0x96: {  	s31 =	simm.s32 $0x9EC0  }
0x97: {  	[tilespmem:s31], [sflag:$0x1] =	stream.linear.gather [spmem:s8], $0x140, $0x38;
	[tilespmem:$0x10180] =	vst v63  }
0x98: {  	s31 =	simm.s32 $0xA000  }
0x99: {  	[tilespmem:s31], [sflag:$0x1] =	stream.linear.gather [spmem:s9], $0x140, $0x38;
	[tilespmem:$0x10180] =	vst v63  }
0x9a: {  	s31 =	simm.s32 $0xA140  }
0x9b: {  	[tilespmem:s31], [sflag:$0x1] =	stream.linear.gather [spmem:s10], $0x140, $0x38;
	[tilespmem:$0x10180] =	vst v63  }
0x9c: {  	s31 =	simm.s32 $0xA280  }
0x9d: {  	[tilespmem:s31], [sflag:$0x1] =	stream.linear.gather [spmem:s11], $0x140, $0x38;
	[tilespmem:$0x10180] =	vst v63  }
0x9e: {  	s31 =	simm.s32 $0xA3C0  }
0x9f: {  	[tilespmem:s31], [sflag:$0x1] =	stream.linear.gather [spmem:s12], $0x140, $0x38;
	[tilespmem:$0x10180] =	vst v63  }
0xa0: {  	s31 =	simm.s32 $0xA500  }
0xa1: {  	[tilespmem:s31], [sflag:$0x1] =	stream.linear.gather [spmem:s13], $0x140, $0x38;
	[tilespmem:$0x10180] =	vst v63  }
0xa2: {  	s31 =	simm.s32 $0xA640  }
0xa3: {  	[tilespmem:s31], [sflag:$0x1] =	stream.linear.gather [spmem:s14], $0x140, $0x38;
	[tilespmem:$0x10180] =	vst v63  }
0xa4: {  	s31 =	simm.s32 $0xA780  }
0xa5: {  	[tilespmem:s31], [sflag:$0x1] =	stream.linear.gather [spmem:s15], $0x140, $0x38;
	[tilespmem:$0x10180] =	vst v63  }
0xa6: {  	s31 =	simm.s32 $0xA8C0  }
0xa7: {  	[tilespmem:s31], [sflag:$0x1] =	stream.linear.gather [spmem:s16], $0x140, $0x38;
	[tilespmem:$0x10180] =	vst v63  }
0xa8: {  	s31 =	simm.s32 $0xAA00  }
0xa9: {  	[tilespmem:s31], [sflag:$0x1] =	stream.linear.gather [spmem:s17], $0x140, $0x38;
	[tilespmem:$0x10180] =	vst v63  }
0xaa: {  	s31 =	simm.s32 $0xAB40  }
0xab: {  	[tilespmem:s31], [sflag:$0x1] =	stream.linear.gather [spmem:s18], $0x140, $0x38;
	[tilespmem:$0x10180] =	vst v63  }
0xac: {  	s31 =	simm.s32 $0xAC80  }
0xad: {  	[tilespmem:s31], [sflag:$0x1] =	stream.linear.gather [spmem:s19], $0x140, $0x38;
	[tilespmem:$0x10180] =	vst v63  }
0xae: {  	s31 =	simm.s32 $0xADC0  }
0xaf: {  	[tilespmem:s31], [sflag:$0x1] =	stream.linear.gather [spmem:s20], $0x140, $0x38;
	[tilespmem:$0x10180] =	vst v63  }
0xb0: {  	s31 =	simm.s32 $0xAF00  }
0xb1: {  	[tilespmem:s31], [sflag:$0x1] =	stream.linear.gather [spmem:s21], $0x140, $0x38;
	[tilespmem:$0x10180] =	vst v63  }
0xb2: {  	_ =	swait.ge [sflag:s0], $0x140  }
0xb3: {  	[sflag:s0] =	ssyncset.done $0x0  }
0xb4: {  	[sflag:s0] =	ssyncadd.s32 $0xFFFFFEC0  }
0xb5: {  	_ =	swait.ge [sflag:s0], $0x140  }
0xb6: {  	[sflag:s0] =	ssyncset.done $0x0  }
0xb7: {  	[sflag:s0] =	ssyncadd.s32 $0xFFFFFEC0  }
0xb8: {  	_ =	swait.ge [sflag:s0], $0x140  }
0xb9: {  	[sflag:s0] =	ssyncset.done $0x0  }
0xba: {  	[sflag:s0] =	ssyncadd.s32 $0xFFFFFEC0  }
0xbb: {  	_ =	swait.ge [sflag:s0], $0x140  }
0xbc: {  	[sflag:s0] =	ssyncset.done $0x0  }
0xbd: {  	[sflag:s0] =	ssyncadd.s32 $0xFFFFFEC0  }
0xbe: {  	_ =	swait.ge [sflag:s0], $0x140  }
0xbf: {  	[sflag:s0] =	ssyncset.done $0x0  }
0xc0: {  	[sflag:s0] =	ssyncadd.s32 $0xFFFFFEC0  }
0xc1: {  	_ =	swait.ge [sflag:s0], $0x140  }
0xc2: {  	[sflag:s0] =	ssyncset.done $0x0  }
0xc3: {  	[sflag:s0] =	ssyncadd.s32 $0xFFFFFEC0  }
0xc4: {  	_ =	swait.ge [sflag:s0], $0x140  }
0xc5: {  	[sflag:s0] =	ssyncset.done $0x0  }
0xc6: {  	[sflag:s0] =	ssyncadd.s32 $0xFFFFFEC0  }
0xc7: {  	_ =	swait.ge [sflag:s0], $0x140  }
0xc8: {  	[sflag:s0] =	ssyncset.done $0x0  }
0xc9: {  	[sflag:s0] =	ssyncadd.s32 $0xFFFFFEC0  }
0xca: {  	_ =	swait.ge [sflag:s0], $0x140  }
0xcb: {  	[sflag:s0] =	ssyncset.done $0x0  }
0xcc: {  	[sflag:s0] =	ssyncadd.s32 $0xFFFFFEC0  }
0xcd: {  	_ =	swait.ge [sflag:s0], $0x140  }
0xce: {  	[sflag:s0] =	ssyncset.done $0x0  }
0xcf: {  	[sflag:s0] =	ssyncadd.s32 $0xFFFFFEC0  }
0xd0: {  	_ =	swait.ge [sflag:s0], $0x140  }
0xd1: {  	[sflag:s0] =	ssyncset.done $0x0  }
0xd2: {  	[sflag:s0] =	ssyncadd.s32 $0xFFFFFEC0  }
0xd3: {  	_ =	swait.ge [sflag:s0], $0x140  }
0xd4: {  	[sflag:s0] =	ssyncset.done $0x0  }
0xd5: {  	[sflag:s0] =	ssyncadd.s32 $0xFFFFFEC0  }
0xd6: {  	_ =	swait.ge [sflag:s0], $0x140  }
0xd7: {  	[sflag:s0] =	ssyncset.done $0x0  }
0xd8: {  	[sflag:s0] =	ssyncadd.s32 $0xFFFFFEC0  }
0xd9: {  	_ =	swait.ge [sflag:s0], $0x140  }
0xda: {  	[sflag:s0] =	ssyncset.done $0x0  }
0xdb: {  	[sflag:s0] =	ssyncadd.s32 $0xFFFFFEC0  }
0xdc: {  	_ =	swait.ge [sflag:s0], $0x140  }
0xdd: {  	[sflag:s0] =	ssyncset.done $0x0  }
0xde: {  	[sflag:s0] =	ssyncadd.s32 $0xFFFFFEC0  }
0xdf: {  	_ =	swait.ge [sflag:s0], $0x140  }
0xe0: {  	[sflag:s0] =	ssyncset.done $0x0  }
0xe1: {  	[sflag:s0] =	ssyncadd.s32 $0xFFFFFEC0  }
0xe2: {  	v11 =	vld [tilespmem:$0x9C40]  }
0xe3: {  	v10 =	vld [tilespmem:$0x9D80]  }
0xe4: {  	v12 =	vld [tilespmem:$0x9EC0]  }
0xe5: {  	v14 =	vld [tilespmem:$0xA000]  }
0xe6: {  	v17 =	vld [tilespmem:$0xA140]  }
0xe7: {  	v18 =	vld [tilespmem:$0xA280]  }
0xe8: {  	v19 =	vld [tilespmem:$0xA3C0]  }
0xe9: {  	v21 =	vld [tilespmem:$0xA500]  }
0xea: {  	v26 =	vld [tilespmem:$0xA640]  }
0xeb: {  	v29 =	vld [tilespmem:$0xA780]  }
0xec: {  	v32 =	vld [tilespmem:$0xA8C0]  }
0xed: {  	v38 =	vld [tilespmem:$0xAA00]  }
0xee: {  	v39 =	vld [tilespmem:$0xAB40]  }
0xef: {  	v44 =	vld [tilespmem:$0xAC80]  }
0xf0: {  	v53 =	vld [tilespmem:$0xADC0]  }
0xf1: {  	v61 =	vld [tilespmem:$0xAF00]  }
0xf2: {  	v31 =	vld [tilespmem:$0x9C50]  }
0xf3: {  	v28 =	vld [tilespmem:$0x9D90]  }
0xf4: {  	v33 =	vld [tilespmem:$0x9ED0]  }
0xf5: {  	v40 =	vld [tilespmem:$0xA010]  }
0xf6: {  	v48 =	vld [tilespmem:$0xA150]  }
0xf7: {  	v54 =	vld [tilespmem:$0xA290]  }
0xf8: {  	v2 =	vld [tilespmem:$0xA3D0]  }
0xf9: {  	v6 =	vld [tilespmem:$0x9C60]  }
0xfa: {  	v5 =	vld [tilespmem:$0x9DA0]  }
0xfb: {  	v8 =	vld [tilespmem:$0x9EE0]  }
0xfc: {  	v13 =	vld [tilespmem:$0xA020]  }
0xfd: {  	v15 =	vld [tilespmem:$0xA160]  }
0xfe: {  	v22 =	vld [tilespmem:$0xA2A0]  }
0xff: {  	v36 =	vld [tilespmem:$0xA3E0]  }
0x100: {  	v43 =	vld [tilespmem:$0xA520]  }
0x101: {  	v46 =	vld [tilespmem:$0xA660]  }
0x102: {  	v55 =	vld [tilespmem:$0xA7A0]  }
0x103: {  	v3 =	vld [tilespmem:$0x9C70]  }
0x104: {  	v4 =	vld [tilespmem:$0x9EF0]  }
0x105: {  	v7 =	vld [tilespmem:$0xA030]  }
0x106: {  	v9 =	vld [tilespmem:$0xA170]  }
0x107: {  	v16 =	vld [tilespmem:$0xA2B0]  }
0x108: {  	v25 =	vld [tilespmem:$0xA3F0]  }
0x109: {  	v34 =	vld [tilespmem:$0xA530]  }
0x10a: {  	v41 =	vld [tilespmem:$0xA670]  }
0x10b: {  	v47 =	vld [tilespmem:$0xA7B0]  }
0x10c: {  	v56 =	vld [tilespmem:$0xA8F0]  }
0x10d: {  	v20 =	vld [tilespmem:$0xAA30]  }
0x10e: {  	v59 =	vld [tilespmem:$0xAB70]  }
0x10f: {  	v60 =	vld [tilespmem:$0xACB0]  }
0x110: {  	v62 =	vld [tilespmem:$0xADF0]  }
0x111: {  	v63 =	vld [tilespmem:$0xAF30]  }
0x112: {  	v24 =	vld [tilespmem:$0x9C80]  }
0x113: {  	v27 =	vld [tilespmem:$0x9F00]  }
0x114: {  	[tilespmem:$0x1F560] =	vst v2;
	v2 =	vld [tilespmem:$0xA510]  }
0x115: {  	v30 =	vld [tilespmem:$0xA040]  }
0x116: {  	v35 =	vld [tilespmem:$0xA180]  }
0x117: {  	v37 =	vld [tilespmem:$0xA2C0]  }
0x118: {  	v42 =	vld [tilespmem:$0xA400]  }
0x119: {  	[tilespmem:$0x1F570] =	vst v2;
	v2 =	vld [tilespmem:$0xA650]  }
0x11a: {  	v45 =	vld [tilespmem:$0xA540]  }
0x11b: {  	v49 =	vld [tilespmem:$0xA680]  }
0x11c: {  	v50 =	vld [tilespmem:$0xA7C0]  }
0x11d: {  	v51 =	vld [tilespmem:$0xA900];
	[tilespmem:$0x1F650] =	vst v20  }
0x11e: {  	[tilespmem:$0x1F580] =	vst v2;
	v2 =	vld [tilespmem:$0xA790]  }
0x11f: {  	v52 =	vld [tilespmem:$0xAA40];
	[tilespmem:$0x1F670] =	vst v59  }
0x120: {  	v57 =	vld [tilespmem:$0xAB80];
	[tilespmem:$0x1F690] =	vst v60  }
0x121: {  	v58 =	vld [tilespmem:$0xACC0];
	[tilespmem:$0x1F6B0] =	vst v62  }
0x122: {  	v23 =	vld [tilespmem:$0x9CA0];
	[tilespmem:$0x1F6D0] =	vst v63  }
0x123: {  	[tilespmem:$0x1F590] =	vst v2;
	v2 =	vld [tilespmem:$0xA8D0]  }
0x124: {  	[tilespmem:$0x1F680] =	vst v24;
	v60 =	vld [tilespmem:$0x9DC0]  }
0x125: {  	[tilespmem:$0x1F6A0] =	vst v27;
	v59 =	vld [tilespmem:$0xAE00]  }
0x126: {  	[tilespmem:$0x1F6C0] =	vst v30;
	v62 =	vld [tilespmem:$0xAF40]  }
0x127: {  	[tilespmem:$0x1F6E0] =	vst v35;
	v30 =	vld [tilespmem:$0x9C90]  }
0x128: {  	[tilespmem:$0x1F5A0] =	vst v2;
	v2 =	vld [tilespmem:$0xAA10]  }
0x129: {  	[tilespmem:$0x1F6F0] =	vst v37;
	v27 =	vld [tilespmem:$0x9DD0]  }
0x12a: {  	[tilespmem:$0x1F700] =	vst v42;
	v37 =	vld [tilespmem:$0x9F10]  }
0x12b: {  	[tilespmem:$0x1F710] =	vst v45;
	v45 =	vld [tilespmem:$0xA050]  }
0x12c: {  	[tilespmem:$0x1F750] =	vst v50;
	v50 =	vld [tilespmem:$0xA190]  }
0x12d: {  	[tilespmem:$0x1F5B0] =	vst v2;
	v2 =	vld [tilespmem:$0xAB50]  }
0x12e: {  	[tilespmem:$0x1F730] =	vst v49;
	v63 =	vld [tilespmem:$0xA410]  }
0x12f: {  	[tilespmem:$0x1F770] =	vst v51;
	v24 =	vld [tilespmem:$0xA550]  }
0x130: {  	[tilespmem:$0x1F790] =	vst v52;
	v35 =	vld [tilespmem:$0xA690]  }
0x131: {  	[tilespmem:$0x1F7C0] =	vst v57;
	v42 =	vld [tilespmem:$0xA7D0]  }
0x132: {  	[tilespmem:$0x1F5D0] =	vst v2;
	v2 =	vld [tilespmem:$0xAC90]  }
0x133: {  	[tilespmem:$0x1F7F0] =	vst v58;
	v49 =	vld [tilespmem:$0xA910]  }
0x134: {  	v58 =	vld [tilespmem:$0xAE10];
	[tilespmem:$0x1F820] =	vst v59  }
0x135: {  	[tilespmem:$0x1F850] =	vst v62;
	v62 =	vld [tilespmem:$0xAF50]  }
0x136: {  	[tilespmem:$0x1F720] =	vst v63;
	v63 =	vld [tilespmem:$0xA6A0]  }
0x137: {  	[tilespmem:$0x1F5F0] =	vst v2;
	v2 =	vld [tilespmem:$0xADD0]  }
0x138: {  	v51 =	vld [tilespmem:$0xAA50];
	[tilespmem:$0x1F740] =	vst v24  }
0x139: {  	[tilespmem:$0x1F860] =	vst v58;
	v58 =	vld [tilespmem:$0xA7E0]  }
0x13a: {  	[tilespmem:$0x1F880] =	vst v62;
	v62 =	vld [tilespmem:$0xA920]  }
0x13b: {  	[tilespmem:$0x1F7E0] =	vst v63;
	v63 =	vld [tilespmem:$0xAA60]  }
0x13c: {  	[tilespmem:$0x1F610] =	vst v2;
	v2 =	vld [tilespmem:$0xAF10]  }
0x13d: {  	v52 =	vld [tilespmem:$0xAB90];
	[tilespmem:$0x1F760] =	vst v35  }
0x13e: {  	[tilespmem:$0x1F810] =	vst v58;
	v58 =	vld [tilespmem:$0xABA0]  }
0x13f: {  	[tilespmem:$0x1F840] =	vst v62;
	v62 =	vld [tilespmem:$0xACE0]  }
0x140: {  	[tilespmem:$0x1F870] =	vst v63;
	v63 =	vld [tilespmem:$0xAE20]  }
0x141: {  	[tilespmem:$0x1F630] =	vst v2;
	v2 =	vld [tilespmem:$0xA8E0]  }
0x142: {  	v57 =	vld [tilespmem:$0xACD0];
	[tilespmem:$0x1F780] =	vst v42  }
0x143: {  	[tilespmem:$0x1F890] =	vst v58;
	v58 =	vld [tilespmem:$0xAF60]  }
0x144: {  	[tilespmem:$0x1F8C0] =	vst v62;
	v62 =	vld [tilespmem:$0x9CB0]  }
0x145: {  	[tilespmem:$0x1F8F0] =	vst v63;
	v63 =	vld [tilespmem:$0x9DF0]  }
0x146: {  	[tilespmem:$0x1F5C0] =	vst v2;
	v2 =	vld [tilespmem:$0xAA20]  }
0x147: {  	v20 =	vld [tilespmem:$0x9DE0];
	[tilespmem:$0x1F7A0] =	vst v49  }
0x148: {  	[tilespmem:$0x1F920] =	vst v58;
	v58 =	vld [tilespmem:$0x9F30]  }
0x149: {  	[tilespmem:$0x1F8A0] =	vst v62;
	v62 =	vld [tilespmem:$0xA070]  }
0x14a: {  	[tilespmem:$0x1F8B0] =	vst v63;
	v63 =	vld [tilespmem:$0xA1B0]  }
0x14b: {  	[tilespmem:$0x1F5E0] =	vst v2;
	v2 =	vld [tilespmem:$0xAB60]  }
0x14c: {  	v59 =	vld [tilespmem:$0xA2D0];
	[tilespmem:$0x1F7D0] =	vst v51  }
0x14d: {  	[tilespmem:$0x1F8D0] =	vst v58;
	v58 =	vld [tilespmem:$0xA2F0]  }
0x14e: {  	[tilespmem:$0x1F900] =	vst v62;
	v62 =	vld [tilespmem:$0xA430]  }
0x14f: {  	[tilespmem:$0x1F930] =	vst v63;
	v63 =	vld [tilespmem:$0xA570]  }
0x150: {  	[tilespmem:$0x1F600] =	vst v2;
	v2 =	vld [tilespmem:$0xACA0]  }
0x151: {  	[tilespmem:$0x1F800] =	vst v52;
	v24 =	vld [tilespmem:$0x9F20]  }
0x152: {  	[tilespmem:$0x1F950] =	vst v58;
	v58 =	vld [tilespmem:$0xA6B0]  }
0x153: {  	[tilespmem:$0x1F970] =	vst v62;
	v62 =	vld [tilespmem:$0xA7F0]  }
0x154: {  	[tilespmem:$0x1F990] =	vst v63;
	v63 =	vld [tilespmem:$0xA930]  }
0x155: {  	[tilespmem:$0x1F620] =	vst v2;
	v2 =	vld [tilespmem:$0xADE0]  }
0x156: {  	[tilespmem:$0x1F830] =	vst v57;
	v51 =	vld [tilespmem:$0xA560]  }
0x157: {  	[tilespmem:$0x1F9C0] =	vst v58;
	v58 =	vld [tilespmem:$0xAA70]  }
0x158: {  	[tilespmem:$0x1F9F0] =	vst v62;
	v62 =	vld [tilespmem:$0xABB0]  }
0x159: {  	[tilespmem:$0x1FA20] =	vst v63;
	v63 =	vld [tilespmem:$0xACF0]  }
0x15a: {  	[tilespmem:$0x1F640] =	vst v2;
	v2 =	vld [tilespmem:$0xAF20]  }
0x15b: {  	v35 =	vld [tilespmem:$0xA060];
	[tilespmem:$0x1F7B0] =	vst v51  }
0x15c: {  	v42 =	vld [tilespmem:$0xA1A0];
	[tilespmem:$0x1FA50] =	vst v58  }
0x15d: {  	v49 =	vld [tilespmem:$0xA2E0];
	[tilespmem:$0x1FA80] =	vst v62  }
0x15e: {  	v10 =	vadd.s32 v11, v10;
	v57 =	vld [tilespmem:$0xA420];
	[tilespmem:$0x1FAB0] =	vst v63  }
0x15f: {  	v10 =	vadd.s32 v12, v10;
	[tilespmem:$0x1F660] =	vst v2;
	v2 =	vld [tilespmem:$0x9DB0]  }
0x160: {  	v10 =	vadd.s32 v14, v10;
	v51 =	vld [tilespmem:$0xAE30]  }
0x161: {  	v10 =	vadd.s32 v17, v10;
	v14 =	vld [tilespmem:$0x9E50]  }
0x162: {  	v10 =	vadd.s32 v18, v10;
	v17 =	vld [tilespmem:$0x9F90]  }
0x163: {  	v10 =	vadd.s32 v19, v10;
	v18 =	vld [tilespmem:$0xA0D0]  }
0x164: {  	v10 =	vadd.s32 v21, v10;
	v19 =	vld [tilespmem:$0xA350]  }
0x165: {  	v10 =	vadd.s32 v26, v10;
	v2 =	vadd.s32 v3, v2;
	v3 =	vld [tilespmem:$0xAC10]  }
0x166: {  	v10 =	vadd.s32 v29, v10;
	v26 =	vld [tilespmem:$0xA490]  }
0x167: {  	v5 =	vadd.s32 v6, v5;
	v10 =	vadd.s32 v32, v10;
	v29 =	vld [tilespmem:$0xA5D0]  }
0x168: {  	v5 =	vadd.s32 v8, v5;
	v10 =	vadd.s32 v38, v10;
	v38 =	vld [tilespmem:$0xA850]  }
0x169: {  	v31 =	vadd.s32 v31, v28;
	v5 =	vadd.s32 v13, v5;
	v13 =	vld [tilespmem:$0x1F570]  }
0x16a: {  	v11 =	vadd.s32 v33, v31;
	v5 =	vadd.s32 v15, v5;
	v10 =	vadd.s32 v39, v10;
	[tilespmem:$0x1FFA0] =	vst v3;
	v3 =	vld [tilespmem:$0x1F560]  }
0x16b: {  	v5 =	vadd.s32 v22, v5;
	v10 =	vadd.s32 v44, v10;
	v22 =	vld [tilespmem:$0x1F5A0];
	v2 =	vadd.s32 v4, v2  }
0x16c: {  	v44 =	vadd.s32 v40, v11;
	v39 =	vadd.s32 v53, v10;
	[tilespmem:$0x1FE90] =	vst v17;
	v17 =	vld [tilespmem:$0x1F580];
	v2 =	vadd.s32 v7, v2  }
0x16d: {  	v6 =	vadd.s32 v61, v39;
	v61 =	vadd.s32 v48, v44;
	[tilespmem:$0x1FEF0] =	vst v19;
	v19 =	vld [tilespmem:$0x1F590];
	v2 =	vadd.s32 v9, v2  }
0x16e: {  	[tilespmem:$0x1FFF0] =	vst v6;
	v6 =	vadd.s32 v54, v61;
	v33 =	vld [tilespmem:$0x1F5F0];
	v2 =	vadd.s32 v16, v2  }
0x16f: {  	v2 =	vadd.s32 v25, v2;
	v25 =	vld [tilespmem:$0x1F5B0];
	v3 =	vadd.s32 v3, v6  }
0x170: {  	[tilespmem:$0x1FF20] =	vst v29;
	v29 =	vld [tilespmem:$0x1F5D0];
	v3 =	vadd.s32 v13, v3  }
0x171: {  	v40 =	vld [tilespmem:$0x1F630];
	v3 =	vadd.s32 v17, v3  }
0x172: {  	[tilespmem:$0x1FE70] =	vst v14;
	v14 =	vadd.s32 v36, v5;
	v36 =	vld [tilespmem:$0x1F610];
	v3 =	vadd.s32 v19, v3  }
0x173: {  	[tilespmem:$0x1FEB0] =	vst v18;
	v18 =	vld [tilespmem:$0xAFD0];
	v3 =	vadd.s32 v22, v3  }
0x174: {  	[tilespmem:$0x1FF00] =	vst v26;
	v26 =	vld [tilespmem:$0x1F5C0];
	v3 =	vadd.s32 v25, v3  }
0x175: {  	v31 =	vld [tilespmem:$0x1F5E0];
	v3 =	vadd.s32 v29, v3  }
0x176: {  	v4 =	vadd.s32 v43, v14;
	v2 =	vadd.s32 v34, v2;
	v34 =	vld [tilespmem:$0x1F600];
	v3 =	vadd.s32 v33, v3  }
0x177: {  	[tilespmem:$0x1FF60] =	vst v38;
	v38 =	vld [tilespmem:$0x1F620];
	v4 =	vadd.s32 v46, v4;
	v3 =	vadd.s32 v36, v3  }
0x178: {  	v4 =	vadd.s32 v55, v4;
	[tilespmem:$0x1FFE0] =	vst v18;
	v18 =	vadd.s32 v40, v3;
	v3 =	vld [tilespmem:$0x1F640]  }
0x179: {  	v44 =	vld [tilespmem:$0x1F660];
	v4 =	vadd.s32 v26, v4  }
0x17a: {  	v4 =	vadd.s32 v31, v4  }
0x17b: {  	v4 =	vadd.s32 v34, v4  }
0x17c: {  	v5 =	vadd.s32 v38, v4  }
0x17d: {  	v2 =	vadd.s32 v41, v2;
	v41 =	vld [tilespmem:$0x1F650];
	v3 =	vadd.s32 v3, v5  }
0x17e: {  	v19 =	vadd.s32 v44, v3;
	v3 =	vld [tilespmem:$0x1F670];
	_ =	sdelay $0x1  }
0x17f: {  	v2 =	vadd.s32 v47, v2  }
0x180: {  	v2 =	vadd.s32 v56, v2  }
0x181: {  	v2 =	vadd.s32 v41, v2  }
0x182: {  	v2 =	vadd.s32 v3, v2;
	v3 =	vld [tilespmem:$0x1F680];
	_ =	sdelay $0x4  }
0x183: {  	v46 =	vadd.s32 v3, v60;
	v3 =	vld [tilespmem:$0xA5E0];
	_ =	sdelay $0x4  }
0x184: {  	[tilespmem:$0x1FF50] =	vst v3;
	v3 =	vld [tilespmem:$0x1F690];
	_ =	sdelay $0x4  }
0x185: {  	v2 =	vadd.s32 v3, v2;
	v3 =	vld [tilespmem:$0x1F6A0];
	_ =	sdelay $0x4  }
0x186: {  	v5 =	vadd.s32 v3, v46;
	v3 =	vld [tilespmem:$0x1F6B0];
	_ =	sdelay $0x4  }
0x187: {  	v2 =	vadd.s32 v3, v2;
	v3 =	vld [tilespmem:$0x1F6C0];
	_ =	sdelay $0x4  }
0x188: {  	v48 =	vadd.s32 v3, v5;
	v3 =	vld [tilespmem:$0xA860];
	_ =	sdelay $0x4  }
0x189: {  	[tilespmem:$0x1FF80] =	vst v3;
	v3 =	vld [tilespmem:$0x1F6D0];
	_ =	sdelay $0x4  }
0x18a: {  	v16 =	vadd.s32 v3, v2;
	v2 =	vld [tilespmem:$0x1F6E0]  }
0x18b: {  	v3 =	vld [tilespmem:$0x1F6F0];
	_ =	sdelay $0x3  }
0x18c: {  	v2 =	vadd.s32 v2, v48  }
0x18d: {  	v2 =	vadd.s32 v3, v2;
	v3 =	vld [tilespmem:$0x1F700];
	_ =	sdelay $0x4  }
0x18e: {  	v2 =	vadd.s32 v3, v2;
	v3 =	vld [tilespmem:$0xAC20];
	_ =	sdelay $0x2  }
0x18f: {  	v63 =	vld [tilespmem:$0x9F40];
	_ =	sdelay $0x1  }
0x190: {  	[tilespmem:$0x1FFC0] =	vst v3;
	v3 =	vld [tilespmem:$0x1F710];
	_ =	sdelay $0x2  }
0x191: {  	[tilespmem:$0x1F910] =	vst v63;
	v63 =	vld [tilespmem:$0xA1C0];
	_ =	sdelay $0x1  }
0x192: {  	v47 =	vadd.s32 v30, v27;
	v2 =	vadd.s32 v3, v2;
	v3 =	vld [tilespmem:$0x1F720]  }
0x193: {  	v6 =	vadd.s32 v37, v47  }
0x194: {  	v6 =	vadd.s32 v45, v6  }
0x195: {  	[tilespmem:$0x1F960] =	vst v63;
	v63 =	vld [tilespmem:$0xA440];
	v6 =	vadd.s32 v50, v6  }
0x196: {  	v6 =	vadd.s32 v59, v6  }
0x197: {  	v6 =	vadd.s32 v3, v6;
	v3 =	vld [tilespmem:$0x1F730];
	_ =	sdelay $0x2  }
0x198: {  	[tilespmem:$0x1F9A0] =	vst v63;
	v63 =	vld [tilespmem:$0xA6C0];
	_ =	sdelay $0x1  }
0x199: {  	v2 =	vadd.s32 v3, v2;
	v3 =	vld [tilespmem:$0x1F740];
	_ =	sdelay $0x2  }
0x19a: {  	[tilespmem:$0x1FA00] =	vst v63;
	v63 =	vld [tilespmem:$0xA940];
	_ =	sdelay $0x1  }
0x19b: {  	v6 =	vadd.s32 v3, v6;
	v3 =	vld [tilespmem:$0x1F750];
	_ =	sdelay $0x2  }
0x19c: {  	[tilespmem:$0x1FA60] =	vst v63;
	v63 =	vld [tilespmem:$0xABC0];
	_ =	sdelay $0x1  }
0x19d: {  	v2 =	vadd.s32 v3, v2;
	v3 =	vld [tilespmem:$0x1F760];
	_ =	sdelay $0x2  }
0x19e: {  	[tilespmem:$0x1FAC0] =	vst v63;
	v63 =	vld [tilespmem:$0xAE40];
	_ =	sdelay $0x1  }
0x19f: {  	v6 =	vadd.s32 v3, v6;
	v3 =	vld [tilespmem:$0x1F770];
	_ =	sdelay $0x2  }
0x1a0: {  	[tilespmem:$0x1FB20] =	vst v63;
	v63 =	vld [tilespmem:$0xA090];
	_ =	sdelay $0x1  }
0x1a1: {  	v2 =	vadd.s32 v3, v2;
	v3 =	vld [tilespmem:$0x1F780];
	_ =	sdelay $0x2  }
0x1a2: {  	[tilespmem:$0x1F9B0] =	vst v63;
	v63 =	vld [tilespmem:$0xA1D0];
	_ =	sdelay $0x1  }
0x1a3: {  	v6 =	vadd.s32 v3, v6;
	v3 =	vld [tilespmem:$0x1F790];
	_ =	sdelay $0x2  }
0x1a4: {  	[tilespmem:$0x1F9E0] =	vst v63;
	v63 =	vld [tilespmem:$0xA310]  }
0x1a5: {  	v53 =	vld [tilespmem:$0xA990]  }
0x1a6: {  	v2 =	vadd.s32 v3, v2;
	v3 =	vld [tilespmem:$0x1F7A0];
	_ =	sdelay $0x2  }
0x1a7: {  	[tilespmem:$0x1FA10] =	vst v63;
	v63 =	vld [tilespmem:$0xA450]  }
0x1a8: {  	[tilespmem:$0x1FF70] =	vst v53;
	v53 =	vadd.s32 v23, v20  }
0x1a9: {  	v7 =	vadd.s32 v24, v53;
	v6 =	vadd.s32 v3, v6;
	v3 =	vld [tilespmem:$0x1F7B0]  }
0x1aa: {  	v7 =	vadd.s32 v35, v7  }
0x1ab: {  	v7 =	vadd.s32 v42, v7  }
0x1ac: {  	v7 =	vadd.s32 v49, v7;
	[tilespmem:$0x1FA40] =	vst v63;
	v63 =	vld [tilespmem:$0xA590]  }
0x1ad: {  	v7 =	vadd.s32 v57, v7  }
0x1ae: {  	v7 =	vadd.s32 v3, v7;
	v3 =	vld [tilespmem:$0x1F7C0];
	_ =	sdelay $0x2  }
0x1af: {  	[tilespmem:$0x1FA70] =	vst v63;
	v63 =	vld [tilespmem:$0xA6D0];
	_ =	sdelay $0x1  }
0x1b0: {  	v2 =	vadd.s32 v3, v2;
	v3 =	vld [tilespmem:$0x1F7D0];
	_ =	sdelay $0x2  }
0x1b1: {  	[tilespmem:$0x1FAA0] =	vst v63;
	v63 =	vld [tilespmem:$0xA810];
	_ =	sdelay $0x1  }
0x1b2: {  	v6 =	vadd.s32 v3, v6;
	v3 =	vld [tilespmem:$0x1F7E0];
	_ =	sdelay $0x2  }
0x1b3: {  	[tilespmem:$0x1FAD0] =	vst v63;
	v63 =	vld [tilespmem:$0xA950];
	_ =	sdelay $0x1  }
0x1b4: {  	v7 =	vadd.s32 v3, v7;
	v3 =	vld [tilespmem:$0x1F7F0];
	_ =	sdelay $0x2  }
0x1b5: {  	[tilespmem:$0x1FB00] =	vst v63;
	v63 =	vld [tilespmem:$0xAA90];
	_ =	sdelay $0x1  }
0x1b6: {  	v2 =	vadd.s32 v3, v2;
	v3 =	vld [tilespmem:$0x1F800];
	_ =	sdelay $0x2  }
0x1b7: {  	[tilespmem:$0x1FB30] =	vst v63;
	v63 =	vld [tilespmem:$0xABD0];
	_ =	sdelay $0x1  }
0x1b8: {  	v6 =	vadd.s32 v3, v6;
	v3 =	vld [tilespmem:$0x1F810];
	_ =	sdelay $0x2  }
0x1b9: {  	[tilespmem:$0x1FB50] =	vst v63;
	v63 =	vld [tilespmem:$0xAD10];
	_ =	sdelay $0x1  }
0x1ba: {  	v7 =	vadd.s32 v3, v7;
	v3 =	vld [tilespmem:$0x1F820];
	_ =	sdelay $0x2  }
0x1bb: {  	[tilespmem:$0x1FB80] =	vst v63;
	v63 =	vld [tilespmem:$0xAE50];
	_ =	sdelay $0x1  }
0x1bc: {  	v2 =	vadd.s32 v3, v2;
	v3 =	vld [tilespmem:$0x1F830];
	_ =	sdelay $0x2  }
0x1bd: {  	[tilespmem:$0x1FBC0] =	vst v63;
	v63 =	vld [tilespmem:$0xAF90];
	_ =	sdelay $0x1  }
0x1be: {  	v6 =	vadd.s32 v3, v6;
	v3 =	vld [tilespmem:$0x1F840];
	_ =	sdelay $0x2  }
0x1bf: {  	[tilespmem:$0x1FBF0] =	vst v63;
	v63 =	vld [tilespmem:$0x9CE0];
	_ =	sdelay $0x1  }
0x1c0: {  	v7 =	vadd.s32 v3, v7;
	v3 =	vld [tilespmem:$0x1F850];
	_ =	sdelay $0x2  }
0x1c1: {  	[tilespmem:$0x1FB60] =	vst v63;
	v63 =	vld [tilespmem:$0x9E20];
	_ =	sdelay $0x1  }
0x1c2: {  	v20 =	vadd.s32 v3, v2;
	v3 =	vld [tilespmem:$0x1F870];
	_ =	sdelay $0x2  }
0x1c3: {  	[tilespmem:$0x1FB70] =	vst v63;
	v63 =	vld [tilespmem:$0x9F60]  }
0x1c4: {  	v2 =	vld [tilespmem:$0x1F860]  }
0x1c5: {  	v54 =	vadd.s32 v3, v7;
	v3 =	vld [tilespmem:$0x1F880];
	_ =	sdelay $0x2  }
0x1c6: {  	[tilespmem:$0x1FB90] =	vst v63;
	v63 =	vld [tilespmem:$0xA0A0]  }
0x1c7: {  	v55 =	vld [tilespmem:$0x1F8B0];
	v2 =	vadd.s32 v2, v6  }
0x1c8: {  	v17 =	vadd.s32 v3, v2;
	v3 =	vld [tilespmem:$0x1F8A0];
	_ =	sdelay $0x2  }
0x1c9: {  	[tilespmem:$0x1FBD0] =	vst v63;
	v63 =	vld [tilespmem:$0xA1E0]  }
0x1ca: {  	v2 =	vld [tilespmem:$0x1F890]  }
0x1cb: {  	v56 =	vadd.s32 v3, v55;
	v3 =	vld [tilespmem:$0x1F8C0];
	_ =	sdelay $0x2  }
0x1cc: {  	[tilespmem:$0x1FC00] =	vst v63;
	v63 =	vld [tilespmem:$0xA320]  }
0x1cd: {  	v62 =	vld [tilespmem:$0x9CC0];
	v2 =	vadd.s32 v2, v54  }
0x1ce: {  	v2 =	vadd.s32 v3, v2;
	v3 =	vld [tilespmem:$0x1F8D0];
	_ =	sdelay $0x2  }
0x1cf: {  	[tilespmem:$0x1FC20] =	vst v63;
	v63 =	vld [tilespmem:$0xA460]  }
0x1d0: {  	[tilespmem:$0x1F8E0] =	vst v62;
	v62 =	vld [tilespmem:$0x9E00]  }
0x1d1: {  	v6 =	vadd.s32 v3, v56;
	v3 =	vld [tilespmem:$0x1F8E0];
	_ =	sdelay $0x2  }
0x1d2: {  	[tilespmem:$0x1FC60] =	vst v63;
	v63 =	vld [tilespmem:$0xA5A0];
	_ =	sdelay $0x1  }
0x1d3: {  	v57 =	vadd.s32 v3, v62;
	v3 =	vld [tilespmem:$0x1F8F0];
	_ =	sdelay $0x2  }
0x1d4: {  	[tilespmem:$0x1FC90] =	vst v63;
	v63 =	vld [tilespmem:$0xA6E0];
	_ =	sdelay $0x1  }
0x1d5: {  	v2 =	vadd.s32 v3, v2;
	v3 =	vld [tilespmem:$0x1F900];
	_ =	sdelay $0x2  }
0x1d6: {  	[tilespmem:$0x1FCC0] =	vst v63;
	v63 =	vld [tilespmem:$0xA820]  }
0x1d7: {  	v58 =	vld [tilespmem:$0xAF70]  }
0x1d8: {  	v6 =	vadd.s32 v3, v6;
	v3 =	vld [tilespmem:$0x1F910];
	_ =	sdelay $0x2  }
0x1d9: {  	[tilespmem:$0x1FCF0] =	vst v63;
	v63 =	vld [tilespmem:$0xA960]  }
0x1da: {  	[tilespmem:$0x1FB10] =	vst v58;
	v58 =	vld [tilespmem:$0xA080]  }
0x1db: {  	v7 =	vadd.s32 v3, v57;
	v3 =	vld [tilespmem:$0x1F920];
	_ =	sdelay $0x2  }
0x1dc: {  	[tilespmem:$0x1FD20] =	vst v63;
	v63 =	vld [tilespmem:$0xAAA0]  }
0x1dd: {  	[tilespmem:$0x1F940] =	vst v58  }
0x1de: {  	v41 =	vadd.s32 v3, v2;
	v3 =	vld [tilespmem:$0x1F940];
	_ =	sdelay $0x1  }
0x1df: {  	v58 =	vld [tilespmem:$0xA300]  }
0x1e0: {  	[tilespmem:$0x1FD50] =	vst v63;
	v63 =	vld [tilespmem:$0xABE0]  }
0x1e1: {  	v2 =	vld [tilespmem:$0x1F930]  }
0x1e2: {  	v59 =	vadd.s32 v3, v7;
	v3 =	vld [tilespmem:$0x1F950];
	_ =	sdelay $0x2  }
0x1e3: {  	[tilespmem:$0x1FD80] =	vst v63;
	v63 =	vld [tilespmem:$0xAD20]  }
0x1e4: {  	[tilespmem:$0x1F980] =	vst v58;
	v58 =	vld [tilespmem:$0xA580];
	v2 =	vadd.s32 v2, v6  }
0x1e5: {  	v2 =	vadd.s32 v3, v2;
	v3 =	vld [tilespmem:$0x1F960];
	_ =	sdelay $0x2  }
0x1e6: {  	[tilespmem:$0x1FDB0] =	vst v63;
	v63 =	vld [tilespmem:$0xAE60]  }
0x1e7: {  	[tilespmem:$0x1F9D0] =	vst v58;
	v58 =	vld [tilespmem:$0xA800]  }
0x1e8: {  	v6 =	vadd.s32 v3, v59;
	v3 =	vld [tilespmem:$0x1F970];
	_ =	sdelay $0x2  }
0x1e9: {  	[tilespmem:$0x1FDE0] =	vst v63;
	v63 =	vld [tilespmem:$0xAFA0]  }
0x1ea: {  	[tilespmem:$0x1FA30] =	vst v58;
	v58 =	vld [tilespmem:$0xAA80]  }
0x1eb: {  	v2 =	vadd.s32 v3, v2;
	v3 =	vld [tilespmem:$0x1F980];
	_ =	sdelay $0x2  }
0x1ec: {  	[tilespmem:$0x1FE10] =	vst v63;
	v63 =	vld [tilespmem:$0x9CF0]  }
0x1ed: {  	[tilespmem:$0x1FA90] =	vst v58;
	v58 =	vld [tilespmem:$0xAD00]  }
0x1ee: {  	v6 =	vadd.s32 v3, v6;
	v3 =	vld [tilespmem:$0x1F990];
	_ =	sdelay $0x2  }
0x1ef: {  	[tilespmem:$0x1FBA0] =	vst v63;
	v63 =	vld [tilespmem:$0x9E30]  }
0x1f0: {  	[tilespmem:$0x1FAF0] =	vst v58;
	v58 =	vld [tilespmem:$0xAF80]  }
0x1f1: {  	v2 =	vadd.s32 v3, v2;
	v3 =	vld [tilespmem:$0x1F9A0]  }
0x1f2: {  	v52 =	vld [tilespmem:$0x9CD0]  }
0x1f3: {  	[tilespmem:$0x1FAE0] =	vst v51;
	v51 =	vld [tilespmem:$0x9E10]  }
0x1f4: {  	[tilespmem:$0x1FBB0] =	vst v63;
	v63 =	vld [tilespmem:$0x9F70]  }
0x1f5: {  	[tilespmem:$0x1FB40] =	vst v58;
	v58 =	vld [tilespmem:$0x9F50]  }
0x1f6: {  	v6 =	vadd.s32 v3, v6;
	v3 =	vld [tilespmem:$0x1F9B0];
	_ =	sdelay $0x2  }
0x1f7: {  	v60 =	vadd.s32 v52, v51;
	[tilespmem:$0x1FBE0] =	vst v63;
	v63 =	vld [tilespmem:$0xA0B0]  }
0x1f8: {  	v7 =	vadd.s32 v58, v60  }
0x1f9: {  	v7 =	vadd.s32 v3, v7;
	v3 =	vld [tilespmem:$0x1F9C0];
	_ =	sdelay $0x2  }
0x1fa: {  	[tilespmem:$0x1FC10] =	vst v63;
	v63 =	vld [tilespmem:$0xA1F0];
	_ =	sdelay $0x1  }
0x1fb: {  	v2 =	vadd.s32 v3, v2;
	v3 =	vld [tilespmem:$0x1F9D0];
	_ =	sdelay $0x2  }
0x1fc: {  	[tilespmem:$0x1FC30] =	vst v63;
	v63 =	vld [tilespmem:$0xA330];
	_ =	sdelay $0x1  }
0x1fd: {  	v6 =	vadd.s32 v3, v6;
	v3 =	vld [tilespmem:$0x1F9E0];
	_ =	sdelay $0x2  }
0x1fe: {  	[tilespmem:$0x1FC70] =	vst v63;
	v63 =	vld [tilespmem:$0xA470];
	_ =	sdelay $0x1  }
0x1ff: {  	v7 =	vadd.s32 v3, v7;
	v3 =	vld [tilespmem:$0x1F9F0];
	_ =	sdelay $0x2  }
0x200: {  	[tilespmem:$0x1FCA0] =	vst v63;
	v63 =	vld [tilespmem:$0xA5B0];
	_ =	sdelay $0x1  }
0x201: {  	v2 =	vadd.s32 v3, v2;
	v3 =	vld [tilespmem:$0x1FA00];
	_ =	sdelay $0x2  }
0x202: {  	[tilespmem:$0x1FCD0] =	vst v63;
	v63 =	vld [tilespmem:$0xA6F0];
	_ =	sdelay $0x1  }
0x203: {  	v6 =	vadd.s32 v3, v6;
	v3 =	vld [tilespmem:$0x1FA10];
	_ =	sdelay $0x2  }
0x204: {  	[tilespmem:$0x1FD00] =	vst v63;
	v63 =	vld [tilespmem:$0xA830];
	_ =	sdelay $0x1  }
0x205: {  	v7 =	vadd.s32 v3, v7;
	v3 =	vld [tilespmem:$0x1FA20];
	_ =	sdelay $0x2  }
0x206: {  	[tilespmem:$0x1FD30] =	vst v63;
	v63 =	vld [tilespmem:$0xA970];
	_ =	sdelay $0x1  }
0x207: {  	v2 =	vadd.s32 v3, v2;
	v3 =	vld [tilespmem:$0x1FA30];
	_ =	sdelay $0x2  }
0x208: {  	[tilespmem:$0x1FD60] =	vst v63;
	v63 =	vld [tilespmem:$0xAAB0];
	_ =	sdelay $0x1  }
0x209: {  	v6 =	vadd.s32 v3, v6;
	v3 =	vld [tilespmem:$0x1FA40];
	_ =	sdelay $0x2  }
0x20a: {  	[tilespmem:$0x1FD90] =	vst v63;
	v63 =	vld [tilespmem:$0xABF0];
	_ =	sdelay $0x1  }
0x20b: {  	v7 =	vadd.s32 v3, v7;
	v3 =	vld [tilespmem:$0x1FA50];
	_ =	sdelay $0x2  }
0x20c: {  	[tilespmem:$0x1FDC0] =	vst v63;
	v63 =	vld [tilespmem:$0xAD30];
	_ =	sdelay $0x1  }
0x20d: {  	v2 =	vadd.s32 v3, v2;
	v3 =	vld [tilespmem:$0x1FA60];
	_ =	sdelay $0x2  }
0x20e: {  	[tilespmem:$0x1FDF0] =	vst v63;
	v63 =	vld [tilespmem:$0xAE70];
	_ =	sdelay $0x1  }
0x20f: {  	v6 =	vadd.s32 v3, v6;
	v3 =	vld [tilespmem:$0x1FA70];
	_ =	sdelay $0x2  }
0x210: {  	[tilespmem:$0x1FE20] =	vst v63;
	v63 =	vld [tilespmem:$0xAFB0];
	_ =	sdelay $0x1  }
0x211: {  	v7 =	vadd.s32 v3, v7;
	v3 =	vld [tilespmem:$0x1FA80];
	_ =	sdelay $0x2  }
0x212: {  	[tilespmem:$0x1FE40] =	vst v63;
	v63 =	vld [tilespmem:$0x9D00];
	_ =	sdelay $0x1  }
0x213: {  	v2 =	vadd.s32 v3, v2;
	v3 =	vld [tilespmem:$0x1FA90];
	_ =	sdelay $0x2  }
0x214: {  	[tilespmem:$0x1FC40] =	vst v63;
	v63 =	vld [tilespmem:$0x9E40];
	_ =	sdelay $0x1  }
0x215: {  	v6 =	vadd.s32 v3, v6;
	v3 =	vld [tilespmem:$0x1FAA0];
	_ =	sdelay $0x2  }
0x216: {  	[tilespmem:$0x1FC50] =	vst v63;
	v63 =	vld [tilespmem:$0x9F80];
	_ =	sdelay $0x1  }
0x217: {  	v7 =	vadd.s32 v3, v7;
	v3 =	vld [tilespmem:$0x1FAB0];
	_ =	sdelay $0x2  }
0x218: {  	[tilespmem:$0x1FC80] =	vst v63;
	v63 =	vld [tilespmem:$0xA0C0];
	_ =	sdelay $0x1  }
0x219: {  	v2 =	vadd.s32 v3, v2;
	v3 =	vld [tilespmem:$0x1FAC0];
	_ =	sdelay $0x2  }
0x21a: {  	[tilespmem:$0x1FCB0] =	vst v63;
	v63 =	vld [tilespmem:$0xA200];
	_ =	sdelay $0x1  }
0x21b: {  	v6 =	vadd.s32 v3, v6;
	v3 =	vld [tilespmem:$0x1FAD0];
	_ =	sdelay $0x2  }
0x21c: {  	[tilespmem:$0x1FCE0] =	vst v63;
	v63 =	vld [tilespmem:$0xA340];
	_ =	sdelay $0x1  }
0x21d: {  	v7 =	vadd.s32 v3, v7;
	v3 =	vld [tilespmem:$0x1FAE0];
	_ =	sdelay $0x2  }
0x21e: {  	[tilespmem:$0x1FD10] =	vst v63;
	v63 =	vld [tilespmem:$0xA480];
	_ =	sdelay $0x1  }
0x21f: {  	v2 =	vadd.s32 v3, v2;
	v3 =	vld [tilespmem:$0x1FAF0];
	_ =	sdelay $0x2  }
0x220: {  	[tilespmem:$0x1FD40] =	vst v63;
	v63 =	vld [tilespmem:$0xA5C0];
	_ =	sdelay $0x1  }
0x221: {  	v61 =	vadd.s32 v3, v6;
	v3 =	vld [tilespmem:$0x1FB00];
	_ =	sdelay $0x2  }
0x222: {  	[tilespmem:$0x1FD70] =	vst v63;
	v63 =	vld [tilespmem:$0xA700];
	_ =	sdelay $0x1  }
0x223: {  	v7 =	vadd.s32 v3, v7;
	v3 =	vld [tilespmem:$0x1FB10];
	_ =	sdelay $0x2  }
0x224: {  	[tilespmem:$0x1FDA0] =	vst v63;
	v63 =	vld [tilespmem:$0xA840];
	_ =	sdelay $0x1  }
0x225: {  	v13 =	vadd.s32 v3, v2;
	v3 =	vld [tilespmem:$0x1FB30];
	_ =	sdelay $0x1  }
0x226: {  	v15 =	vld [tilespmem:$0xAE90]  }
0x227: {  	[tilespmem:$0x1FDD0] =	vst v63;
	v63 =	vld [tilespmem:$0xA980]  }
0x228: {  	v2 =	vld [tilespmem:$0x1FB20]  }
0x229: {  	v7 =	vadd.s32 v3, v7;
	v3 =	vld [tilespmem:$0x1FB40];
	_ =	sdelay $0x2  }
0x22a: {  	[tilespmem:$0x1FE00] =	vst v63;
	v63 =	vld [tilespmem:$0xAAC0]  }
0x22b: {  	v2 =	vadd.s32 v2, v61  }
0x22c: {  	[tilespmem:$0x1FFD0] =	vst v15;
	v15 =	vadd.s32 v3, v2;
	v2 =	vld [tilespmem:$0x1FB50];
	_ =	sdelay $0x2  }
0x22d: {  	[tilespmem:$0x1FE30] =	vst v63;
	v63 =	vld [tilespmem:$0xAC00]  }
0x22e: {  	v3 =	vld [tilespmem:$0x1FB70]  }
0x22f: {  	v7 =	vadd.s32 v2, v7;
	v2 =	vld [tilespmem:$0x1FB60];
	_ =	sdelay $0x2  }
0x230: {  	[tilespmem:$0x1FE50] =	vst v63;
	v63 =	vld [tilespmem:$0xAD40];
	_ =	sdelay $0x1  }
0x231: {  	v62 =	vadd.s32 v2, v3;
	v2 =	vld [tilespmem:$0x1FB80];
	_ =	sdelay $0x2  }
0x232: {  	[tilespmem:$0x1FE80] =	vst v63;
	v63 =	vld [tilespmem:$0xAFC0];
	_ =	sdelay $0x1  }
0x233: {  	v7 =	vadd.s32 v2, v7;
	v2 =	vld [tilespmem:$0x1FB90];
	_ =	sdelay $0x2  }
0x234: {  	[tilespmem:$0x1FED0] =	vst v63;
	v63 =	vld [tilespmem:$0xAAD0]  }
0x235: {  	v3 =	vld [tilespmem:$0x1FBB0]  }
0x236: {  	v14 =	vadd.s32 v2, v62;
	v2 =	vld [tilespmem:$0x1FBA0];
	_ =	sdelay $0x4  }
0x237: {  	[tilespmem:$0x1FF90] =	vst v63;
	v63 =	vadd.s32 v2, v3;
	v2 =	vld [tilespmem:$0x1FBC0];
	_ =	sdelay $0x3  }
0x238: {  	v12 =	vld [tilespmem:$0xAE80]  }
0x239: {  	v7 =	vadd.s32 v2, v7;
	v2 =	vld [tilespmem:$0x1FBD0];
	_ =	sdelay $0x3  }
0x23a: {  	[tilespmem:$0x1FEA0] =	vst v12;
	v12 =	vld [tilespmem:$0x9D10]  }
0x23b: {  	v14 =	vadd.s32 v2, v14;
	v2 =	vld [tilespmem:$0x1FBE0];
	_ =	sdelay $0x3  }
0x23c: {  	[tilespmem:$0x1FE60] =	vst v12;
	v12 =	vld [tilespmem:$0xAD50]  }
0x23d: {  	v27 =	vadd.s32 v2, v63;
	v2 =	vld [tilespmem:$0x1FBF0];
	_ =	sdelay $0x4  }
0x23e: {  	[tilespmem:$0x1FFB0] =	vst v12;
	v12 =	vadd.s32 v2, v7;
	v2 =	vld [tilespmem:$0x1FC00];
	_ =	sdelay $0x4  }
0x23f: {  	v14 =	vadd.s32 v2, v14;
	v2 =	vld [tilespmem:$0x1FC10];
	_ =	sdelay $0x4  }
0x240: {  	v27 =	vadd.s32 v2, v27;
	v2 =	vld [tilespmem:$0x1FC20];
	_ =	sdelay $0x4  }
0x241: {  	v14 =	vadd.s32 v2, v14;
	v2 =	vld [tilespmem:$0x1FC30];
	_ =	sdelay $0x3  }
0x242: {  	v3 =	vld [tilespmem:$0x1FC50]  }
0x243: {  	v27 =	vadd.s32 v2, v27;
	v2 =	vld [tilespmem:$0x1FC40];
	_ =	sdelay $0x4  }
0x244: {  	v4 =	vadd.s32 v2, v3;
	v2 =	vld [tilespmem:$0x1FC60];
	_ =	sdelay $0x4  }
0x245: {  	v14 =	vadd.s32 v2, v14;
	v2 =	vld [tilespmem:$0x1FC70];
	_ =	sdelay $0x4  }
0x246: {  	v27 =	vadd.s32 v2, v27;
	v2 =	vld [tilespmem:$0x1FC80];
	_ =	sdelay $0x4  }
0x247: {  	v5 =	vadd.s32 v2, v4;
	v2 =	vld [tilespmem:$0x1FC90];
	_ =	sdelay $0x4  }
0x248: {  	v14 =	vadd.s32 v2, v14;
	v2 =	vld [tilespmem:$0x1FCA0];
	_ =	sdelay $0x4  }
0x249: {  	v27 =	vadd.s32 v2, v27;
	v2 =	vld [tilespmem:$0x1FCB0];
	_ =	sdelay $0x4  }
0x24a: {  	v6 =	vadd.s32 v2, v5;
	v2 =	vld [tilespmem:$0x1FCC0];
	_ =	sdelay $0x4  }
0x24b: {  	v14 =	vadd.s32 v2, v14;
	v2 =	vld [tilespmem:$0x1FCD0];
	_ =	sdelay $0x4  }
0x24c: {  	v27 =	vadd.s32 v2, v27;
	v2 =	vld [tilespmem:$0x1FCE0];
	_ =	sdelay $0x4  }
0x24d: {  	v7 =	vadd.s32 v2, v6;
	v2 =	vld [tilespmem:$0x1FCF0];
	_ =	sdelay $0x4  }
0x24e: {  	v14 =	vadd.s32 v2, v14;
	v2 =	vld [tilespmem:$0x1FD00];
	_ =	sdelay $0x4  }
0x24f: {  	v27 =	vadd.s32 v2, v27;
	v2 =	vld [tilespmem:$0x1FD10];
	_ =	sdelay $0x4  }
0x250: {  	v9 =	vadd.s32 v2, v7;
	v2 =	vld [tilespmem:$0x1FD20];
	_ =	sdelay $0x4  }
0x251: {  	v14 =	vadd.s32 v2, v14;
	v2 =	vld [tilespmem:$0x1FD30];
	_ =	sdelay $0x4  }
0x252: {  	v27 =	vadd.s32 v2, v27;
	v2 =	vld [tilespmem:$0x1FD40];
	_ =	sdelay $0x4  }
0x253: {  	v4 =	vadd.s32 v2, v9;
	v2 =	vld [tilespmem:$0x1FD50];
	_ =	sdelay $0x4  }
0x254: {  	v14 =	vadd.s32 v2, v14;
	v2 =	vld [tilespmem:$0x1FD60];
	_ =	sdelay $0x4  }
0x255: {  	v27 =	vadd.s32 v2, v27;
	v2 =	vld [tilespmem:$0x1FD70];
	_ =	sdelay $0x4  }
0x256: {  	v5 =	vadd.s32 v2, v4;
	v2 =	vld [tilespmem:$0x1FD80];
	_ =	sdelay $0x4  }
0x257: {  	v14 =	vadd.s32 v2, v14;
	v2 =	vld [tilespmem:$0x1FD90];
	_ =	sdelay $0x2  }
0x258: {  	v21 =	vld [tilespmem:$0xA210]  }
0x259: {  	v32 =	vld [tilespmem:$0xA710]  }
0x25a: {  	v27 =	vadd.s32 v2, v27;
	v2 =	vld [tilespmem:$0x1FDA0]  }
0x25b: {  	v11 =	vld [tilespmem:$0x9D20]  }
0x25c: {  	v8 =	vld [tilespmem:$0x9E60]  }
0x25d: {  	v28 =	vld [tilespmem:$0x9FA0]  }
0x25e: {  	v39 =	vld [tilespmem:$0xA360]  }
0x25f: {  	v62 =	vadd.s32 v2, v5;
	v2 =	vld [tilespmem:$0x1FDB0]  }
0x260: {  	v10 =	vld [tilespmem:$0xAFE0]  }
0x261: {  	[tilespmem:$0x1FF40] =	vst v32;
	v32 =	vld [tilespmem:$0xA0E0]  }
0x262: {  	[tilespmem:$0x1FEC0] =	vst v28;
	v28 =	vld [tilespmem:$0xA720]  }
0x263: {  	v23 =	vld [tilespmem:$0xAAE0]  }
0x264: {  	v14 =	vadd.s32 v2, v14;
	v2 =	vld [tilespmem:$0x1FDC0]  }
0x265: {  	[tilespmem:$0x1FF10] =	vst v39;
	v39 =	vld [tilespmem:$0xA9B0]  }
0x266: {  	v43 =	vld [tilespmem:$0xA4A0]  }
0x267: {  	v24 =	vld [tilespmem:$0xAD60]  }
0x268: {  	v53 =	vld [tilespmem:$0xA600]  }
0x269: {  	v27 =	vadd.s32 v2, v27;
	v2 =	vld [tilespmem:$0x1FDD0]  }
0x26a: {  	v8 =	vadd.s32 v11, v8;
	v11 =	vld [tilespmem:$0x1FEA0]  }
0x26b: {  	v35 =	vld [tilespmem:$0xA4B0]  }
0x26c: {  	v42 =	vld [tilespmem:$0xAC30]  }
0x26d: {  	v49 =	vld [tilespmem:$0xA100]  }
0x26e: {  	v62 =	vadd.s32 v2, v62;
	v2 =	vld [tilespmem:$0x1FDE0]  }
0x26f: {  	v26 =	vld [tilespmem:$0xA220]  }
0x270: {  	[tilespmem:$0x1FEE0] =	vst v32;
	v32 =	vld [tilespmem:$0xA0F0]  }
0x271: {  	v31 =	vld [tilespmem:$0x9FB0]  }
0x272: {  	[tilespmem:$0x1FF30] =	vst v43;
	v43 =	vld [tilespmem:$0xAD70]  }
0x273: {  	v14 =	vadd.s32 v2, v14;
	v2 =	vld [tilespmem:$0x1FDF0]  }
0x274: {  	v30 =	vld [tilespmem:$0x9E70]  }
0x275: {  	v37 =	vld [tilespmem:$0xA730]  }
0x276: {  	v47 =	vld [tilespmem:$0x9E80]  }
0x277: {  	v3 =	vld [tilespmem:$0x1FE10]  }
0x278: {  	v27 =	vadd.s32 v2, v27;
	v2 =	vld [tilespmem:$0x1FE00]  }
0x279: {  	v34 =	vld [tilespmem:$0xA370]  }
0x27a: {  	v45 =	vld [tilespmem:$0xAFF0]  }
0x27b: {  	v38 =	vld [tilespmem:$0xA870]  }
0x27c: {  	v50 =	vld [tilespmem:$0xA240]  }
0x27d: {  	v2 =	vadd.s32 v2, v62;
	v62 =	vadd.s32 v3, v14;
	v3 =	vld [tilespmem:$0x1FE20]  }
0x27e: {  	v22 =	vld [tilespmem:$0xA9A0]  }
0x27f: {  	v25 =	vld [tilespmem:$0xAEA0]  }
0x280: {  	v29 =	vld [tilespmem:$0x9D30]  }
0x281: {  	v33 =	vld [tilespmem:$0xA230]  }
0x282: {  	v6 =	vadd.s32 v3, v27;
	v3 =	vld [tilespmem:$0x1FE30]  }
0x283: {  	v36 =	vld [tilespmem:$0xA5F0]  }
0x284: {  	v40 =	vld [tilespmem:$0xAAF0]  }
0x285: {  	v44 =	vld [tilespmem:$0xAEB0]  }
0x286: {  	v51 =	vld [tilespmem:$0xA380]  }
0x287: {  	v2 =	vadd.s32 v3, v2;
	v3 =	vld [tilespmem:$0x1FE40]  }
0x288: {  	v52 =	vld [tilespmem:$0xA4C0]  }
0x289: {  	v46 =	vld [tilespmem:$0x9D40]  }
0x28a: {  	v48 =	vld [tilespmem:$0x9FC0]  }
0x28b: {  	v54 =	vld [tilespmem:$0xA740]  }
0x28c: {  	v14 =	vadd.s32 v3, v6;
	v3 =	vld [tilespmem:$0x1FE50]  }
0x28d: {  	v5 =	vld [tilespmem:$0x1FE80]  }
0x28e: {  	v55 =	vld [tilespmem:$0xA880]  }
0x28f: {  	v56 =	vld [tilespmem:$0xA9C0]  }
0x290: {  	v4 =	vld [tilespmem:$0x1FE70]  }
0x291: {  	v2 =	vadd.s32 v3, v2;
	v3 =	vld [tilespmem:$0x1FE60]  }
0x292: {  	v2 =	vadd.s32 v5, v2;
	v5 =	vld [tilespmem:$0x1FE90]  }
0x293: {  	v2 =	vadd.s32 v11, v2;
	v11 =	vld [tilespmem:$0x1FEB0]  }
0x294: {  	v57 =	vld [tilespmem:$0xAB00]  }
0x295: {  	v58 =	vld [tilespmem:$0xAC40]  }
0x296: {  	v60 =	vld [tilespmem:$0xAEC0];
	v3 =	vadd.s32 v3, v4  }
0x297: {  	v63 =	vld [tilespmem:$0x9D50];
	v3 =	vadd.s32 v5, v3  }
0x298: {  	v3 =	vadd.s32 v11, v3;
	v11 =	vld [tilespmem:$0x1FEC0]  }
0x299: {  	v7 =	vld [tilespmem:$0x9E90]  }
0x29a: {  	v59 =	vld [tilespmem:$0xAD80]  }
0x29b: {  	v3 =	vadd.s32 v21, v3;
	v21 =	vld [tilespmem:$0x1FEF0]  }
0x29c: {  	v61 =	vld [tilespmem:$0xB000]  }
0x29d: {  	v8 =	vadd.s32 v11, v8;
	v11 =	vld [tilespmem:$0x1FED0]  }
0x29e: {  	v7 =	vadd.s32 v63, v7;
	v63 =	vld [tilespmem:$0xA9E0]  }
0x29f: {  	v9 =	vld [tilespmem:$0x9FD0]  }
0x2a0: {  	v3 =	vadd.s32 v21, v3;
	v21 =	vld [tilespmem:$0x1FF00]  }
0x2a1: {  	v27 =	vld [tilespmem:$0xA110]  }
0x2a2: {  	v11 =	vadd.s32 v11, v2;
	v2 =	vld [tilespmem:$0x1FEE0]  }
0x2a3: {  	v6 =	vld [tilespmem:$0xA4D0]  }
0x2a4: {  	v4 =	vld [tilespmem:$0xA250]  }
0x2a5: {  	v3 =	vadd.s32 v21, v3;
	v21 =	vld [tilespmem:$0x1FF20]  }
0x2a6: {  	v5 =	vld [tilespmem:$0xA390]  }
0x2a7: {  	v8 =	vadd.s32 v2, v8;
	v2 =	vld [tilespmem:$0xA610]  }
0x2a8: {  	v8 =	vadd.s32 v26, v8;
	v26 =	vadd.s32 v29, v30;
	v29 =	vld [tilespmem:$0xA750]  }
0x2a9: {  	v30 =	vld [tilespmem:$0x1FF10]  }
0x2aa: {  	v3 =	vadd.s32 v21, v3;
	v21 =	vld [tilespmem:$0x1FF40]  }
0x2ab: {  	v7 =	vadd.s32 v9, v7;
	v26 =	vadd.s32 v31, v26;
	v31 =	vld [tilespmem:$0x1FF30]  }
0x2ac: {  	v7 =	vadd.s32 v27, v7;
	v26 =	vadd.s32 v32, v26;
	v32 =	vld [tilespmem:$0x1FF50]  }
0x2ad: {  	v4 =	vadd.s32 v4, v7;
	v26 =	vadd.s32 v33, v26;
	v33 =	vld [tilespmem:$0x1FF90]  }
0x2ae: {  	v4 =	vadd.s32 v5, v4;
	v26 =	vadd.s32 v34, v26;
	v34 =	vld [tilespmem:$0x1FF80]  }
0x2af: {  	v4 =	vadd.s32 v6, v4;
	v8 =	vadd.s32 v30, v8;
	v30 =	vld [tilespmem:$0xA890]  }
0x2b0: {  	v2 =	vadd.s32 v2, v4;
	v3 =	vadd.s32 v21, v3;
	v21 =	vld [tilespmem:$0x1FF60]  }
0x2b1: {  	v2 =	vadd.s32 v29, v2;
	v29 =	vld [tilespmem:$0xAB20]  }
0x2b2: {  	v8 =	vadd.s32 v31, v8;
	v31 =	vld [tilespmem:$0xA9D0]  }
0x2b3: {  	v8 =	vadd.s32 v32, v8;
	v32 =	vld [tilespmem:$0xAB10]  }
0x2b4: {  	v8 =	vadd.s32 v28, v8;
	v28 =	vld [tilespmem:$0xAC50]  }
0x2b5: {  	v3 =	vadd.s32 v21, v3;
	v21 =	vld [tilespmem:$0x1FF70]  }
0x2b6: {  	v8 =	vadd.s32 v34, v8;
	v34 =	vld [tilespmem:$0xAEE0]  }
0x2b7: {  	v8 =	vadd.s32 v22, v8;
	v22 =	vld [tilespmem:$0xAED0]  }
0x2b8: {  	v2 =	vadd.s32 v30, v2;
	v30 =	vld [tilespmem:$0xAC60]  }
0x2b9: {  	v8 =	vadd.s32 v23, v8;
	v23 =	vld [tilespmem:$0xB010]  }
0x2ba: {  	v3 =	vadd.s32 v21, v3;
	v21 =	vadd.s32 v35, v26;
	v26 =	vld [tilespmem:$0xAD90]  }
0x2bb: {  	v35 =	vld [tilespmem:$0xB020]  }
0x2bc: {  	v21 =	vadd.s32 v36, v21;
	v36 =	vld [tilespmem:$0x1FFA0]  }
0x2bd: {  	v3 =	vadd.s32 v33, v3;
	v33 =	vld [tilespmem:$0x9D60];
	v21 =	vadd.s32 v37, v21  }
0x2be: {  	v37 =	vld [tilespmem:$0x1FFC0];
	v21 =	vadd.s32 v38, v21  }
0x2bf: {  	v38 =	vld [tilespmem:$0x1FFD0];
	v21 =	vadd.s32 v39, v21  }
0x2c0: {  	vm9 =	vlt.s32 v18, $0x100;
	v21 =	vadd.s32 v40, v21;
	v40 =	vadd.s32 v46, v47;
	v46 =	vld [tilespmem:$0xA260]  }
0x2c1: {  	v18 =	vnsel vm9, $0x100, v18;
	vm11 =	vlt.s32 v16, $0x100;
	v47 =	vld [tilespmem:$0xA3A0]  }
0x2c2: {  	vm10 =	vlt.s32 v19, $0x100;
	v16 =	vnsel vm11, $0x100, v16;
	v3 =	vadd.s32 v36, v3;
	v36 =	vld [tilespmem:$0x1FFB0]  }
0x2c3: {  	vm12 =	vlt.s32 v20, $0x100;
	vm13 =	vlt.s32 v17, $0x100;
	v39 =	vadd.s32 v42, v21;
	v42 =	vld [tilespmem:$0xA120]  }
0x2c4: {  	vm14 =	vlt.s32 v41, $0x100;
	vm15 =	vlt.s32 v13, $0x100;
	v21 =	vadd.s32 v48, v40;
	v48 =	vld [tilespmem:$0xA4E0]  }
0x2c5: {  	v13 =	vnsel vm15, $0x100, v13;
	vm4 =	vlt.s32 v15, $0x100;
	v40 =	vld [tilespmem:$0xA130];
	v21 =	vadd.s32 v49, v21  }
0x2c6: {  	vm5 =	vlt.s32 v12, $0x100;
	v8 =	vadd.s32 v37, v8;
	v37 =	vld [tilespmem:$0x1FFE0];
	v21 =	vadd.s32 v50, v21  }
0x2c7: {  	v12 =	vnsel vm5, $0x100, v12;
	vm6 =	vlt.s32 v62, $0x100;
	v50 =	vld [tilespmem:$0xA620];
	v21 =	vadd.s32 v51, v21  }
0x2c8: {  	v2 =	vadd.s32 v31, v2;
	v8 =	vadd.s32 v24, v8;
	v21 =	vadd.s32 v52, v21;
	v52 =	vld [tilespmem:$0xA760]  }
0x2c9: {  	v2 =	vadd.s32 v32, v2;
	v8 =	vadd.s32 v25, v8;
	v3 =	vadd.s32 v36, v3;
	v36 =	vld [tilespmem:$0x9EA0]  }
0x2ca: {  	v2 =	vadd.s32 v28, v2;
	v10 =	vadd.s32 v10, v8;
	v8 =	vadd.s32 v43, v39;
	v39 =	vld [tilespmem:$0x9FF0]  }
0x2cb: {  	vm7 =	vlt.s32 v14, $0x100;
	v2 =	vadd.s32 v26, v2;
	v3 =	vadd.s32 v38, v3;
	v38 =	vld [tilespmem:$0x9FE0]  }
0x2cc: {  	vm8 =	vlt.s32 v11, $0x100;
	v2 =	vadd.s32 v22, v2;
	v21 =	vadd.s32 v53, v21;
	v53 =	vld [tilespmem:$0xA8A0]  }
0x2cd: {  	v11 =	vnsel vm8, $0x100, v11;
	v2 =	vadd.s32 v23, v2;
	v3 =	vadd.s32 v37, v3;
	v37 =	vld [tilespmem:$0x9EB0]  }
0x2ce: {  	v43 =	vnsel vm10, $0x100, v19;
	v8 =	vadd.s32 v44, v8;
	v49 =	vadd.s32 v33, v36;
	v36 =	vld [tilespmem:$0x9D70]  }
0x2cf: {  	v44 =	vld [tilespmem:$0xA3B0];
	vm10 =	vlt.s32 v10, $0x100;
	v8 =	vadd.s32 v45, v8;
	v21 =	vadd.s32 v54, v21  }
0x2d0: {  	v45 =	vld [tilespmem:$0xA4F0];
	v21 =	vadd.s32 v55, v21;
	vm11 =	vlt.s32 v8, $0x100;
	v51 =	vadd.s32 v38, v49  }
0x2d1: {  	[tilespmem:$0xB050] =	vst v18;
	v21 =	vadd.s32 v56, v21;
	v56 =	vnsel vm6, $0x100, v62;
	v5 =	vadd.s32 v42, v51;
	v42 =	vld [tilespmem:$0xA270]  }
0x2d2: {  	[tilespmem:$0xB070] =	vst v16;
	v55 =	vld [tilespmem:$0xAC70];
	vm9 =	vlt.s32 v3, $0x100;
	v62 =	vnsel vm11, $0x100, v8;
	v21 =	vadd.s32 v57, v21  }
0x2d3: {  	[tilespmem:$0xB0B0] =	vst v13;
	v3 =	vnsel vm9, $0x100, v3;
	v38 =	vld [tilespmem:$0x1FFF0];
	v54 =	vadd.s32 v46, v5;
	v5 =	vadd.s32 v36, v37  }
0x2d4: {  	[tilespmem:$0xB0D0] =	vst v12;
	v21 =	vadd.s32 v58, v21;
	v4 =	vadd.s32 v47, v54;
	v47 =	vld [tilespmem:$0xA630];
	v5 =	vadd.s32 v39, v5  }
0x2d5: {  	[tilespmem:$0xB100] =	vst v11;
	v58 =	vnsel vm7, $0x100, v14;
	v49 =	vld [tilespmem:$0xA770];
	v4 =	vadd.s32 v48, v4;
	v5 =	vadd.s32 v40, v5  }
0x2d6: {  	[tilespmem:$0xB060] =	vst v43;
	v21 =	vadd.s32 v59, v21;
	v51 =	vld [tilespmem:$0xA8B0];
	v4 =	vadd.s32 v50, v4;
	v5 =	vadd.s32 v42, v5  }
0x2d7: {  	[tilespmem:$0xB0E0] =	vst v56;
	v21 =	vadd.s32 v60, v21;
	v4 =	vadd.s32 v52, v4;
	v52 =	vld [tilespmem:$0xA9F0];
	v5 =	vadd.s32 v44, v5  }
0x2d8: {  	[tilespmem:$0xB130] =	vst v62;
	v21 =	vadd.s32 v61, v21;
	v46 =	vnsel vm12, $0x100, v20;
	v54 =	vld [tilespmem:$0xAB30];
	v5 =	vadd.s32 v45, v5  }
0x2d9: {  	v33 =	vld [tilespmem:$0xADA0];
	[tilespmem:$0xB110] =	vst v3;
	v61 =	vnsel vm10, $0x100, v10;
	vm12 =	vlt.s32 v21, $0x100;
	v5 =	vadd.s32 v47, v5  }
0x2da: {  	v57 =	vld [tilespmem:$0xADB0];
	[tilespmem:$0xB0F0] =	vst v58;
	v48 =	vnsel vm13, $0x100, v17;
	v4 =	vadd.s32 v53, v4;
	v5 =	vadd.s32 v49, v5  }
0x2db: {  	v59 =	vld [tilespmem:$0xAEF0];
	[tilespmem:$0xB080] =	vst v46;
	vm13 =	vlt.s32 v2, $0x100;
	v4 =	vadd.s32 v63, v4;
	v5 =	vadd.s32 v51, v5  }
0x2dc: {  	v60 =	vld [tilespmem:$0xB030];
	[tilespmem:$0xB120] =	vst v61;
	vm0 =	vlt.s32 v38, $0x100;
	v4 =	vadd.s32 v29, v4;
	v5 =	vadd.s32 v52, v5  }
0x2dd: {  	[tilespmem:$0xB090] =	vst v48;
	v50 =	vnsel vm14, $0x100, v41;
	v4 =	vadd.s32 v30, v4;
	v5 =	vadd.s32 v54, v5  }
0x2de: {  	v2 =	vnsel vm13, $0x100, v2;
	[tilespmem:$0xB0A0] =	vst v50;
	v4 =	vadd.s32 v33, v4;
	v3 =	vadd.s32 v55, v5  }
0x2df: {  	v23 =	vnsel vm0, $0x100, v38;
	[tilespmem:$0xB150] =	vst v2;
	v4 =	vadd.s32 v34, v4;
	v3 =	vadd.s32 v57, v3  }
0x2e0: {  	[tilespmem:$0xB040] =	vst v23;
	v53 =	vnsel vm4, $0x100, v15;
	v4 =	vadd.s32 v35, v4;
	v3 =	vadd.s32 v59, v3  }
0x2e1: {  	[tilespmem:$0xB0C0] =	vst v53;
	v63 =	vnsel vm12, $0x100, v21;
	vm14 =	vlt.s32 v4, $0x100;
	v3 =	vadd.s32 v60, v3  }
0x2e2: {  	[tilespmem:$0xB140] =	vst v63;
	v2 =	vnsel vm14, $0x100, v4;
	vm15 =	vlt.s32 v3, $0x100  }
0x2e3: {  	[tilespmem:$0xB160] =	vst v2;
	v2 =	vnsel vm15, $0x100, v3  }
0x2e4: {  	s31 =	simm.s32 $0xB040;
	[tilespmem:$0xB170] =	vst v2  }
0x2e5: {  	[tilespmem:s29], [sflag:$0x2] =	stream.indirect.gather [hbm4b:s3+s1], $0x40, s31, s1, $0xb8;
	[tilespmem:$0x10180] =	vst v63  }
0x2e6: {  	s28 =	simm.s32 $0xB090;
	s31 =	simm.s32 $0xC580  }
0x2e7: {  	[tilespmem:s31], [sflag:$0x2] =	stream.indirect.gather [hbm4b:s3+s1], $0x40, s28, s1, $0xb8;
	[tilespmem:$0x10180] =	vst v63  }
0x2e8: {  	s28 =	simm.s32 $0xB0E0;
	s31 =	simm.s32 $0xD980  }
0x2e9: {  	[tilespmem:s31], [sflag:$0x2] =	stream.indirect.gather [hbm4b:s3+s1], $0x40, s28, s1, $0xb8;
	[tilespmem:$0x10180] =	vst v63  }
0x2ea: {  	s28 =	simm.s32 $0xB130;
	s31 =	simm.s32 $0xED80  }
0x2eb: {  	[tilespmem:s31], [sflag:$0x2] =	stream.indirect.gather [hbm4b:s3+s1], $0x40, s28, s1, $0xb8;
	[tilespmem:$0x10180] =	vst v63  }
0x2ec: {  	_ =	swait.ge [sflag:s24], $0x1400  }
0x2ed: {  	[sflag:s24] =	ssyncset.done $0x0  }
0x2ee: {  	[sflag:s24] =	ssyncadd.s32 $0xFFFFEC00  }
0x2ef: {  	_ =	swait.ge [sflag:s24], $0x1400  }
0x2f0: {  	[sflag:s24] =	ssyncset.done $0x0  }
0x2f1: {  	[sflag:s24] =	ssyncadd.s32 $0xFFFFEC00  }
0x2f2: {  	_ =	swait.ge [sflag:s24], $0x1400  }
0x2f3: {  	[sflag:s24] =	ssyncset.done $0x0  }
0x2f4: {  	[sflag:s24] =	ssyncadd.s32 $0xFFFFEC00  }
0x2f5: {  	s30 =	sadd.s32 $0x1, s30;
	_ =	swait.ge [sflag:s24], $0x1400  }
0x2f6: {  	p0 =	sne.s32 s30, s23;
	[sflag:s24] =	ssyncset.done $0x0  }
.Ltmp2:
0x2f7: {  	[sflag:s24] =	ssyncadd.s32 $0xFFFFEC00;
	(pc) =	sbr.rel @p0 .LBB2_1-.Ltmp2, $4  }
0x2f8: {  	[hbm4b:s22+s2] =	stream.linear.scatter [tilespmem:s29], [sflag:$0x3], $0x5000, $0x38;
	[tilespmem:$0x10180] =	vst v63  }
0x2f9: {  	_ =	swait.ge [sflag:s26], $0x5000  }
0x2fa: {  	[sflag:s26] =	ssyncset.done $0x0  }
0x2fb: {  	[sflag:s26] =	ssyncadd.s32 $0xFFFFB000  }
0x2fc: {  	_ =	sfence.sel $0x180000  }
0x2fd: {  	[bflag:$0x0] =	sbarrier.arrive $0xFFFF  }
0x2fe: {  	_ =	strace $0x90000047  }
0x2ff: {  	s0 =	stileid.u32;
	[bflag:$0x2] =	sbarrier.arrive $0xFFFF  }
0x300: {  	p0 =	sne.s32 s0, $0x0;
	s0 =	rddreg [dreg:$0x3]  }
0x301: {  	s0 =	sadd.s32 @!p0 $0x100000, s0  }
0x302: {  	[sflag:s0] =	ssyncadd.tile.s32 @!p0 $0x1;
	_ =	shalt  }
.Lfunc_end2:
_tile_overlayer_lowered:
.L_overlay_start_2:
0x303: {  	(tag) =	ssettag $0x2  }
0x304: {  	s0 =	rddreg [dreg:$0x0];
	s2 =	stileid.u32  }
0x305: {  	s1 =	rddreg [dreg:$0x1];
	p0 =	sne.s32 s2, $0x0  }
0x306: {  	s3 =	rddreg [dreg:$0x2];
	[bflag:$0x3] =	sbarrier.arrive $0xFFFF;
	s2 =	simm.s32 @!p0 $0x1C03  }
0x307: {  	[timem:s3], [sflag:s2] =	dma.local @!p0 [hbm:s0], s1  }
0x308: {  	s0 =	simm.s32 @!p0 $0x3  }
0x309: {  	_ =	swait.ge @!p0 [sflag:s0], s1  }
0x30a: {  	s1 =	ssub.s32 @!p0 $0x0, s1;
	[sflag:s0] =	ssyncset.done @!p0 $0x0  }
0x30b: {  	[sflag:s0] =	ssyncadd.s32 @!p0 s1  }
0x30c: {  	[bflag:$0x3] =	sbarrier.arrive $0xFFFF  }
0x30d: {  	_ =	shalt  }

</sc_bundles>
